<compile_context>
chip_gen: v7x
topology: tpu7x:2x2x1
jax: 0.10.2.dev20260603
libtpu: 0.0.44.dev20260713+nightly
codegen_flags: <defaults>
</compile_context>

<pallas_src>
import functools

import jax
import jax.numpy as jnp
from jax import lax
from jax.experimental import pallas as pl
from jax.experimental.pallas import tpu as pltpu
from jax.experimental.pallas import tpu_sc as plsc

VOCAB = 100000
D = 128
B = 16384
T = 6
BF = B * T
NC, NS, L = 2, 16, 16
NW = NC * NS
BPW = BF // NW
CH = 256
NCH = BPW // CH
NVD = D // L


def _sc_body(idx_hbm, table_hbm, out_hbm, idx_v, rows_v, g0, g1, o0, o1):
    wid = lax.axis_index("s") * NC + lax.axis_index("c")
    base = wid * BPW
    pltpu.sync_copy(idx_hbm.at[pl.ds(base, BPW)], idx_v)
    gsem = (g0, g1)
    osem = (o0, o1)

    def start_gather(c, b):
        return pltpu.async_copy(
            table_hbm.at[idx_v.at[pl.ds(c * CH, CH)]], rows_v.at[b], gsem[b]
        )

    def relu_buf(b):
        def relu_row(r, carry):
            for j in range(NVD):
                v = rows_v[b, r, pl.ds(j * L, L)]
                rows_v[b, r, pl.ds(j * L, L)] = jnp.maximum(v, 0.0)
            return carry

        lax.fori_loop(0, CH, relu_row, 0)

    out_h = [None, None]
    g_h = [None, None]
    g_h[0] = start_gather(0, 0)
    for c in range(NCH):
        b = c & 1
        if c + 1 < NCH:
            nb = (c + 1) & 1
            if out_h[nb] is not None:
                out_h[nb].wait()
                out_h[nb] = None
            g_h[nb] = start_gather(c + 1, nb)
        g_h[b].wait()
        relu_buf(b)
        out_h[b] = pltpu.async_copy(
            rows_v.at[b], out_hbm.at[pl.ds(base + c * CH, CH)], osem[b]
        )
    for h in out_h:
        if h is not None:
            h.wait()


@jax.jit
def _sc_gather_relu(idx, table):
    mesh = plsc.VectorSubcoreMesh(core_axis_name="c", subcore_axis_name="s")
    f = functools.partial(
        pl.kernel,
        mesh=mesh,
        out_type=jax.ShapeDtypeStruct((BF, D), jnp.float32),
        scratch_types=[
            pltpu.VMEM((BPW,), jnp.int32),
            pltpu.VMEM((2, CH, D), jnp.float32),
            pltpu.SemaphoreType.DMA,
            pltpu.SemaphoreType.DMA,
            pltpu.SemaphoreType.DMA,
            pltpu.SemaphoreType.DMA,
        ],
    )(_sc_body)
    return f(idx, table)


def kernel(inputs, table):
    idx = inputs.reshape(BF)
    out = _sc_gather_relu(idx, table)
    return out.reshape(B, T * D)

# --- scband reference (transcript-rebuilt; emitter-appended) ---
"""Pipeline reference for scband-dependency-model-29978871726644 (READ-ONLY COPY).

The authoritative reference and input builder live on the scoring server;
editing this copy changes nothing except your own understanding.
"""

import jax, jax.numpy as jnp
import numpy as np

VOCAB = 100000
EMBED_DIM = 128
BATCH = 16384
TOKENS = 6

def setup_inputs(seed: int = 0) -> dict:
    key = jax.random.key(seed)
    k1, k2 = jax.random.split(key)
    inputs = jax.random.randint(k1, (BATCH, TOKENS), 0, VOCAB, dtype=jnp.int32)
    table = jax.random.normal(k2, (VOCAB, EMBED_DIM), dtype=jnp.float32)
    return {"inputs": inputs, "table": table}

def reference(inputs, table):
    # embedding lookup (gather)
    embedded = jnp.take(table, inputs, axis=0)  # [B, 6, 128]
    # concatenate the 6 token embeddings per sample -> 768 features
    concatenated = embedded.reshape(inputs.shape[0], TOKENS * EMBED_DIM)  # [B, 768]
    # ReLU activation (the original's np.multiple(..., relu) is a bug; intended op is ReLU)
    return jax.nn.relu(concatenated)

if __name__ == "__main__":
    import jax
    _d = setup_inputs()
    print(jax.jit(kernel)(*tuple(_d.values())))

</pallas_src>

<mosaic_0001>
#map = affine_map<(d0, d1) -> (0)>
#map1 = affine_map<(d0, d1) -> (0, 0)>
module attributes {stable_mosaic.version = 14 : i64} {
  func.func @_sc_body(%arg0: i32, %arg1: i32, %arg2: memref<98304xi32, #tpu.memory_space<hbm>>, %arg3: memref<100000x128xf32, #tpu.memory_space<hbm>>, %arg4: memref<98304x128xf32, #tpu.memory_space<hbm>>, %arg5: memref<3072xi32, #tpu.memory_space<vmem>>, %arg6: memref<2x256x128xf32, #tpu.memory_space<vmem>>, %arg7: memref<!tpu.dma_semaphore, #tpu.memory_space<semaphore_mem>>, %arg8: memref<!tpu.dma_semaphore, #tpu.memory_space<semaphore_mem>>, %arg9: memref<!tpu.dma_semaphore, #tpu.memory_space<semaphore_mem>>, %arg10: memref<!tpu.dma_semaphore, #tpu.memory_space<semaphore_mem>>) attributes {dimension_semantics = [#tpu.dimension_semantics<core_parallel>, #tpu.dimension_semantics<subcore_parallel>], iteration_bounds = array<i64: 2, 16>, scalar_prefetch = 0 : i64, scratch_operands = 6 : i64, tpu.core_type = #tpu.core_type<sc_vector_subcore>, window_params = [{transform_indices = #map}, {transform_indices = #map1}, {transform_indices = #map1}]} {
    %mul3A = arith.constant 2 : i32
    %mul3A_0 = arith.muli %arg1, %mul3A : i32
    %add3A = arith.addi %mul3A_0, %arg0 : i32
    %mul3A_1 = arith.constant 3072 : i32
    %mul3A_2 = arith.muli %add3A, %mul3A_1 : i32
    "tpu.region"() ({
      %run_scoped3A = tpu.sem_alloc : memref<!tpu.dma_semaphore, #tpu.memory_space<semaphore_mem>>
      %dma_start3A_648 = tpu.memref_slice %arg2[%mul3A_2] : memref<98304xi32, #tpu.memory_space<hbm>> -> memref<3072xi32, #tpu.memory_space<hbm>>
      %dma_start3A_649 = tpu.memref_slice %arg2[%mul3A_2] : memref<98304xi32, #tpu.memory_space<hbm>> -> memref<3072xi32, #tpu.memory_space<hbm>>
      tpu.enqueue_dma source(%dma_start3A_649 : memref<3072xi32, #tpu.memory_space<hbm>>) target(%arg5 : memref<3072xi32, #tpu.memory_space<vmem>>) target_semaphore(%run_scoped3A : memref<!tpu.dma_semaphore, #tpu.memory_space<semaphore_mem>>)
      %dma_wait3A_650 = tpu.memref_slice %arg2[%mul3A_2] : memref<98304xi32, #tpu.memory_space<hbm>> -> memref<3072xi32, #tpu.memory_space<hbm>>
      %dma_wait3A_651 = tpu.memref_slice %arg2[%mul3A_2] : memref<98304xi32, #tpu.memory_space<hbm>> -> memref<3072xi32, #tpu.memory_space<hbm>>
      tpu.wait_dma2 semaphore(%run_scoped3A : memref<!tpu.dma_semaphore, #tpu.memory_space<semaphore_mem>>) src(%dma_wait3A_651 : memref<3072xi32, #tpu.memory_space<hbm>>) dst(%arg5 : memref<3072xi32, #tpu.memory_space<vmem>>)
      tpu.yield
    }) : () -> ()
    %dma_start3A = arith.constant 0 : i32
    %dma_start3A_3 = arith.constant 0 : i32
    %dma_start3A_4 = arith.constant 0 : i32
    %dma_start3A_5 = tpu.memref_slice %arg6[%dma_start3A, %dma_start3A_3, %dma_start3A_4] : memref<2x256x128xf32, #tpu.memory_space<vmem>> -> memref<1x256x128xf32, #tpu.memory_space<vmem>>
    %dma_start3A_6 = tpu.memref_squeeze %dma_start3A_5 : memref<1x256x128xf32, #tpu.memory_space<vmem>> -> memref<256x128xf32, #tpu.memory_space<vmem>>
    %dma_start3A_7 = arith.constant 0 : i32
    %dma_start3A_8 = tpu.memref_slice %arg5[%dma_start3A_7] : memref<3072xi32, #tpu.memory_space<vmem>> -> memref<256xi32, #tpu.memory_space<vmem>>
    %dma_start3A_9 = arith.constant 0 : i32
    %dma_start3A_10 = arith.constant 0 : i32
    %dma_start3A_11 = tpu.memref_slice %arg3[%dma_start3A_9, %dma_start3A_10] : memref<100000x128xf32, #tpu.memory_space<hbm>> -> memref<100000x128xf32, #tpu.memory_space<hbm>>
    tpu.enqueue_indirect_dma source(%dma_start3A_11 : memref<100000x128xf32, #tpu.memory_space<hbm>>) target(%dma_start3A_6 : memref<256x128xf32, #tpu.memory_space<vmem>>) offsets(%dma_start3A_8 : memref<256xi32, #tpu.memory_space<vmem>>) semaphore(%arg7 : memref<!tpu.dma_semaphore, #tpu.memory_space<semaphore_mem>>)
    %dma_start3A_12 = arith.constant 1 : i32
    %dma_start3A_13 = arith.constant 0 : i32
    %dma_start3A_14 = arith.constant 0 : i32
    %dma_start3A_15 = tpu.memref_slice %arg6[%dma_start3A_12, %dma_start3A_13, %dma_start3A_14] : memref<2x256x128xf32, #tpu.memory_space<vmem>> -> memref<1x256x128xf32, #tpu.memory_space<vmem>>
    %dma_start3A_16 = tpu.memref_squeeze %dma_start3A_15 : memref<1x256x128xf32, #tpu.memory_space<vmem>> -> memref<256x128xf32, #tpu.memory_space<vmem>>
    %dma_start3A_17 = arith.constant 256 : i32
    %dma_start3A_18 = tpu.memref_slice %arg5[%dma_start3A_17] : memref<3072xi32, #tpu.memory_space<vmem>> -> memref<256xi32, #tpu.memory_space<vmem>>
    %dma_start3A_19 = arith.constant 0 : i32
    %dma_start3A_20 = arith.constant 0 : i32
    %dma_start3A_21 = tpu.memref_slice %arg3[%dma_start3A_19, %dma_start3A_20] : memref<100000x128xf32, #tpu.memory_space<hbm>> -> memref<100000x128xf32, #tpu.memory_space<hbm>>
    tpu.enqueue_indirect_dma source(%dma_start3A_21 : memref<100000x128xf32, #tpu.memory_space<hbm>>) target(%dma_start3A_16 : memref<256x128xf32, #tpu.memory_space<vmem>>) offsets(%dma_start3A_18 : memref<256xi32, #tpu.memory_space<vmem>>) semaphore(%arg8 : memref<!tpu.dma_semaphore, #tpu.memory_space<semaphore_mem>>)
    %dma_wait3A = arith.constant 0 : i32
    %dma_wait3A_22 = arith.constant 0 : i32
    %dma_wait3A_23 = arith.constant 0 : i32
    %dma_wait3A_24 = tpu.memref_slice %arg6[%dma_wait3A, %dma_wait3A_22, %dma_wait3A_23] : memref<2x256x128xf32, #tpu.memory_space<vmem>> -> memref<1x256x128xf32, #tpu.memory_space<vmem>>
    %dma_wait3A_25 = tpu.memref_squeeze %dma_wait3A_24 : memref<1x256x128xf32, #tpu.memory_space<vmem>> -> memref<256x128xf32, #tpu.memory_space<vmem>>
    %dma_wait3A_26 = arith.constant 0 : i32
    %dma_wait3A_27 = tpu.memref_slice %arg5[%dma_wait3A_26] : memref<3072xi32, #tpu.memory_space<vmem>> -> memref<256xi32, #tpu.memory_space<vmem>>
    %dma_wait3A_28 = arith.constant 0 : i32
    %dma_wait3A_29 = arith.constant 0 : i32
    %dma_wait3A_30 = tpu.memref_slice %arg3[%dma_wait3A_28, %dma_wait3A_29] : memref<100000x128xf32, #tpu.memory_space<hbm>> -> memref<100000x128xf32, #tpu.memory_space<hbm>>
    tpu.wait_indirect_dma semaphore(%arg7 : memref<!tpu.dma_semaphore, #tpu.memory_space<semaphore_mem>>) src(%dma_wait3A_30 : memref<100000x128xf32, #tpu.memory_space<hbm>>) dst(%dma_wait3A_25 : memref<256x128xf32, #tpu.memory_space<vmem>>)
    %scan3A = arith.constant 0 : i32
    %scan3A_31 = arith.constant 0 : i32
    %scan3A_32 = arith.constant 256 : i32
    %scan3A_33 = arith.addi %scan3A_31, %scan3A_32 : i32
    %scan3A_34 = arith.constant 1 : i32
    scf.for %scan3A_648 = %scan3A_31 to %scan3A_33 step %scan3A_34  : i32 {
      %get3A = arith.constant 0 : i32
      %get3A_649 = arith.index_cast %get3A : i32 to index
      %get3A_650 = arith.index_cast %scan3A_648 : i32 to index
      %get3A_651 = arith.constant 0 : index
      %get3A_652 = tpu.vector_load %arg6[%get3A_649, %get3A_650, %get3A_651] {strides = array<i32>} : memref<2x256x128xf32, #tpu.memory_space<vmem>>, vector<1x1x16xf32>,
      %get3A_653 = vector.shape_cast %get3A_652 : vector<1x1x16xf32> to vector<16xf32>
      %max3A = arith.constant 0.000000e+00 : f32
      %max3A_654 = vector.broadcast %max3A : f32 to vector<16xf32>
      %max3A_655 = arith.maximumf %get3A_653, %max3A_654 : vector<16xf32>
      %swap3A = arith.constant 0 : i32
      %swap3A_656 = arith.index_cast %swap3A : i32 to index
      %swap3A_657 = arith.index_cast %scan3A_648 : i32 to index
      %swap3A_658 = arith.constant 0 : index
      %swap3A_659 = tpu.vector_load %arg6[%swap3A_656, %swap3A_657, %swap3A_658] {strides = array<i32>} : memref<2x256x128xf32, #tpu.memory_space<vmem>>, vector<1x1x16xf32>,
      %swap3A_660 = vector.shape_cast %swap3A_659 : vector<1x1x16xf32> to vector<16xf32>
      %swap3A_661 = vector.shape_cast %max3A_655 : vector<16xf32> to vector<1x1x16xf32>
      tpu.vector_store %arg6[%swap3A_656, %swap3A_657, %swap3A_658], %swap3A_661 {strides = array<i32>} : memref<2x256x128xf32, #tpu.memory_space<vmem>>, vector<1x1x16xf32>,
      %get3A_662 = arith.constant 0 : i32
      %get3A_663 = arith.index_cast %get3A_662 : i32 to index
      %get3A_664 = arith.index_cast %scan3A_648 : i32 to index
      %get3A_665 = arith.constant 16 : index
      %get3A_666 = tpu.vector_load %arg6[%get3A_663, %get3A_664, %get3A_665] {strides = array<i32>} : memref<2x256x128xf32, #tpu.memory_space<vmem>>, vector<1x1x16xf32>,
      %get3A_667 = vector.shape_cast %get3A_666 : vector<1x1x16xf32> to vector<16xf32>
      %max3A_668 = arith.constant 0.000000e+00 : f32
      %max3A_669 = vector.broadcast %max3A_668 : f32 to vector<16xf32>
      %max3A_670 = arith.maximumf %get3A_667, %max3A_669 : vector<16xf32>
      %swap3A_671 = arith.constant 0 : i32
      %swap3A_672 = arith.index_cast %swap3A_671 : i32 to index
      %swap3A_673 = arith.index_cast %scan3A_648 : i32 to index
      %swap3A_674 = arith.constant 16 : index
      %swap3A_675 = tpu.vector_load %arg6[%swap3A_672, %swap3A_673, %swap3A_674] {strides = array<i32>} : memref<2x256x128xf32, #tpu.memory_space<vmem>>, vector<1x1x16xf32>,
      %swap3A_676 = vector.shape_cast %swap3A_675 : vector<1x1x16xf32> to vector<16xf32>
      %swap3A_677 = vector.shape_cast %max3A_670 : vector<16xf32> to vector<1x1x16xf32>
      tpu.vector_store %arg6[%swap3A_672, %swap3A_673, %swap3A_674], %swap3A_677 {strides = array<i32>} : memref<2x256x128xf32, #tpu.memory_space<vmem>>, vector<1x1x16xf32>,
      %get3A_678 = arith.constant 0 : i32
      %get3A_679 = arith.index_cast %get3A_678 : i32 to index
      %get3A_680 = arith.index_cast %scan3A_648 : i32 to index
      %get3A_681 = arith.constant 32 : index
      %get3A_682 = tpu.vector_load %arg6[%get3A_679, %get3A_680, %get3A_681] {strides = array<i32>} : memref<2x256x128xf32, #tpu.memory_space<vmem>>, vector<1x1x16xf32>,
      %get3A_683 = vector.shape_cast %get3A_682 : vector<1x1x16xf32> to vector<16xf32>
      %max3A_684 = arith.constant 0.000000e+00 : f32
      %max3A_685 = vector.broadcast %max3A_684 : f32 to vector<16xf32>
      %max3A_686 = arith.maximumf %get3A_683, %max3A_685 : vector<16xf32>
      %swap3A_687 = arith.constant 0 : i32
      %swap3A_688 = arith.index_cast %swap3A_687 : i32 to index
      %swap3A_689 = arith.index_cast %scan3A_648 : i32 to index
      %swap3A_690 = arith.constant 32 : index
      %swap3A_691 = tpu.vector_load %arg6[%swap3A_688, %swap3A_689, %swap3A_690] {strides = array<i32>} : memref<2x256x128xf32, #tpu.memory_space<vmem>>, vector<1x1x16xf32>,
      %swap3A_692 = vector.shape_cast %swap3A_691 : vector<1x1x16xf32> to vector<16xf32>
      %swap3A_693 = vector.shape_cast %max3A_686 : vector<16xf32> to vector<1x1x16xf32>
      tpu.vector_store %arg6[%swap3A_688, %swap3A_689, %swap3A_690], %swap3A_693 {strides = array<i32>} : memref<2x256x128xf32, #tpu.memory_space<vmem>>, vector<1x1x16xf32>,
      %get3A_694 = arith.constant 0 : i32
      %get3A_695 = arith.index_cast %get3A_694 : i32 to index
      %get3A_696 = arith.index_cast %scan3A_648 : i32 to index
      %get3A_697 = arith.constant 48 : index
      %get3A_698 = tpu.vector_load %arg6[%get3A_695, %get3A_696, %get3A_697] {strides = array<i32>} : memref<2x256x128xf32, #tpu.memory_space<vmem>>, vector<1x1x16xf32>,
      %get3A_699 = vector.shape_cast %get3A_698 : vector<1x1x16xf32> to vector<16xf32>
      %max3A_700 = arith.constant 0.000000e+00 : f32
      %max3A_701 = vector.broadcast %max3A_700 : f32 to vector<16xf32>
      %max3A_702 = arith.maximumf %get3A_699, %max3A_701 : vector<16xf32>
      %swap3A_703 = arith.constant 0 : i32
      %swap3A_704 = arith.index_cast %swap3A_703 : i32 to index
      %swap3A_705 = arith.index_cast %scan3A_648 : i32 to index
      %swap3A_706 = arith.constant 48 : index
      %swap3A_707 = tpu.vector_load %arg6[%swap3A_704, %swap3A_705, %swap3A_706] {strides = array<i32>} : memref<2x256x128xf32, #tpu.memory_space<vmem>>, vector<1x1x16xf32>,
      %swap3A_708 = vector.shape_cast %swap3A_707 : vector<1x1x16xf32> to vector<16xf32>
      %swap3A_709 = vector.shape_cast %max3A_702 : vector<16xf32> to vector<1x1x16xf32>
      tpu.vector_store %arg6[%swap3A_704, %swap3A_705, %swap3A_706], %swap3A_709 {strides = array<i32>} : memref<2x256x128xf32, #tpu.memory_space<vmem>>, vector<1x1x16xf32>,
      %get3A_710 = arith.constant 0 : i32
      %get3A_711 = arith.index_cast %get3A_710 : i32 to index
      %get3A_712 = arith.index_cast %scan3A_648 : i32 to index
      %get3A_713 = arith.constant 64 : index
      %get3A_714 = tpu.vector_load %arg6[%get3A_711, %get3A_712, %get3A_713] {strides = array<i32>} : memref<2x256x128xf32, #tpu.memory_space<vmem>>, vector<1x1x16xf32>,
      %get3A_715 = vector.shape_cast %get3A_714 : vector<1x1x16xf32> to vector<16xf32>
      %max3A_716 = arith.constant 0.000000e+00 : f32
      %max3A_717 = vector.broadcast %max3A_716 : f32 to vector<16xf32>
      %max3A_718 = arith.maximumf %get3A_715, %max3A_717 : vector<16xf32>
      %swap3A_719 = arith.constant 0 : i32
      %swap3A_720 = arith.index_cast %swap3A_719 : i32 to index
      %swap3A_721 = arith.index_cast %scan3A_648 : i32 to index
      %swap3A_722 = arith.constant 64 : index
      %swap3A_723 = tpu.vector_load %arg6[%swap3A_720, %swap3A_721, %swap3A_722] {strides = array<i32>} : memref<2x256x128xf32, #tpu.memory_space<vmem>>, vector<1x1x16xf32>,
      %swap3A_724 = vector.shape_cast %swap3A_723 : vector<1x1x16xf32> to vector<16xf32>
      %swap3A_725 = vector.shape_cast %max3A_718 : vector<16xf32> to vector<1x1x16xf32>
      tpu.vector_store %arg6[%swap3A_720, %swap3A_721, %swap3A_722], %swap3A_725 {strides = array<i32>} : memref<2x256x128xf32, #tpu.memory_space<vmem>>, vector<1x1x16xf32>,
      %get3A_726 = arith.constant 0 : i32
      %get3A_727 = arith.index_cast %get3A_726 : i32 to index
      %get3A_728 = arith.index_cast %scan3A_648 : i32 to index
      %get3A_729 = arith.constant 80 : index
      %get3A_730 = tpu.vector_load %arg6[%get3A_727, %get3A_728, %get3A_729] {strides = array<i32>} : memref<2x256x128xf32, #tpu.memory_space<vmem>>, vector<1x1x16xf32>,
      %get3A_731 = vector.shape_cast %get3A_730 : vector<1x1x16xf32> to vector<16xf32>
      %max3A_732 = arith.constant 0.000000e+00 : f32
      %max3A_733 = vector.broadcast %max3A_732 : f32 to vector<16xf32>
      %max3A_734 = arith.maximumf %get3A_731, %max3A_733 : vector<16xf32>
      %swap3A_735 = arith.constant 0 : i32
      %swap3A_736 = arith.index_cast %swap3A_735 : i32 to index
      %swap3A_737 = arith.index_cast %scan3A_648 : i32 to index
      %swap3A_738 = arith.constant 80 : index
      %swap3A_739 = tpu.vector_load %arg6[%swap3A_736, %swap3A_737, %swap3A_738] {strides = array<i32>} : memref<2x256x128xf32, #tpu.memory_space<vmem>>, vector<1x1x16xf32>,
      %swap3A_740 = vector.shape_cast %swap3A_739 : vector<1x1x16xf32> to vector<16xf32>
      %swap3A_741 = vector.shape_cast %max3A_734 : vector<16xf32> to vector<1x1x16xf32>
      tpu.vector_store %arg6[%swap3A_736, %swap3A_737, %swap3A_738], %swap3A_741 {strides = array<i32>} : memref<2x256x128xf32, #tpu.memory_space<vmem>>, vector<1x1x16xf32>,
      %get3A_742 = arith.constant 0 : i32
      %get3A_743 = arith.index_cast %get3A_742 : i32 to index
      %get3A_744 = arith.index_cast %scan3A_648 : i32 to index
      %get3A_745 = arith.constant 96 : index
      %get3A_746 = tpu.vector_load %arg6[%get3A_743, %get3A_744, %get3A_745] {strides = array<i32>} : memref<2x256x128xf32, #tpu.memory_space<vmem>>, vector<1x1x16xf32>,
      %get3A_747 = vector.shape_cast %get3A_746 : vector<1x1x16xf32> to vector<16xf32>
      %max3A_748 = arith.constant 0.000000e+00 : f32
      %max3A_749 = vector.broadcast %max3A_748 : f32 to vector<16xf32>
      %max3A_750 = arith.maximumf %get3A_747, %max3A_749 : vector<16xf32>
      %swap3A_751 = arith.constant 0 : i32
      %swap3A_752 = arith.index_cast %swap3A_751 : i32 to index
      %swap3A_753 = arith.index_cast %scan3A_648 : i32 to index
      %swap3A_754 = arith.constant 96 : index
      %swap3A_755 = tpu.vector_load %arg6[%swap3A_752, %swap3A_753, %swap3A_754] {strides = array<i32>} : memref<2x256x128xf32, #tpu.memory_space<vmem>>, vector<1x1x16xf32>,
      %swap3A_756 = vector.shape_cast %swap3A_755 : vector<1x1x16xf32> to vector<16xf32>
      %swap3A_757 = vector.shape_cast %max3A_750 : vector<16xf32> to vector<1x1x16xf32>
      tpu.vector_store %arg6[%swap3A_752, %swap3A_753, %swap3A_754], %swap3A_757 {strides = array<i32>} : memref<2x256x128xf32, #tpu.memory_space<vmem>>, vector<1x1x16xf32>,
      %get3A_758 = arith.constant 0 : i32
      %get3A_759 = arith.index_cast %get3A_758 : i32 to index
      %get3A_760 = arith.index_cast %scan3A_648 : i32 to index
      %get3A_761 = arith.constant 112 : index
      %get3A_762 = tpu.vector_load %arg6[%get3A_759, %get3A_760, %get3A_761] {strides = array<i32>} : memref<2x256x128xf32, #tpu.memory_space<vmem>>, vector<1x1x16xf32>,
      %get3A_763 = vector.shape_cast %get3A_762 : vector<1x1x16xf32> to vector<16xf32>
      %max3A_764 = arith.constant 0.000000e+00 : f32
      %max3A_765 = vector.broadcast %max3A_764 : f32 to vector<16xf32>
      %max3A_766 = arith.maximumf %get3A_763, %max3A_765 : vector<16xf32>
      %swap3A_767 = arith.constant 0 : i32
      %swap3A_768 = arith.index_cast %swap3A_767 : i32 to index
      %swap3A_769 = arith.index_cast %scan3A_648 : i32 to index
      %swap3A_770 = arith.constant 112 : index
      %swap3A_771 = tpu.vector_load %arg6[%swap3A_768, %swap3A_769, %swap3A_770] {strides = array<i32>} : memref<2x256x128xf32, #tpu.memory_space<vmem>>, vector<1x1x16xf32>,
      %swap3A_772 = vector.shape_cast %swap3A_771 : vector<1x1x16xf32> to vector<16xf32>
      %swap3A_773 = vector.shape_cast %max3A_766 : vector<16xf32> to vector<1x1x16xf32>
      tpu.vector_store %arg6[%swap3A_768, %swap3A_769, %swap3A_770], %swap3A_773 {strides = array<i32>} : memref<2x256x128xf32, #tpu.memory_space<vmem>>, vector<1x1x16xf32>,
    }
    %scan3A_35 = arith.constant 256 : i32
    %add3A_36 = arith.constant 0 : i32
    %add3A_37 = arith.addi %mul3A_2, %add3A_36 : i32
    %dma_start3A_38 = arith.constant 0 : i32
    %dma_start3A_39 = arith.constant 0 : i32
    %dma_start3A_40 = arith.constant 0 : i32
    %dma_start3A_41 = tpu.memref_slice %arg6[%dma_start3A_38, %dma_start3A_39, %dma_start3A_40] : memref<2x256x128xf32, #tpu.memory_space<vmem>> -> memref<1x256x128xf32, #tpu.memory_space<vmem>>
    %dma_start3A_42 = tpu.memref_squeeze %dma_start3A_41 : memref<1x256x128xf32, #tpu.memory_space<vmem>> -> memref<256x128xf32, #tpu.memory_space<vmem>>
    %dma_start3A_43 = arith.constant 0 : i32
    %dma_start3A_44 = tpu.memref_slice %arg4[%add3A_37, %dma_start3A_43] : memref<98304x128xf32, #tpu.memory_space<hbm>> -> memref<256x128xf32, #tpu.memory_space<hbm>>
    %dma_start3A_45 = arith.constant 0 : i32
    %dma_start3A_46 = tpu.memref_slice %arg4[%add3A_37, %dma_start3A_45] : memref<98304x128xf32, #tpu.memory_space<hbm>> -> memref<256x128xf32, #tpu.memory_space<hbm>>
    %dma_start3A_47 = arith.constant 0 : i32
    %dma_start3A_48 = arith.constant 0 : i32
    %dma_start3A_49 = tpu.memref_slice %arg6[%dma_start3A_38, %dma_start3A_47, %dma_start3A_48] : memref<2x256x128xf32, #tpu.memory_space<vmem>> -> memref<1x256x128xf32, #tpu.memory_space<vmem>>
    %dma_start3A_50 = tpu.memref_squeeze %dma_start3A_49 : memref<1x256x128xf32, #tpu.memory_space<vmem>> -> memref<256x128xf32, #tpu.memory_space<vmem>>
    tpu.enqueue_dma source(%dma_start3A_50 : memref<256x128xf32, #tpu.memory_space<vmem>>) target(%dma_start3A_46 : memref<256x128xf32, #tpu.memory_space<hbm>>) target_semaphore(%arg9 : memref<!tpu.dma_semaphore, #tpu.memory_space<semaphore_mem>>)
    %dma_wait3A_51 = arith.constant 0 : i32
    %dma_wait3A_52 = arith.constant 0 : i32
    %dma_wait3A_53 = arith.constant 0 : i32
    %dma_wait3A_54 = tpu.memref_slice %arg6[%dma_wait3A_51, %dma_wait3A_52, %dma_wait3A_53] : memref<2x256x128xf32, #tpu.memory_space<vmem>> -> memref<1x256x128xf32, #tpu.memory_space<vmem>>
    %dma_wait3A_55 = tpu.memref_squeeze %dma_wait3A_54 : memref<1x256x128xf32, #tpu.memory_space<vmem>> -> memref<256x128xf32, #tpu.memory_space<vmem>>
    %dma_wait3A_56 = arith.constant 0 : i32
    %dma_wait3A_57 = tpu.memref_slice %arg4[%add3A_37, %dma_wait3A_56] : memref<98304x128xf32, #tpu.memory_space<hbm>> -> memref<256x128xf32, #tpu.memory_space<hbm>>
    %dma_wait3A_58 = arith.constant 0 : i32
    %dma_wait3A_59 = tpu.memref_slice %arg4[%add3A_37, %dma_wait3A_58] : memref<98304x128xf32, #tpu.memory_space<hbm>> -> memref<256x128xf32, #tpu.memory_space<hbm>>
    %dma_wait3A_60 = arith.constant 0 : i32
    %dma_wait3A_61 = arith.constant 0 : i32
    %dma_wait3A_62 = tpu.memref_slice %arg6[%dma_wait3A_51, %dma_wait3A_60, %dma_wait3A_61] : memref<2x256x128xf32, #tpu.memory_space<vmem>> -> memref<1x256x128xf32, #tpu.memory_space<vmem>>
    %dma_wait3A_63 = tpu.memref_squeeze %dma_wait3A_62 : memref<1x256x128xf32, #tpu.memory_space<vmem>> -> memref<256x128xf32, #tpu.memory_space<vmem>>
    tpu.wait_dma2 semaphore(%arg9 : memref<!tpu.dma_semaphore, #tpu.memory_space<semaphore_mem>>) src(%dma_wait3A_63 : memref<256x128xf32, #tpu.memory_space<vmem>>) dst(%dma_wait3A_59 : memref<256x128xf32, #tpu.memory_space<hbm>>)
    %dma_start3A_64 = arith.constant 0 : i32
    %dma_start3A_65 = arith.constant 0 : i32
    %dma_start3A_66 = arith.constant 0 : i32
    %dma_start3A_67 = tpu.memref_slice %arg6[%dma_start3A_64, %dma_start3A_65, %dma_start3A_66] : memref<2x256x128xf32, #tpu.memory_space<vmem>> -> memref<1x256x128xf32, #tpu.memory_space<vmem>>
    %dma_start3A_68 = tpu.memref_squeeze %dma_start3A_67 : memref<1x256x128xf32, #tpu.memory_space<vmem>> -> memref<256x128xf32, #tpu.memory_space<vmem>>
    %dma_start3A_69 = arith.constant 512 : i32
    %dma_start3A_70 = tpu.memref_slice %arg5[%dma_start3A_69] : memref<3072xi32, #tpu.memory_space<vmem>> -> memref<256xi32, #tpu.memory_space<vmem>>
    %dma_start3A_71 = arith.constant 0 : i32
    %dma_start3A_72 = arith.constant 0 : i32
    %dma_start3A_73 = tpu.memref_slice %arg3[%dma_start3A_71, %dma_start3A_72] : memref<100000x128xf32, #tpu.memory_space<hbm>> -> memref<100000x128xf32, #tpu.memory_space<hbm>>
    tpu.enqueue_indirect_dma source(%dma_start3A_73 : memref<100000x128xf32, #tpu.memory_space<hbm>>) target(%dma_start3A_68 : memref<256x128xf32, #tpu.memory_space<vmem>>) offsets(%dma_start3A_70 : memref<256xi32, #tpu.memory_space<vmem>>) semaphore(%arg7 : memref<!tpu.dma_semaphore, #tpu.memory_space<semaphore_mem>>)
    %dma_wait3A_74 = arith.constant 1 : i32
    %dma_wait3A_75 = arith.constant 0 : i32
    %dma_wait3A_76 = arith.constant 0 : i32
    %dma_wait3A_77 = tpu.memref_slice %arg6[%dma_wait3A_74, %dma_wait3A_75, %dma_wait3A_76] : memref<2x256x128xf32, #tpu.memory_space<vmem>> -> memref<1x256x128xf32, #tpu.memory_space<vmem>>
    %dma_wait3A_78 = tpu.memref_squeeze %dma_wait3A_77 : memref<1x256x128xf32, #tpu.memory_space<vmem>> -> memref<256x128xf32, #tpu.memory_space<vmem>>
    %dma_wait3A_79 = arith.constant 256 : i32
    %dma_wait3A_80 = tpu.memref_slice %arg5[%dma_wait3A_79] : memref<3072xi32, #tpu.memory_space<vmem>> -> memref<256xi32, #tpu.memory_space<vmem>>
    %dma_wait3A_81 = arith.constant 0 : i32
    %dma_wait3A_82 = arith.constant 0 : i32
    %dma_wait3A_83 = tpu.memref_slice %arg3[%dma_wait3A_81, %dma_wait3A_82] : memref<100000x128xf32, #tpu.memory_space<hbm>> -> memref<100000x128xf32, #tpu.memory_space<hbm>>
    tpu.wait_indirect_dma semaphore(%arg8 : memref<!tpu.dma_semaphore, #tpu.memory_space<semaphore_mem>>) src(%dma_wait3A_83 : memref<100000x128xf32, #tpu.memory_space<hbm>>) dst(%dma_wait3A_78 : memref<256x128xf32, #tpu.memory_space<vmem>>)
    %scan3A_84 = arith.constant 0 : i32
    %scan3A_85 = arith.constant 0 : i32
    %scan3A_86 = arith.constant 256 : i32
    %scan3A_87 = arith.addi %scan3A_85, %scan3A_86 : i32
    %scan3A_88 = arith.constant 1 : i32
    scf.for %scan3A_648 = %scan3A_85 to %scan3A_87 step %scan3A_88  : i32 {
      %get3A = arith.constant 1 : i32
      %get3A_649 = arith.index_cast %get3A : i32 to index
      %get3A_650 = arith.index_cast %scan3A_648 : i32 to index
      %get3A_651 = arith.constant 0 : index
      %get3A_652 = tpu.vector_load %arg6[%get3A_649, %get3A_650, %get3A_651] {strides = array<i32>} : memref<2x256x128xf32, #tpu.memory_space<vmem>>, vector<1x1x16xf32>,
      %get3A_653 = vector.shape_cast %get3A_652 : vector<1x1x16xf32> to vector<16xf32>
      %max3A = arith.constant 0.000000e+00 : f32
      %max3A_654 = vector.broadcast %max3A : f32 to vector<16xf32>
      %max3A_655 = arith.maximumf %get3A_653, %max3A_654 : vector<16xf32>
      %swap3A = arith.constant 1 : i32
      %swap3A_656 = arith.index_cast %swap3A : i32 to index
      %swap3A_657 = arith.index_cast %scan3A_648 : i32 to index
      %swap3A_658 = arith.constant 0 : index
      %swap3A_659 = tpu.vector_load %arg6[%swap3A_656, %swap3A_657, %swap3A_658] {strides = array<i32>} : memref<2x256x128xf32, #tpu.memory_space<vmem>>, vector<1x1x16xf32>,
      %swap3A_660 = vector.shape_cast %swap3A_659 : vector<1x1x16xf32> to vector<16xf32>
      %swap3A_661 = vector.shape_cast %max3A_655 : vector<16xf32> to vector<1x1x16xf32>
      tpu.vector_store %arg6[%swap3A_656, %swap3A_657, %swap3A_658], %swap3A_661 {strides = array<i32>} : memref<2x256x128xf32, #tpu.memory_space<vmem>>, vector<1x1x16xf32>,
      %get3A_662 = arith.constant 1 : i32
      %get3A_663 = arith.index_cast %get3A_662 : i32 to index
      %get3A_664 = arith.index_cast %scan3A_648 : i32 to index
      %get3A_665 = arith.constant 16 : index
      %get3A_666 = tpu.vector_load %arg6[%get3A_663, %get3A_664, %get3A_665] {strides = array<i32>} : memref<2x256x128xf32, #tpu.memory_space<vmem>>, vector<1x1x16xf32>,
      %get3A_667 = vector.shape_cast %get3A_666 : vector<1x1x16xf32> to vector<16xf32>
      %max3A_668 = arith.constant 0.000000e+00 : f32
      %max3A_669 = vector.broadcast %max3A_668 : f32 to vector<16xf32>
      %max3A_670 = arith.maximumf %get3A_667, %max3A_669 : vector<16xf32>
      %swap3A_671 = arith.constant 1 : i32
      %swap3A_672 = arith.index_cast %swap3A_671 : i32 to index
      %swap3A_673 = arith.index_cast %scan3A_648 : i32 to index
      %swap3A_674 = arith.constant 16 : index
      %swap3A_675 = tpu.vector_load %arg6[%swap3A_672, %swap3A_673, %swap3A_674] {strides = array<i32>} : memref<2x256x128xf32, #tpu.memory_space<vmem>>, vector<1x1x16xf32>,
      %swap3A_676 = vector.shape_cast %swap3A_675 : vector<1x1x16xf32> to vector<16xf32>
      %swap3A_677 = vector.shape_cast %max3A_670 : vector<16xf32> to vector<1x1x16xf32>
      tpu.vector_store %arg6[%swap3A_672, %swap3A_673, %swap3A_674], %swap3A_677 {strides = array<i32>} : memref<2x256x128xf32, #tpu.memory_space<vmem>>, vector<1x1x16xf32>,
      %get3A_678 = arith.constant 1 : i32
      %get3A_679 = arith.index_cast %get3A_678 : i32 to index
      %get3A_680 = arith.index_cast %scan3A_648 : i32 to index
      %get3A_681 = arith.constant 32 : index
      %get3A_682 = tpu.vector_load %arg6[%get3A_679, %get3A_680, %get3A_681] {strides = array<i32>} : memref<2x256x128xf32, #tpu.memory_space<vmem>>, vector<1x1x16xf32>,
      %get3A_683 = vector.shape_cast %get3A_682 : vector<1x1x16xf32> to vector<16xf32>
      %max3A_684 = arith.constant 0.000000e+00 : f32
      %max3A_685 = vector.broadcast %max3A_684 : f32 to vector<16xf32>
      %max3A_686 = arith.maximumf %get3A_683, %max3A_685 : vector<16xf32>
      %swap3A_687 = arith.constant 1 : i32
      %swap3A_688 = arith.index_cast %swap3A_687 : i32 to index
      %swap3A_689 = arith.index_cast %scan3A_648 : i32 to index
      %swap3A_690 = arith.constant 32 : index
      %swap3A_691 = tpu.vector_load %arg6[%swap3A_688, %swap3A_689, %swap3A_690] {strides = array<i32>} : memref<2x256x128xf32, #tpu.memory_space<vmem>>, vector<1x1x16xf32>,
      %swap3A_692 = vector.shape_cast %swap3A_691 : vector<1x1x16xf32> to vector<16xf32>
      %swap3A_693 = vector.shape_cast %max3A_686 : vector<16xf32> to vector<1x1x16xf32>
      tpu.vector_store %arg6[%swap3A_688, %swap3A_689, %swap3A_690], %swap3A_693 {strides = array<i32>} : memref<2x256x128xf32, #tpu.memory_space<vmem>>, vector<1x1x16xf32>,
      %get3A_694 = arith.constant 1 : i32
      %get3A_695 = arith.index_cast %get3A_694 : i32 to index
      %get3A_696 = arith.index_cast %scan3A_648 : i32 to index
      %get3A_697 = arith.constant 48 : index
      %get3A_698 = tpu.vector_load %arg6[%get3A_695, %get3A_696, %get3A_697] {strides = array<i32>} : memref<2x256x128xf32, #tpu.memory_space<vmem>>, vector<1x1x16xf32>,
      %get3A_699 = vector.shape_cast %get3A_698 : vector<1x1x16xf32> to vector<16xf32>
      %max3A_700 = arith.constant 0.000000e+00 : f32
      %max3A_701 = vector.broadcast %max3A_700 : f32 to vector<16xf32>
      %max3A_702 = arith.maximumf %get3A_699, %max3A_701 : vector<16xf32>
      %swap3A_703 = arith.constant 1 : i32
      %swap3A_704 = arith.index_cast %swap3A_703 : i32 to index
      %swap3A_705 = arith.index_cast %scan3A_648 : i32 to index
      %swap3A_706 = arith.constant 48 : index
      %swap3A_707 = tpu.vector_load %arg6[%swap3A_704, %swap3A_705, %swap3A_706] {strides = array<i32>} : memref<2x256x128xf32, #tpu.memory_space<vmem>>, vector<1x1x16xf32>,
      %swap3A_708 = vector.shape_cast %swap3A_707 : vector<1x1x16xf32> to vector<16xf32>
      %swap3A_709 = vector.shape_cast %max3A_702 : vector<16xf32> to vector<1x1x16xf32>
      tpu.vector_store %arg6[%swap3A_704, %swap3A_705, %swap3A_706], %swap3A_709 {strides = array<i32>} : memref<2x256x128xf32, #tpu.memory_space<vmem>>, vector<1x1x16xf32>,
      %get3A_710 = arith.constant 1 : i32
      %get3A_711 = arith.index_cast %get3A_710 : i32 to index
      %get3A_712 = arith.index_cast %scan3A_648 : i32 to index
      %get3A_713 = arith.constant 64 : index
      %get3A_714 = tpu.vector_load %arg6[%get3A_711, %get3A_712, %get3A_713] {strides = array<i32>} : memref<2x256x128xf32, #tpu.memory_space<vmem>>, vector<1x1x16xf32>,
      %get3A_715 = vector.shape_cast %get3A_714 : vector<1x1x16xf32> to vector<16xf32>
      %max3A_716 = arith.constant 0.000000e+00 : f32
      %max3A_717 = vector.broadcast %max3A_716 : f32 to vector<16xf32>
      %max3A_718 = arith.maximumf %get3A_715, %max3A_717 : vector<16xf32>
      %swap3A_719 = arith.constant 1 : i32
      %swap3A_720 = arith.index_cast %swap3A_719 : i32 to index
      %swap3A_721 = arith.index_cast %scan3A_648 : i32 to index
      %swap3A_722 = arith.constant 64 : index
      %swap3A_723 = tpu.vector_load %arg6[%swap3A_720, %swap3A_721, %swap3A_722] {strides = array<i32>} : memref<2x256x128xf32, #tpu.memory_space<vmem>>, vector<1x1x16xf32>,
      %swap3A_724 = vector.shape_cast %swap3A_723 : vector<1x1x16xf32> to vector<16xf32>
      %swap3A_725 = vector.shape_cast %max3A_718 : vector<16xf32> to vector<1x1x16xf32>
      tpu.vector_store %arg6[%swap3A_720, %swap3A_721, %swap3A_722], %swap3A_725 {strides = array<i32>} : memref<2x256x128xf32, #tpu.memory_space<vmem>>, vector<1x1x16xf32>,
      %get3A_726 = arith.constant 1 : i32
      %get3A_727 = arith.index_cast %get3A_726 : i32 to index
      %get3A_728 = arith.index_cast %scan3A_648 : i32 to index
      %get3A_729 = arith.constant 80 : index
      %get3A_730 = tpu.vector_load %arg6[%get3A_727, %get3A_728, %get3A_729] {strides = array<i32>} : memref<2x256x128xf32, #tpu.memory_space<vmem>>, vector<1x1x16xf32>,
      %get3A_731 = vector.shape_cast %get3A_730 : vector<1x1x16xf32> to vector<16xf32>
      %max3A_732 = arith.constant 0.000000e+00 : f32
      %max3A_733 = vector.broadcast %max3A_732 : f32 to vector<16xf32>
      %max3A_734 = arith.maximumf %get3A_731, %max3A_733 : vector<16xf32>
      %swap3A_735 = arith.constant 1 : i32
      %swap3A_736 = arith.index_cast %swap3A_735 : i32 to index
      %swap3A_737 = arith.index_cast %scan3A_648 : i32 to index
      %swap3A_738 = arith.constant 80 : index
      %swap3A_739 = tpu.vector_load %arg6[%swap3A_736, %swap3A_737, %swap3A_738] {strides = array<i32>} : memref<2x256x128xf32, #tpu.memory_space<vmem>>, vector<1x1x16xf32>,
      %swap3A_740 = vector.shape_cast %swap3A_739 : vector<1x1x16xf32> to vector<16xf32>
      %swap3A_741 = vector.shape_cast %max3A_734 : vector<16xf32> to vector<1x1x16xf32>
      tpu.vector_store %arg6[%swap3A_736, %swap3A_737, %swap3A_738], %swap3A_741 {strides = array<i32>} : memref<2x256x128xf32, #tpu.memory_space<vmem>>, vector<1x1x16xf32>,
      %get3A_742 = arith.constant 1 : i32
      %get3A_743 = arith.index_cast %get3A_742 : i32 to index
      %get3A_744 = arith.index_cast %scan3A_648 : i32 to index
      %get3A_745 = arith.constant 96 : index
      %get3A_746 = tpu.vector_load %arg6[%get3A_743, %get3A_744, %get3A_745] {strides = array<i32>} : memref<2x256x128xf32, #tpu.memory_space<vmem>>, vector<1x1x16xf32>,
      %get3A_747 = vector.shape_cast %get3A_746 : vector<1x1x16xf32> to vector<16xf32>
      %max3A_748 = arith.constant 0.000000e+00 : f32
      %max3A_749 = vector.broadcast %max3A_748 : f32 to vector<16xf32>
      %max3A_750 = arith.maximumf %get3A_747, %max3A_749 : vector<16xf32>
      %swap3A_751 = arith.constant 1 : i32
      %swap3A_752 = arith.index_cast %swap3A_751 : i32 to index
      %swap3A_753 = arith.index_cast %scan3A_648 : i32 to index
      %swap3A_754 = arith.constant 96 : index
      %swap3A_755 = tpu.vector_load %arg6[%swap3A_752, %swap3A_753, %swap3A_754] {strides = array<i32>} : memref<2x256x128xf32, #tpu.memory_space<vmem>>, vector<1x1x16xf32>,
      %swap3A_756 = vector.shape_cast %swap3A_755 : vector<1x1x16xf32> to vector<16xf32>
      %swap3A_757 = vector.shape_cast %max3A_750 : vector<16xf32> to vector<1x1x16xf32>
      tpu.vector_store %arg6[%swap3A_752, %swap3A_753, %swap3A_754], %swap3A_757 {strides = array<i32>} : memref<2x256x128xf32, #tpu.memory_space<vmem>>, vector<1x1x16xf32>,
      %get3A_758 = arith.constant 1 : i32
      %get3A_759 = arith.index_cast %get3A_758 : i32 to index
      %get3A_760 = arith.index_cast %scan3A_648 : i32 to index
      %get3A_761 = arith.constant 112 : index
      %get3A_762 = tpu.vector_load %arg6[%get3A_759, %get3A_760, %get3A_761] {strides = array<i32>} : memref<2x256x128xf32, #tpu.memory_space<vmem>>, vector<1x1x16xf32>,
      %get3A_763 = vector.shape_cast %get3A_762 : vector<1x1x16xf32> to vector<16xf32>
      %max3A_764 = arith.constant 0.000000e+00 : f32
      %max3A_765 = vector.broadcast %max3A_764 : f32 to vector<16xf32>
      %max3A_766 = arith.maximumf %get3A_763, %max3A_765 : vector<16xf32>
      %swap3A_767 = arith.constant 1 : i32
      %swap3A_768 = arith.index_cast %swap3A_767 : i32 to index
      %swap3A_769 = arith.index_cast %scan3A_648 : i32 to index
      %swap3A_770 = arith.constant 112 : index
      %swap3A_771 = tpu.vector_load %arg6[%swap3A_768, %swap3A_769, %swap3A_770] {strides = array<i32>} : memref<2x256x128xf32, #tpu.memory_space<vmem>>, vector<1x1x16xf32>,
      %swap3A_772 = vector.shape_cast %swap3A_771 : vector<1x1x16xf32> to vector<16xf32>
      %swap3A_773 = vector.shape_cast %max3A_766 : vector<16xf32> to vector<1x1x16xf32>
      tpu.vector_store %arg6[%swap3A_768, %swap3A_769, %swap3A_770], %swap3A_773 {strides = array<i32>} : memref<2x256x128xf32, #tpu.memory_space<vmem>>, vector<1x1x16xf32>,
    }
    %scan3A_89 = arith.constant 256 : i32
    %add3A_90 = arith.constant 256 : i32
    %add3A_91 = arith.addi %mul3A_2, %add3A_90 : i32
    %dma_start3A_92 = arith.constant 1 : i32
    %dma_start3A_93 = arith.constant 0 : i32
    %dma_start3A_94 = arith.constant 0 : i32
    %dma_start3A_95 = tpu.memref_slice %arg6[%dma_start3A_92, %dma_start3A_93, %dma_start3A_94] : memref<2x256x128xf32, #tpu.memory_space<vmem>> -> memref<1x256x128xf32, #tpu.memory_space<vmem>>
    %dma_start3A_96 = tpu.memref_squeeze %dma_start3A_95 : memref<1x256x128xf32, #tpu.memory_space<vmem>> -> memref<256x128xf32, #tpu.memory_space<vmem>>
    %dma_start3A_97 = arith.constant 0 : i32
    %dma_start3A_98 = tpu.memref_slice %arg4[%add3A_91, %dma_start3A_97] : memref<98304x128xf32, #tpu.memory_space<hbm>> -> memref<256x128xf32, #tpu.memory_space<hbm>>
    %dma_start3A_99 = arith.constant 0 : i32
    %dma_start3A_100 = tpu.memref_slice %arg4[%add3A_91, %dma_start3A_99] : memref<98304x128xf32, #tpu.memory_space<hbm>> -> memref<256x128xf32, #tpu.memory_space<hbm>>
    %dma_start3A_101 = arith.constant 0 : i32
    %dma_start3A_102 = arith.constant 0 : i32
    %dma_start3A_103 = tpu.memref_slice %arg6[%dma_start3A_92, %dma_start3A_101, %dma_start3A_102] : memref<2x256x128xf32, #tpu.memory_space<vmem>> -> memref<1x256x128xf32, #tpu.memory_space<vmem>>
    %dma_start3A_104 = tpu.memref_squeeze %dma_start3A_103 : memref<1x256x128xf32, #tpu.memory_space<vmem>> -> memref<256x128xf32, #tpu.memory_space<vmem>>
    tpu.enqueue_dma source(%dma_start3A_104 : memref<256x128xf32, #tpu.memory_space<vmem>>) target(%dma_start3A_100 : memref<256x128xf32, #tpu.memory_space<hbm>>) target_semaphore(%arg10 : memref<!tpu.dma_semaphore, #tpu.memory_space<semaphore_mem>>)
    %dma_wait3A_105 = arith.constant 1 : i32
    %dma_wait3A_106 = arith.constant 0 : i32
    %dma_wait3A_107 = arith.constant 0 : i32
    %dma_wait3A_108 = tpu.memref_slice %arg6[%dma_wait3A_105, %dma_wait3A_106, %dma_wait3A_107] : memref<2x256x128xf32, #tpu.memory_space<vmem>> -> memref<1x256x128xf32, #tpu.memory_space<vmem>>
    %dma_wait3A_109 = tpu.memref_squeeze %dma_wait3A_108 : memref<1x256x128xf32, #tpu.memory_space<vmem>> -> memref<256x128xf32, #tpu.memory_space<vmem>>
    %dma_wait3A_110 = arith.constant 0 : i32
    %dma_wait3A_111 = tpu.memref_slice %arg4[%add3A_91, %dma_wait3A_110] : memref<98304x128xf32, #tpu.memory_space<hbm>> -> memref<256x128xf32, #tpu.memory_space<hbm>>
    %dma_wait3A_112 = arith.constant 0 : i32
    %dma_wait3A_113 = tpu.memref_slice %arg4[%add3A_91, %dma_wait3A_112] : memref<98304x128xf32, #tpu.memory_space<hbm>> -> memref<256x128xf32, #tpu.memory_space<hbm>>
    %dma_wait3A_114 = arith.constant 0 : i32
    %dma_wait3A_115 = arith.constant 0 : i32
    %dma_wait3A_116 = tpu.memref_slice %arg6[%dma_wait3A_105, %dma_wait3A_114, %dma_wait3A_115] : memref<2x256x128xf32, #tpu.memory_space<vmem>> -> memref<1x256x128xf32, #tpu.memory_space<vmem>>
    %dma_wait3A_117 = tpu.memref_squeeze %dma_wait3A_116 : memref<1x256x128xf32, #tpu.memory_space<vmem>> -> memref<256x128xf32, #tpu.memory_space<vmem>>
    tpu.wait_dma2 semaphore(%arg10 : memref<!tpu.dma_semaphore, #tpu.memory_space<semaphore_mem>>) src(%dma_wait3A_117 : memref<256x128xf32, #tpu.memory_space<vmem>>) dst(%dma_wait3A_113 : memref<256x128xf32, #tpu.memory_space<hbm>>)
    %dma_start3A_118 = arith.constant 1 : i32
    %dma_start3A_119 = arith.constant 0 : i32
    %dma_start3A_120 = arith.constant 0 : i32
    %dma_start3A_121 = tpu.memref_slice %arg6[%dma_start3A_118, %dma_start3A_119, %dma_start3A_120] : memref<2x256x128xf32, #tpu.memory_space<vmem>> -> memref<1x256x128xf32, #tpu.memory_space<vmem>>
    %dma_start3A_122 = tpu.memref_squeeze %dma_start3A_121 : memref<1x256x128xf32, #tpu.memory_space<vmem>> -> memref<256x128xf32, #tpu.memory_space<vmem>>
    %dma_start3A_123 = arith.constant 768 : i32
    %dma_start3A_124 = tpu.memref_slice %arg5[%dma_start3A_123] : memref<3072xi32, #tpu.memory_space<vmem>> -> memref<256xi32, #tpu.memory_space<vmem>>
    %dma_start3A_125 = arith.constant 0 : i32
    %dma_start3A_126 = arith.constant 0 : i32
    %dma_start3A_127 = tpu.memref_slice %arg3[%dma_start3A_125, %dma_start3A_126] : memref<100000x128xf32, #tpu.memory_space<hbm>> -> memref<100000x128xf32, #tpu.memory_space<hbm>>
    tpu.enqueue_indirect_dma source(%dma_start3A_127 : memref<100000x128xf32, #tpu.memory_space<hbm>>) target(%dma_start3A_122 : memref<256x128xf32, #tpu.memory_space<vmem>>) offsets(%dma_start3A_124 : memref<256xi32, #tpu.memory_space<vmem>>) semaphore(%arg8 : memref<!tpu.dma_semaphore, #tpu.memory_space<semaphore_mem>>)
    %dma_wait3A_128 = arith.constant 0 : i32
    %dma_wait3A_129 = arith.constant 0 : i32
    %dma_wait3A_130 = arith.constant 0 : i32
    %dma_wait3A_131 = tpu.memref_slice %arg6[%dma_wait3A_128, %dma_wait3A_129, %dma_wait3A_130] : memref<2x256x128xf32, #tpu.memory_space<vmem>> -> memref<1x256x128xf32, #tpu.memory_space<vmem>>
    %dma_wait3A_132 = tpu.memref_squeeze %dma_wait3A_131 : memref<1x256x128xf32, #tpu.memory_space<vmem>> -> memref<256x128xf32, #tpu.memory_space<vmem>>
    %dma_wait3A_133 = arith.constant 512 : i32
    %dma_wait3A_134 = tpu.memref_slice %arg5[%dma_wait3A_133] : memref<3072xi32, #tpu.memory_space<vmem>> -> memref<256xi32, #tpu.memory_space<vmem>>
    %dma_wait3A_135 = arith.constant 0 : i32
    %dma_wait3A_136 = arith.constant 0 : i32
    %dma_wait3A_137 = tpu.memref_slice %arg3[%dma_wait3A_135, %dma_wait3A_136] : memref<100000x128xf32, #tpu.memory_space<hbm>> -> memref<100000x128xf32, #tpu.memory_space<hbm>>
    tpu.wait_indirect_dma semaphore(%arg7 : memref<!tpu.dma_semaphore, #tpu.memory_space<semaphore_mem>>) src(%dma_wait3A_137 : memref<100000x128xf32, #tpu.memory_space<hbm>>) dst(%dma_wait3A_132 : memref<256x128xf32, #tpu.memory_space<vmem>>)
    %scan3A_138 = arith.constant 0 : i32
    %scan3A_139 = arith.constant 0 : i32
    %scan3A_140 = arith.constant 256 : i32
    %scan3A_141 = arith.addi %scan3A_139, %scan3A_140 : i32
    %scan3A_142 = arith.constant 1 : i32
    scf.for %scan3A_648 = %scan3A_139 to %scan3A_141 step %scan3A_142  : i32 {
      %get3A = arith.constant 0 : i32
      %get3A_649 = arith.index_cast %get3A : i32 to index
      %get3A_650 = arith.index_cast %scan3A_648 : i32 to index
      %get3A_651 = arith.constant 0 : index
      %get3A_652 = tpu.vector_load %arg6[%get3A_649, %get3A_650, %get3A_651] {strides = array<i32>} : memref<2x256x128xf32, #tpu.memory_space<vmem>>, vector<1x1x16xf32>,
      %get3A_653 = vector.shape_cast %get3A_652 : vector<1x1x16xf32> to vector<16xf32>
      %max3A = arith.constant 0.000000e+00 : f32
      %max3A_654 = vector.broadcast %max3A : f32 to vector<16xf32>
      %max3A_655 = arith.maximumf %get3A_653, %max3A_654 : vector<16xf32>
      %swap3A = arith.constant 0 : i32
      %swap3A_656 = arith.index_cast %swap3A : i32 to index
      %swap3A_657 = arith.index_cast %scan3A_648 : i32 to index
      %swap3A_658 = arith.constant 0 : index
      %swap3A_659 = tpu.vector_load %arg6[%swap3A_656, %swap3A_657, %swap3A_658] {strides = array<i32>} : memref<2x256x128xf32, #tpu.memory_space<vmem>>, vector<1x1x16xf32>,
      %swap3A_660 = vector.shape_cast %swap3A_659 : vector<1x1x16xf32> to vector<16xf32>
      %swap3A_661 = vector.shape_cast %max3A_655 : vector<16xf32> to vector<1x1x16xf32>
      tpu.vector_store %arg6[%swap3A_656, %swap3A_657, %swap3A_658], %swap3A_661 {strides = array<i32>} : memref<2x256x128xf32, #tpu.memory_space<vmem>>, vector<1x1x16xf32>,
      %get3A_662 = arith.constant 0 : i32
      %get3A_663 = arith.index_cast %get3A_662 : i32 to index
      %get3A_664 = arith.index_cast %scan3A_648 : i32 to index
      %get3A_665 = arith.constant 16 : index
      %get3A_666 = tpu.vector_load %arg6[%get3A_663, %get3A_664, %get3A_665] {strides = array<i32>} : memref<2x256x128xf32, #tpu.memory_space<vmem>>, vector<1x1x16xf32>,
      %get3A_667 = vector.shape_cast %get3A_666 : vector<1x1x16xf32> to vector<16xf32>
      %max3A_668 = arith.constant 0.000000e+00 : f32
      %max3A_669 = vector.broadcast %max3A_668 : f32 to vector<16xf32>
      %max3A_670 = arith.maximumf %get3A_667, %max3A_669 : vector<16xf32>
      %swap3A_671 = arith.constant 0 : i32
      %swap3A_672 = arith.index_cast %swap3A_671 : i32 to index
      %swap3A_673 = arith.index_cast %scan3A_648 : i32 to index
      %swap3A_674 = arith.constant 16 : index
      %swap3A_675 = tpu.vector_load %arg6[%swap3A_672, %swap3A_673, %swap3A_674] {strides = array<i32>} : memref<2x256x128xf32, #tpu.memory_space<vmem>>, vector<1x1x16xf32>,
      %swap3A_676 = vector.shape_cast %swap3A_675 : vector<1x1x16xf32> to vector<16xf32>
      %swap3A_677 = vector.shape_cast %max3A_670 : vector<16xf32> to vector<1x1x16xf32>
      tpu.vector_store %arg6[%swap3A_672, %swap3A_673, %swap3A_674], %swap3A_677 {strides = array<i32>} : memref<2x256x128xf32, #tpu.memory_space<vmem>>, vector<1x1x16xf32>,
      %get3A_678 = arith.constant 0 : i32
      %get3A_679 = arith.index_cast %get3A_678 : i32 to index
      %get3A_680 = arith.index_cast %scan3A_648 : i32 to index
      %get3A_681 = arith.constant 32 : index
      %get3A_682 = tpu.vector_load %arg6[%get3A_679, %get3A_680, %get3A_681] {strides = array<i32>} : memref<2x256x128xf32, #tpu.memory_space<vmem>>, vector<1x1x16xf32>,
      %get3A_683 = vector.shape_cast %get3A_682 : vector<1x1x16xf32> to vector<16xf32>
      %max3A_684 = arith.constant 0.000000e+00 : f32
      %max3A_685 = vector.broadcast %max3A_684 : f32 to vector<16xf32>
      %max3A_686 = arith.maximumf %get3A_683, %max3A_685 : vector<16xf32>
      %swap3A_687 = arith.constant 0 : i32
      %swap3A_688 = arith.index_cast %swap3A_687 : i32 to index
      %swap3A_689 = arith.index_cast %scan3A_648 : i32 to index
      %swap3A_690 = arith.constant 32 : index
      %swap3A_691 = tpu.vector_load %arg6[%swap3A_688, %swap3A_689, %swap3A_690] {strides = array<i32>} : memref<2x256x128xf32, #tpu.memory_space<vmem>>, vector<1x1x16xf32>,
      %swap3A_692 = vector.shape_cast %swap3A_691 : vector<1x1x16xf32> to vector<16xf32>
      %swap3A_693 = vector.shape_cast %max3A_686 : vector<16xf32> to vector<1x1x16xf32>
      tpu.vector_store %arg6[%swap3A_688, %swap3A_689, %swap3A_690], %swap3A_693 {strides = array<i32>} : memref<2x256x128xf32, #tpu.memory_space<vmem>>, vector<1x1x16xf32>,
      %get3A_694 = arith.constant 0 : i32
      %get3A_695 = arith.index_cast %get3A_694 : i32 to index
      %get3A_696 = arith.index_cast %scan3A_648 : i32 to index
      %get3A_697 = arith.constant 48 : index
      %get3A_698 = tpu.vector_load %arg6[%get3A_695, %get3A_696, %get3A_697] {strides = array<i32>} : memref<2x256x128xf32, #tpu.memory_space<vmem>>, vector<1x1x16xf32>,
      %get3A_699 = vector.shape_cast %get3A_698 : vector<1x1x16xf32> to vector<16xf32>
      %max3A_700 = arith.constant 0.000000e+00 : f32
      %max3A_701 = vector.broadcast %max3A_700 : f32 to vector<16xf32>
      %max3A_702 = arith.maximumf %get3A_699, %max3A_701 : vector<16xf32>
      %swap3A_703 = arith.constant 0 : i32
      %swap3A_704 = arith.index_cast %swap3A_703 : i32 to index
      %swap3A_705 = arith.index_cast %scan3A_648 : i32 to index
      %swap3A_706 = arith.constant 48 : index
      %swap3A_707 = tpu.vector_load %arg6[%swap3A_704, %swap3A_705, %swap3A_706] {strides = array<i32>} : memref<2x256x128xf32, #tpu.memory_space<vmem>>, vector<1x1x16xf32>,
      %swap3A_708 = vector.shape_cast %swap3A_707 : vector<1x1x16xf32> to vector<16xf32>
      %swap3A_709 = vector.shape_cast %max3A_702 : vector<16xf32> to vector<1x1x16xf32>
      tpu.vector_store %arg6[%swap3A_704, %swap3A_705, %swap3A_706], %swap3A_709 {strides = array<i32>} : memref<2x256x128xf32, #tpu.memory_space<vmem>>, vector<1x1x16xf32>,
      %get3A_710 = arith.constant 0 : i32
      %get3A_711 = arith.index_cast %get3A_710 : i32 to index
      %get3A_712 = arith.index_cast %scan3A_648 : i32 to index
      %get3A_713 = arith.constant 64 : index
      %get3A_714 = tpu.vector_load %arg6[%get3A_711, %get3A_712, %get3A_713] {strides = array<i32>} : memref<2x256x128xf32, #tpu.memory_space<vmem>>, vector<1x1x16xf32>,
      %get3A_715 = vector.shape_cast %get3A_714 : vector<1x1x16xf32> to vector<16xf32>
      %max3A_716 = arith.constant 0.000000e+00 : f32
      %max3A_717 = vector.broadcast %max3A_716 : f32 to vector<16xf32>
      %max3A_718 = arith.maximumf %get3A_715, %max3A_717 : vector<16xf32>
      %swap3A_719 = arith.constant 0 : i32
      %swap3A_720 = arith.index_cast %swap3A_719 : i32 to index
      %swap3A_721 = arith.index_cast %scan3A_648 : i32 to index
      %swap3A_722 = arith.constant 64 : index
      %swap3A_723 = tpu.vector_load %arg6[%swap3A_720, %swap3A_721, %swap3A_722] {strides = array<i32>} : memref<2x256x128xf32, #tpu.memory_space<vmem>>, vector<1x1x16xf32>,
      %swap3A_724 = vector.shape_cast %swap3A_723 : vector<1x1x16xf32> to vector<16xf32>
      %swap3A_725 = vector.shape_cast %max3A_718 : vector<16xf32> to vector<1x1x16xf32>
      tpu.vector_store %arg6[%swap3A_720, %swap3A_721, %swap3A_722], %swap3A_725 {strides = array<i32>} : memref<2x256x128xf32, #tpu.memory_space<vmem>>, vector<1x1x16xf32>,
      %get3A_726 = arith.constant 0 : i32
      %get3A_727 = arith.index_cast %get3A_726 : i32 to index
      %get3A_728 = arith.index_cast %scan3A_648 : i32 to index
      %get3A_729 = arith.constant 80 : index
      %get3A_730 = tpu.vector_load %arg6[%get3A_727, %get3A_728, %get3A_729] {strides = array<i32>} : memref<2x256x128xf32, #tpu.memory_space<vmem>>, vector<1x1x16xf32>,
      %get3A_731 = vector.shape_cast %get3A_730 : vector<1x1x16xf32> to vector<16xf32>
      %max3A_732 = arith.constant 0.000000e+00 : f32
      %max3A_733 = vector.broadcast %max3A_732 : f32 to vector<16xf32>
      %max3A_734 = arith.maximumf %get3A_731, %max3A_733 : vector<16xf32>
      %swap3A_735 = arith.constant 0 : i32
      %swap3A_736 = arith.index_cast %swap3A_735 : i32 to index
      %swap3A_737 = arith.index_cast %scan3A_648 : i32 to index
      %swap3A_738 = arith.constant 80 : index
      %swap3A_739 = tpu.vector_load %arg6[%swap3A_736, %swap3A_737, %swap3A_738] {strides = array<i32>} : memref<2x256x128xf32, #tpu.memory_space<vmem>>, vector<1x1x16xf32>,
      %swap3A_740 = vector.shape_cast %swap3A_739 : vector<1x1x16xf32> to vector<16xf32>
      %swap3A_741 = vector.shape_cast %max3A_734 : vector<16xf32> to vector<1x1x16xf32>
      tpu.vector_store %arg6[%swap3A_736, %swap3A_737, %swap3A_738], %swap3A_741 {strides = array<i32>} : memref<2x256x128xf32, #tpu.memory_space<vmem>>, vector<1x1x16xf32>,
      %get3A_742 = arith.constant 0 : i32
      %get3A_743 = arith.index_cast %get3A_742 : i32 to index
      %get3A_744 = arith.index_cast %scan3A_648 : i32 to index
      %get3A_745 = arith.constant 96 : index
      %get3A_746 = tpu.vector_load %arg6[%get3A_743, %get3A_744, %get3A_745] {strides = array<i32>} : memref<2x256x128xf32, #tpu.memory_space<vmem>>, vector<1x1x16xf32>,
      %get3A_747 = vector.shape_cast %get3A_746 : vector<1x1x16xf32> to vector<16xf32>
      %max3A_748 = arith.constant 0.000000e+00 : f32
      %max3A_749 = vector.broadcast %max3A_748 : f32 to vector<16xf32>
      %max3A_750 = arith.maximumf %get3A_747, %max3A_749 : vector<16xf32>
      %swap3A_751 = arith.constant 0 : i32
      %swap3A_752 = arith.index_cast %swap3A_751 : i32 to index
      %swap3A_753 = arith.index_cast %scan3A_648 : i32 to index
      %swap3A_754 = arith.constant 96 : index
      %swap3A_755 = tpu.vector_load %arg6[%swap3A_752, %swap3A_753, %swap3A_754] {strides = array<i32>} : memref<2x256x128xf32, #tpu.memory_space<vmem>>, vector<1x1x16xf32>,
      %swap3A_756 = vector.shape_cast %swap3A_755 : vector<1x1x16xf32> to vector<16xf32>
      %swap3A_757 = vector.shape_cast %max3A_750 : vector<16xf32> to vector<1x1x16xf32>
      tpu.vector_store %arg6[%swap3A_752, %swap3A_753, %swap3A_754], %swap3A_757 {strides = array<i32>} : memref<2x256x128xf32, #tpu.memory_space<vmem>>, vector<1x1x16xf32>,
      %get3A_758 = arith.constant 0 : i32
      %get3A_759 = arith.index_cast %get3A_758 : i32 to index
      %get3A_760 = arith.index_cast %scan3A_648 : i32 to index
      %get3A_761 = arith.constant 112 : index
      %get3A_762 = tpu.vector_load %arg6[%get3A_759, %get3A_760, %get3A_761] {strides = array<i32>} : memref<2x256x128xf32, #tpu.memory_space<vmem>>, vector<1x1x16xf32>,
      %get3A_763 = vector.shape_cast %get3A_762 : vector<1x1x16xf32> to vector<16xf32>
      %max3A_764 = arith.constant 0.000000e+00 : f32
      %max3A_765 = vector.broadcast %max3A_764 : f32 to vector<16xf32>
      %max3A_766 = arith.maximumf %get3A_763, %max3A_765 : vector<16xf32>
      %swap3A_767 = arith.constant 0 : i32
      %swap3A_768 = arith.index_cast %swap3A_767 : i32 to index
      %swap3A_769 = arith.index_cast %scan3A_648 : i32 to index
      %swap3A_770 = arith.constant 112 : index
      %swap3A_771 = tpu.vector_load %arg6[%swap3A_768, %swap3A_769, %swap3A_770] {strides = array<i32>} : memref<2x256x128xf32, #tpu.memory_space<vmem>>, vector<1x1x16xf32>,
      %swap3A_772 = vector.shape_cast %swap3A_771 : vector<1x1x16xf32> to vector<16xf32>
      %swap3A_773 = vector.shape_cast %max3A_766 : vector<16xf32> to vector<1x1x16xf32>
      tpu.vector_store %arg6[%swap3A_768, %swap3A_769, %swap3A_770], %swap3A_773 {strides = array<i32>} : memref<2x256x128xf32, #tpu.memory_space<vmem>>, vector<1x1x16xf32>,
    }
    %scan3A_143 = arith.constant 256 : i32
    %add3A_144 = arith.constant 512 : i32
    %add3A_145 = arith.addi %mul3A_2, %add3A_144 : i32
    %dma_start3A_146 = arith.constant 0 : i32
    %dma_start3A_147 = arith.constant 0 : i32
    %dma_start3A_148 = arith.constant 0 : i32
    %dma_start3A_149 = tpu.memref_slice %arg6[%dma_start3A_146, %dma_start3A_147, %dma_start3A_148] : memref<2x256x128xf32, #tpu.memory_space<vmem>> -> memref<1x256x128xf32, #tpu.memory_space<vmem>>
    %dma_start3A_150 = tpu.memref_squeeze %dma_start3A_149 : memref<1x256x128xf32, #tpu.memory_space<vmem>> -> memref<256x128xf32, #tpu.memory_space<vmem>>
    %dma_start3A_151 = arith.constant 0 : i32
    %dma_start3A_152 = tpu.memref_slice %arg4[%add3A_145, %dma_start3A_151] : memref<98304x128xf32, #tpu.memory_space<hbm>> -> memref<256x128xf32, #tpu.memory_space<hbm>>
    %dma_start3A_153 = arith.constant 0 : i32
    %dma_start3A_154 = tpu.memref_slice %arg4[%add3A_145, %dma_start3A_153] : memref<98304x128xf32, #tpu.memory_space<hbm>> -> memref<256x128xf32, #tpu.memory_space<hbm>>
    %dma_start3A_155 = arith.constant 0 : i32
    %dma_start3A_156 = arith.constant 0 : i32
    %dma_start3A_157 = tpu.memref_slice %arg6[%dma_start3A_146, %dma_start3A_155, %dma_start3A_156] : memref<2x256x128xf32, #tpu.memory_space<vmem>> -> memref<1x256x128xf32, #tpu.memory_space<vmem>>
    %dma_start3A_158 = tpu.memref_squeeze %dma_start3A_157 : memref<1x256x128xf32, #tpu.memory_space<vmem>> -> memref<256x128xf32, #tpu.memory_space<vmem>>
    tpu.enqueue_dma source(%dma_start3A_158 : memref<256x128xf32, #tpu.memory_space<vmem>>) target(%dma_start3A_154 : memref<256x128xf32, #tpu.memory_space<hbm>>) target_semaphore(%arg9 : memref<!tpu.dma_semaphore, #tpu.memory_space<semaphore_mem>>)
    %dma_wait3A_159 = arith.constant 0 : i32
    %dma_wait3A_160 = arith.constant 0 : i32
    %dma_wait3A_161 = arith.constant 0 : i32
    %dma_wait3A_162 = tpu.memref_slice %arg6[%dma_wait3A_159, %dma_wait3A_160, %dma_wait3A_161] : memref<2x256x128xf32, #tpu.memory_space<vmem>> -> memref<1x256x128xf32, #tpu.memory_space<vmem>>
    %dma_wait3A_163 = tpu.memref_squeeze %dma_wait3A_162 : memref<1x256x128xf32, #tpu.memory_space<vmem>> -> memref<256x128xf32, #tpu.memory_space<vmem>>
    %dma_wait3A_164 = arith.constant 0 : i32
    %dma_wait3A_165 = tpu.memref_slice %arg4[%add3A_145, %dma_wait3A_164] : memref<98304x128xf32, #tpu.memory_space<hbm>> -> memref<256x128xf32, #tpu.memory_space<hbm>>
    %dma_wait3A_166 = arith.constant 0 : i32
    %dma_wait3A_167 = tpu.memref_slice %arg4[%add3A_145, %dma_wait3A_166] : memref<98304x128xf32, #tpu.memory_space<hbm>> -> memref<256x128xf32, #tpu.memory_space<hbm>>
    %dma_wait3A_168 = arith.constant 0 : i32
    %dma_wait3A_169 = arith.constant 0 : i32
    %dma_wait3A_170 = tpu.memref_slice %arg6[%dma_wait3A_159, %dma_wait3A_168, %dma_wait3A_169] : memref<2x256x128xf32, #tpu.memory_space<vmem>> -> memref<1x256x128xf32, #tpu.memory_space<vmem>>
    %dma_wait3A_171 = tpu.memref_squeeze %dma_wait3A_170 : memref<1x256x128xf32, #tpu.memory_space<vmem>> -> memref<256x128xf32, #tpu.memory_space<vmem>>
    tpu.wait_dma2 semaphore(%arg9 : memref<!tpu.dma_semaphore, #tpu.memory_space<semaphore_mem>>) src(%dma_wait3A_171 : memref<256x128xf32, #tpu.memory_space<vmem>>) dst(%dma_wait3A_167 : memref<256x128xf32, #tpu.memory_space<hbm>>)
    %dma_start3A_172 = arith.constant 0 : i32
    %dma_start3A_173 = arith.constant 0 : i32
    %dma_start3A_174 = arith.constant 0 : i32
    %dma_start3A_175 = tpu.memref_slice %arg6[%dma_start3A_172, %dma_start3A_173, %dma_start3A_174] : memref<2x256x128xf32, #tpu.memory_space<vmem>> -> memref<1x256x128xf32, #tpu.memory_space<vmem>>
    %dma_start3A_176 = tpu.memref_squeeze %dma_start3A_175 : memref<1x256x128xf32, #tpu.memory_space<vmem>> -> memref<256x128xf32, #tpu.memory_space<vmem>>
    %dma_start3A_177 = arith.constant 1024 : i32
    %dma_start3A_178 = tpu.memref_slice %arg5[%dma_start3A_177] : memref<3072xi32, #tpu.memory_space<vmem>> -> memref<256xi32, #tpu.memory_space<vmem>>
    %dma_start3A_179 = arith.constant 0 : i32
    %dma_start3A_180 = arith.constant 0 : i32
    %dma_start3A_181 = tpu.memref_slice %arg3[%dma_start3A_179, %dma_start3A_180] : memref<100000x128xf32, #tpu.memory_space<hbm>> -> memref<100000x128xf32, #tpu.memory_space<hbm>>
    tpu.enqueue_indirect_dma source(%dma_start3A_181 : memref<100000x128xf32, #tpu.memory_space<hbm>>) target(%dma_start3A_176 : memref<256x128xf32, #tpu.memory_space<vmem>>) offsets(%dma_start3A_178 : memref<256xi32, #tpu.memory_space<vmem>>) semaphore(%arg7 : memref<!tpu.dma_semaphore, #tpu.memory_space<semaphore_mem>>)
    %dma_wait3A_182 = arith.constant 1 : i32
    %dma_wait3A_183 = arith.constant 0 : i32
    %dma_wait3A_184 = arith.constant 0 : i32
    %dma_wait3A_185 = tpu.memref_slice %arg6[%dma_wait3A_182, %dma_wait3A_183, %dma_wait3A_184] : memref<2x256x128xf32, #tpu.memory_space<vmem>> -> memref<1x256x128xf32, #tpu.memory_space<vmem>>
    %dma_wait3A_186 = tpu.memref_squeeze %dma_wait3A_185 : memref<1x256x128xf32, #tpu.memory_space<vmem>> -> memref<256x128xf32, #tpu.memory_space<vmem>>
    %dma_wait3A_187 = arith.constant 768 : i32
    %dma_wait3A_188 = tpu.memref_slice %arg5[%dma_wait3A_187] : memref<3072xi32, #tpu.memory_space<vmem>> -> memref<256xi32, #tpu.memory_space<vmem>>
    %dma_wait3A_189 = arith.constant 0 : i32
    %dma_wait3A_190 = arith.constant 0 : i32
    %dma_wait3A_191 = tpu.memref_slice %arg3[%dma_wait3A_189, %dma_wait3A_190] : memref<100000x128xf32, #tpu.memory_space<hbm>> -> memref<100000x128xf32, #tpu.memory_space<hbm>>
    tpu.wait_indirect_dma semaphore(%arg8 : memref<!tpu.dma_semaphore, #tpu.memory_space<semaphore_mem>>) src(%dma_wait3A_191 : memref<100000x128xf32, #tpu.memory_space<hbm>>) dst(%dma_wait3A_186 : memref<256x128xf32, #tpu.memory_space<vmem>>)
    %scan3A_192 = arith.constant 0 : i32
    %scan3A_193 = arith.constant 0 : i32
    %scan3A_194 = arith.constant 256 : i32
    %scan3A_195 = arith.addi %scan3A_193, %scan3A_194 : i32
    %scan3A_196 = arith.constant 1 : i32
    scf.for %scan3A_648 = %scan3A_193 to %scan3A_195 step %scan3A_196  : i32 {
      %get3A = arith.constant 1 : i32
      %get3A_649 = arith.index_cast %get3A : i32 to index
      %get3A_650 = arith.index_cast %scan3A_648 : i32 to index
      %get3A_651 = arith.constant 0 : index
      %get3A_652 = tpu.vector_load %arg6[%get3A_649, %get3A_650, %get3A_651] {strides = array<i32>} : memref<2x256x128xf32, #tpu.memory_space<vmem>>, vector<1x1x16xf32>,
      %get3A_653 = vector.shape_cast %get3A_652 : vector<1x1x16xf32> to vector<16xf32>
      %max3A = arith.constant 0.000000e+00 : f32
      %max3A_654 = vector.broadcast %max3A : f32 to vector<16xf32>
      %max3A_655 = arith.maximumf %get3A_653, %max3A_654 : vector<16xf32>
      %swap3A = arith.constant 1 : i32
      %swap3A_656 = arith.index_cast %swap3A : i32 to index
      %swap3A_657 = arith.index_cast %scan3A_648 : i32 to index
      %swap3A_658 = arith.constant 0 : index
      %swap3A_659 = tpu.vector_load %arg6[%swap3A_656, %swap3A_657, %swap3A_658] {strides = array<i32>} : memref<2x256x128xf32, #tpu.memory_space<vmem>>, vector<1x1x16xf32>,
      %swap3A_660 = vector.shape_cast %swap3A_659 : vector<1x1x16xf32> to vector<16xf32>
      %swap3A_661 = vector.shape_cast %max3A_655 : vector<16xf32> to vector<1x1x16xf32>
      tpu.vector_store %arg6[%swap3A_656, %swap3A_657, %swap3A_658], %swap3A_661 {strides = array<i32>} : memref<2x256x128xf32, #tpu.memory_space<vmem>>, vector<1x1x16xf32>,
      %get3A_662 = arith.constant 1 : i32
      %get3A_663 = arith.index_cast %get3A_662 : i32 to index
      %get3A_664 = arith.index_cast %scan3A_648 : i32 to index
      %get3A_665 = arith.constant 16 : index
      %get3A_666 = tpu.vector_load %arg6[%get3A_663, %get3A_664, %get3A_665] {strides = array<i32>} : memref<2x256x128xf32, #tpu.memory_space<vmem>>, vector<1x1x16xf32>,
      %get3A_667 = vector.shape_cast %get3A_666 : vector<1x1x16xf32> to vector<16xf32>
      %max3A_668 = arith.constant 0.000000e+00 : f32
      %max3A_669 = vector.broadcast %max3A_668 : f32 to vector<16xf32>
      %max3A_670 = arith.maximumf %get3A_667, %max3A_669 : vector<16xf32>
      %swap3A_671 = arith.constant 1 : i32
      %swap3A_672 = arith.index_cast %swap3A_671 : i32 to index
      %swap3A_673 = arith.index_cast %scan3A_648 : i32 to index
      %swap3A_674 = arith.constant 16 : index
      %swap3A_675 = tpu.vector_load %arg6[%swap3A_672, %swap3A_673, %swap3A_674] {strides = array<i32>} : memref<2x256x128xf32, #tpu.memory_space<vmem>>, vector<1x1x16xf32>,
      %swap3A_676 = vector.shape_cast %swap3A_675 : vector<1x1x16xf32> to vector<16xf32>
      %swap3A_677 = vector.shape_cast %max3A_670 : vector<16xf32> to vector<1x1x16xf32>
      tpu.vector_store %arg6[%swap3A_672, %swap3A_673, %swap3A_674], %swap3A_677 {strides = array<i32>} : memref<2x256x128xf32, #tpu.memory_space<vmem>>, vector<1x1x16xf32>,
      %get3A_678 = arith.constant 1 : i32
      %get3A_679 = arith.index_cast %get3A_678 : i32 to index
      %get3A_680 = arith.index_cast %scan3A_648 : i32 to index
      %get3A_681 = arith.constant 32 : index
      %get3A_682 = tpu.vector_load %arg6[%get3A_679, %get3A_680, %get3A_681] {strides = array<i32>} : memref<2x256x128xf32, #tpu.memory_space<vmem>>, vector<1x1x16xf32>,
      %get3A_683 = vector.shape_cast %get3A_682 : vector<1x1x16xf32> to vector<16xf32>
      %max3A_684 = arith.constant 0.000000e+00 : f32
      %max3A_685 = vector.broadcast %max3A_684 : f32 to vector<16xf32>
      %max3A_686 = arith.maximumf %get3A_683, %max3A_685 : vector<16xf32>
      %swap3A_687 = arith.constant 1 : i32
      %swap3A_688 = arith.index_cast %swap3A_687 : i32 to index
      %swap3A_689 = arith.index_cast %scan3A_648 : i32 to index
      %swap3A_690 = arith.constant 32 : index
      %swap3A_691 = tpu.vector_load %arg6[%swap3A_688, %swap3A_689, %swap3A_690] {strides = array<i32>} : memref<2x256x128xf32, #tpu.memory_space<vmem>>, vector<1x1x16xf32>,
      %swap3A_692 = vector.shape_cast %swap3A_691 : vector<1x1x16xf32> to vector<16xf32>
      %swap3A_693 = vector.shape_cast %max3A_686 : vector<16xf32> to vector<1x1x16xf32>
      tpu.vector_store %arg6[%swap3A_688, %swap3A_689, %swap3A_690], %swap3A_693 {strides = array<i32>} : memref<2x256x128xf32, #tpu.memory_space<vmem>>, vector<1x1x16xf32>,
      %get3A_694 = arith.constant 1 : i32
      %get3A_695 = arith.index_cast %get3A_694 : i32 to index
      %get3A_696 = arith.index_cast %scan3A_648 : i32 to index
      %get3A_697 = arith.constant 48 : index
      %get3A_698 = tpu.vector_load %arg6[%get3A_695, %get3A_696, %get3A_697] {strides = array<i32>} : memref<2x256x128xf32, #tpu.memory_space<vmem>>, vector<1x1x16xf32>,
      %get3A_699 = vector.shape_cast %get3A_698 : vector<1x1x16xf32> to vector<16xf32>
      %max3A_700 = arith.constant 0.000000e+00 : f32
      %max3A_701 = vector.broadcast %max3A_700 : f32 to vector<16xf32>
      %max3A_702 = arith.maximumf %get3A_699, %max3A_701 : vector<16xf32>
      %swap3A_703 = arith.constant 1 : i32
      %swap3A_704 = arith.index_cast %swap3A_703 : i32 to index
      %swap3A_705 = arith.index_cast %scan3A_648 : i32 to index
      %swap3A_706 = arith.constant 48 : index
      %swap3A_707 = tpu.vector_load %arg6[%swap3A_704, %swap3A_705, %swap3A_706] {strides = array<i32>} : memref<2x256x128xf32, #tpu.memory_space<vmem>>, vector<1x1x16xf32>,
      %swap3A_708 = vector.shape_cast %swap3A_707 : vector<1x1x16xf32> to vector<16xf32>
      %swap3A_709 = vector.shape_cast %max3A_702 : vector<16xf32> to vector<1x1x16xf32>
      tpu.vector_store %arg6[%swap3A_704, %swap3A_705, %swap3A_706], %swap3A_709 {strides = array<i32>} : memref<2x256x128xf32, #tpu.memory_space<vmem>>, vector<1x1x16xf32>,
      %get3A_710 = arith.constant 1 : i32
      %get3A_711 = arith.index_cast %get3A_710 : i32 to index
      %get3A_712 = arith.index_cast %scan3A_648 : i32 to index
      %get3A_713 = arith.constant 64 : index
      %get3A_714 = tpu.vector_load %arg6[%get3A_711, %get3A_712, %get3A_713] {strides = array<i32>} : memref<2x256x128xf32, #tpu.memory_space<vmem>>, vector<1x1x16xf32>,
      %get3A_715 = vector.shape_cast %get3A_714 : vector<1x1x16xf32> to vector<16xf32>
      %max3A_716 = arith.constant 0.000000e+00 : f32
      %max3A_717 = vector.broadcast %max3A_716 : f32 to vector<16xf32>
      %max3A_718 = arith.maximumf %get3A_715, %max3A_717 : vector<16xf32>
      %swap3A_719 = arith.constant 1 : i32
      %swap3A_720 = arith.index_cast %swap3A_719 : i32 to index
      %swap3A_721 = arith.index_cast %scan3A_648 : i32 to index
      %swap3A_722 = arith.constant 64 : index
      %swap3A_723 = tpu.vector_load %arg6[%swap3A_720, %swap3A_721, %swap3A_722] {strides = array<i32>} : memref<2x256x128xf32, #tpu.memory_space<vmem>>, vector<1x1x16xf32>,
      %swap3A_724 = vector.shape_cast %swap3A_723 : vector<1x1x16xf32> to vector<16xf32>
      %swap3A_725 = vector.shape_cast %max3A_718 : vector<16xf32> to vector<1x1x16xf32>
      tpu.vector_store %arg6[%swap3A_720, %swap3A_721, %swap3A_722], %swap3A_725 {strides = array<i32>} : memref<2x256x128xf32, #tpu.memory_space<vmem>>, vector<1x1x16xf32>,
      %get3A_726 = arith.constant 1 : i32
      %get3A_727 = arith.index_cast %get3A_726 : i32 to index
      %get3A_728 = arith.index_cast %scan3A_648 : i32 to index
      %get3A_729 = arith.constant 80 : index
      %get3A_730 = tpu.vector_load %arg6[%get3A_727, %get3A_728, %get3A_729] {strides = array<i32>} : memref<2x256x128xf32, #tpu.memory_space<vmem>>, vector<1x1x16xf32>,
      %get3A_731 = vector.shape_cast %get3A_730 : vector<1x1x16xf32> to vector<16xf32>
      %max3A_732 = arith.constant 0.000000e+00 : f32
      %max3A_733 = vector.broadcast %max3A_732 : f32 to vector<16xf32>
      %max3A_734 = arith.maximumf %get3A_731, %max3A_733 : vector<16xf32>
      %swap3A_735 = arith.constant 1 : i32
      %swap3A_736 = arith.index_cast %swap3A_735 : i32 to index
      %swap3A_737 = arith.index_cast %scan3A_648 : i32 to index
      %swap3A_738 = arith.constant 80 : index
      %swap3A_739 = tpu.vector_load %arg6[%swap3A_736, %swap3A_737, %swap3A_738] {strides = array<i32>} : memref<2x256x128xf32, #tpu.memory_space<vmem>>, vector<1x1x16xf32>,
      %swap3A_740 = vector.shape_cast %swap3A_739 : vector<1x1x16xf32> to vector<16xf32>
      %swap3A_741 = vector.shape_cast %max3A_734 : vector<16xf32> to vector<1x1x16xf32>
      tpu.vector_store %arg6[%swap3A_736, %swap3A_737, %swap3A_738], %swap3A_741 {strides = array<i32>} : memref<2x256x128xf32, #tpu.memory_space<vmem>>, vector<1x1x16xf32>,
      %get3A_742 = arith.constant 1 : i32
      %get3A_743 = arith.index_cast %get3A_742 : i32 to index
      %get3A_744 = arith.index_cast %scan3A_648 : i32 to index
      %get3A_745 = arith.constant 96 : index
      %get3A_746 = tpu.vector_load %arg6[%get3A_743, %get3A_744, %get3A_745] {strides = array<i32>} : memref<2x256x128xf32, #tpu.memory_space<vmem>>, vector<1x1x16xf32>,
      %get3A_747 = vector.shape_cast %get3A_746 : vector<1x1x16xf32> to vector<16xf32>
      %max3A_748 = arith.constant 0.000000e+00 : f32
      %max3A_749 = vector.broadcast %max3A_748 : f32 to vector<16xf32>
      %max3A_750 = arith.maximumf %get3A_747, %max3A_749 : vector<16xf32>
      %swap3A_751 = arith.constant 1 : i32
      %swap3A_752 = arith.index_cast %swap3A_751 : i32 to index
      %swap3A_753 = arith.index_cast %scan3A_648 : i32 to index
      %swap3A_754 = arith.constant 96 : index
      %swap3A_755 = tpu.vector_load %arg6[%swap3A_752, %swap3A_753, %swap3A_754] {strides = array<i32>} : memref<2x256x128xf32, #tpu.memory_space<vmem>>, vector<1x1x16xf32>,
      %swap3A_756 = vector.shape_cast %swap3A_755 : vector<1x1x16xf32> to vector<16xf32>
      %swap3A_757 = vector.shape_cast %max3A_750 : vector<16xf32> to vector<1x1x16xf32>
      tpu.vector_store %arg6[%swap3A_752, %swap3A_753, %swap3A_754], %swap3A_757 {strides = array<i32>} : memref<2x256x128xf32, #tpu.memory_space<vmem>>, vector<1x1x16xf32>,
      %get3A_758 = arith.constant 1 : i32
      %get3A_759 = arith.index_cast %get3A_758 : i32 to index
      %get3A_760 = arith.index_cast %scan3A_648 : i32 to index
      %get3A_761 = arith.constant 112 : index
      %get3A_762 = tpu.vector_load %arg6[%get3A_759, %get3A_760, %get3A_761] {strides = array<i32>} : memref<2x256x128xf32, #tpu.memory_space<vmem>>, vector<1x1x16xf32>,
      %get3A_763 = vector.shape_cast %get3A_762 : vector<1x1x16xf32> to vector<16xf32>
      %max3A_764 = arith.constant 0.000000e+00 : f32
      %max3A_765 = vector.broadcast %max3A_764 : f32 to vector<16xf32>
      %max3A_766 = arith.maximumf %get3A_763, %max3A_765 : vector<16xf32>
      %swap3A_767 = arith.constant 1 : i32
      %swap3A_768 = arith.index_cast %swap3A_767 : i32 to index
      %swap3A_769 = arith.index_cast %scan3A_648 : i32 to index
      %swap3A_770 = arith.constant 112 : index
      %swap3A_771 = tpu.vector_load %arg6[%swap3A_768, %swap3A_769, %swap3A_770] {strides = array<i32>} : memref<2x256x128xf32, #tpu.memory_space<vmem>>, vector<1x1x16xf32>,
      %swap3A_772 = vector.shape_cast %swap3A_771 : vector<1x1x16xf32> to vector<16xf32>
      %swap3A_773 = vector.shape_cast %max3A_766 : vector<16xf32> to vector<1x1x16xf32>
      tpu.vector_store %arg6[%swap3A_768, %swap3A_769, %swap3A_770], %swap3A_773 {strides = array<i32>} : memref<2x256x128xf32, #tpu.memory_space<vmem>>, vector<1x1x16xf32>,
    }
    %scan3A_197 = arith.constant 256 : i32
    %add3A_198 = arith.constant 768 : i32
    %add3A_199 = arith.addi %mul3A_2, %add3A_198 : i32
    %dma_start3A_200 = arith.constant 1 : i32
    %dma_start3A_201 = arith.constant 0 : i32
    %dma_start3A_202 = arith.constant 0 : i32
    %dma_start3A_203 = tpu.memref_slice %arg6[%dma_start3A_200, %dma_start3A_201, %dma_start3A_202] : memref<2x256x128xf32, #tpu.memory_space<vmem>> -> memref<1x256x128xf32, #tpu.memory_space<vmem>>
    %dma_start3A_204 = tpu.memref_squeeze %dma_start3A_203 : memref<1x256x128xf32, #tpu.memory_space<vmem>> -> memref<256x128xf32, #tpu.memory_space<vmem>>
    %dma_start3A_205 = arith.constant 0 : i32
    %dma_start3A_206 = tpu.memref_slice %arg4[%add3A_199, %dma_start3A_205] : memref<98304x128xf32, #tpu.memory_space<hbm>> -> memref<256x128xf32, #tpu.memory_space<hbm>>
    %dma_start3A_207 = arith.constant 0 : i32
    %dma_start3A_208 = tpu.memref_slice %arg4[%add3A_199, %dma_start3A_207] : memref<98304x128xf32, #tpu.memory_space<hbm>> -> memref<256x128xf32, #tpu.memory_space<hbm>>
    %dma_start3A_209 = arith.constant 0 : i32
    %dma_start3A_210 = arith.constant 0 : i32
    %dma_start3A_211 = tpu.memref_slice %arg6[%dma_start3A_200, %dma_start3A_209, %dma_start3A_210] : memref<2x256x128xf32, #tpu.memory_space<vmem>> -> memref<1x256x128xf32, #tpu.memory_space<vmem>>
    %dma_start3A_212 = tpu.memref_squeeze %dma_start3A_211 : memref<1x256x128xf32, #tpu.memory_space<vmem>> -> memref<256x128xf32, #tpu.memory_space<vmem>>
    tpu.enqueue_dma source(%dma_start3A_212 : memref<256x128xf32, #tpu.memory_space<vmem>>) target(%dma_start3A_208 : memref<256x128xf32, #tpu.memory_space<hbm>>) target_semaphore(%arg10 : memref<!tpu.dma_semaphore, #tpu.memory_space<semaphore_mem>>)
    %dma_wait3A_213 = arith.constant 1 : i32
    %dma_wait3A_214 = arith.constant 0 : i32
    %dma_wait3A_215 = arith.constant 0 : i32
    %dma_wait3A_216 = tpu.memref_slice %arg6[%dma_wait3A_213, %dma_wait3A_214, %dma_wait3A_215] : memref<2x256x128xf32, #tpu.memory_space<vmem>> -> memref<1x256x128xf32, #tpu.memory_space<vmem>>
    %dma_wait3A_217 = tpu.memref_squeeze %dma_wait3A_216 : memref<1x256x128xf32, #tpu.memory_space<vmem>> -> memref<256x128xf32, #tpu.memory_space<vmem>>
    %dma_wait3A_218 = arith.constant 0 : i32
    %dma_wait3A_219 = tpu.memref_slice %arg4[%add3A_199, %dma_wait3A_218] : memref<98304x128xf32, #tpu.memory_space<hbm>> -> memref<256x128xf32, #tpu.memory_space<hbm>>
    %dma_wait3A_220 = arith.constant 0 : i32
    %dma_wait3A_221 = tpu.memref_slice %arg4[%add3A_199, %dma_wait3A_220] : memref<98304x128xf32, #tpu.memory_space<hbm>> -> memref<256x128xf32, #tpu.memory_space<hbm>>
    %dma_wait3A_222 = arith.constant 0 : i32
    %dma_wait3A_223 = arith.constant 0 : i32
    %dma_wait3A_224 = tpu.memref_slice %arg6[%dma_wait3A_213, %dma_wait3A_222, %dma_wait3A_223] : memref<2x256x128xf32, #tpu.memory_space<vmem>> -> memref<1x256x128xf32, #tpu.memory_space<vmem>>
    %dma_wait3A_225 = tpu.memref_squeeze %dma_wait3A_224 : memref<1x256x128xf32, #tpu.memory_space<vmem>> -> memref<256x128xf32, #tpu.memory_space<vmem>>
    tpu.wait_dma2 semaphore(%arg10 : memref<!tpu.dma_semaphore, #tpu.memory_space<semaphore_mem>>) src(%dma_wait3A_225 : memref<256x128xf32, #tpu.memory_space<vmem>>) dst(%dma_wait3A_221 : memref<256x128xf32, #tpu.memory_space<hbm>>)
    %dma_start3A_226 = arith.constant 1 : i32
    %dma_start3A_227 = arith.constant 0 : i32
    %dma_start3A_228 = arith.constant 0 : i32
    %dma_start3A_229 = tpu.memref_slice %arg6[%dma_start3A_226, %dma_start3A_227, %dma_start3A_228] : memref<2x256x128xf32, #tpu.memory_space<vmem>> -> memref<1x256x128xf32, #tpu.memory_space<vmem>>
    %dma_start3A_230 = tpu.memref_squeeze %dma_start3A_229 : memref<1x256x128xf32, #tpu.memory_space<vmem>> -> memref<256x128xf32, #tpu.memory_space<vmem>>
    %dma_start3A_231 = arith.constant 1280 : i32
    %dma_start3A_232 = tpu.memref_slice %arg5[%dma_start3A_231] : memref<3072xi32, #tpu.memory_space<vmem>> -> memref<256xi32, #tpu.memory_space<vmem>>
    %dma_start3A_233 = arith.constant 0 : i32
    %dma_start3A_234 = arith.constant 0 : i32
    %dma_start3A_235 = tpu.memref_slice %arg3[%dma_start3A_233, %dma_start3A_234] : memref<100000x128xf32, #tpu.memory_space<hbm>> -> memref<100000x128xf32, #tpu.memory_space<hbm>>
    tpu.enqueue_indirect_dma source(%dma_start3A_235 : memref<100000x128xf32, #tpu.memory_space<hbm>>) target(%dma_start3A_230 : memref<256x128xf32, #tpu.memory_space<vmem>>) offsets(%dma_start3A_232 : memref<256xi32, #tpu.memory_space<vmem>>) semaphore(%arg8 : memref<!tpu.dma_semaphore, #tpu.memory_space<semaphore_mem>>)
    %dma_wait3A_236 = arith.constant 0 : i32
    %dma_wait3A_237 = arith.constant 0 : i32
    %dma_wait3A_238 = arith.constant 0 : i32
    %dma_wait3A_239 = tpu.memref_slice %arg6[%dma_wait3A_236, %dma_wait3A_237, %dma_wait3A_238] : memref<2x256x128xf32, #tpu.memory_space<vmem>> -> memref<1x256x128xf32, #tpu.memory_space<vmem>>
    %dma_wait3A_240 = tpu.memref_squeeze %dma_wait3A_239 : memref<1x256x128xf32, #tpu.memory_space<vmem>> -> memref<256x128xf32, #tpu.memory_space<vmem>>
    %dma_wait3A_241 = arith.constant 1024 : i32
    %dma_wait3A_242 = tpu.memref_slice %arg5[%dma_wait3A_241] : memref<3072xi32, #tpu.memory_space<vmem>> -> memref<256xi32, #tpu.memory_space<vmem>>
    %dma_wait3A_243 = arith.constant 0 : i32
    %dma_wait3A_244 = arith.constant 0 : i32
    %dma_wait3A_245 = tpu.memref_slice %arg3[%dma_wait3A_243, %dma_wait3A_244] : memref<100000x128xf32, #tpu.memory_space<hbm>> -> memref<100000x128xf32, #tpu.memory_space<hbm>>
    tpu.wait_indirect_dma semaphore(%arg7 : memref<!tpu.dma_semaphore, #tpu.memory_space<semaphore_mem>>) src(%dma_wait3A_245 : memref<100000x128xf32, #tpu.memory_space<hbm>>) dst(%dma_wait3A_240 : memref<256x128xf32, #tpu.memory_space<vmem>>)
    %scan3A_246 = arith.constant 0 : i32
    %scan3A_247 = arith.constant 0 : i32
    %scan3A_248 = arith.constant 256 : i32
    %scan3A_249 = arith.addi %scan3A_247, %scan3A_248 : i32
    %scan3A_250 = arith.constant 1 : i32
    scf.for %scan3A_648 = %scan3A_247 to %scan3A_249 step %scan3A_250  : i32 {
      %get3A = arith.constant 0 : i32
      %get3A_649 = arith.index_cast %get3A : i32 to index
      %get3A_650 = arith.index_cast %scan3A_648 : i32 to index
      %get3A_651 = arith.constant 0 : index
      %get3A_652 = tpu.vector_load %arg6[%get3A_649, %get3A_650, %get3A_651] {strides = array<i32>} : memref<2x256x128xf32, #tpu.memory_space<vmem>>, vector<1x1x16xf32>,
      %get3A_653 = vector.shape_cast %get3A_652 : vector<1x1x16xf32> to vector<16xf32>
      %max3A = arith.constant 0.000000e+00 : f32
      %max3A_654 = vector.broadcast %max3A : f32 to vector<16xf32>
      %max3A_655 = arith.maximumf %get3A_653, %max3A_654 : vector<16xf32>
      %swap3A = arith.constant 0 : i32
      %swap3A_656 = arith.index_cast %swap3A : i32 to index
      %swap3A_657 = arith.index_cast %scan3A_648 : i32 to index
      %swap3A_658 = arith.constant 0 : index
      %swap3A_659 = tpu.vector_load %arg6[%swap3A_656, %swap3A_657, %swap3A_658] {strides = array<i32>} : memref<2x256x128xf32, #tpu.memory_space<vmem>>, vector<1x1x16xf32>,
      %swap3A_660 = vector.shape_cast %swap3A_659 : vector<1x1x16xf32> to vector<16xf32>
      %swap3A_661 = vector.shape_cast %max3A_655 : vector<16xf32> to vector<1x1x16xf32>
      tpu.vector_store %arg6[%swap3A_656, %swap3A_657, %swap3A_658], %swap3A_661 {strides = array<i32>} : memref<2x256x128xf32, #tpu.memory_space<vmem>>, vector<1x1x16xf32>,
      %get3A_662 = arith.constant 0 : i32
      %get3A_663 = arith.index_cast %get3A_662 : i32 to index
      %get3A_664 = arith.index_cast %scan3A_648 : i32 to index
      %get3A_665 = arith.constant 16 : index
      %get3A_666 = tpu.vector_load %arg6[%get3A_663, %get3A_664, %get3A_665] {strides = array<i32>} : memref<2x256x128xf32, #tpu.memory_space<vmem>>, vector<1x1x16xf32>,
      %get3A_667 = vector.shape_cast %get3A_666 : vector<1x1x16xf32> to vector<16xf32>
      %max3A_668 = arith.constant 0.000000e+00 : f32
      %max3A_669 = vector.broadcast %max3A_668 : f32 to vector<16xf32>
      %max3A_670 = arith.maximumf %get3A_667, %max3A_669 : vector<16xf32>
      %swap3A_671 = arith.constant 0 : i32
      %swap3A_672 = arith.index_cast %swap3A_671 : i32 to index
      %swap3A_673 = arith.index_cast %scan3A_648 : i32 to index
      %swap3A_674 = arith.constant 16 : index
      %swap3A_675 = tpu.vector_load %arg6[%swap3A_672, %swap3A_673, %swap3A_674] {strides = array<i32>} : memref<2x256x128xf32, #tpu.memory_space<vmem>>, vector<1x1x16xf32>,
      %swap3A_676 = vector.shape_cast %swap3A_675 : vector<1x1x16xf32> to vector<16xf32>
      %swap3A_677 = vector.shape_cast %max3A_670 : vector<16xf32> to vector<1x1x16xf32>
      tpu.vector_store %arg6[%swap3A_672, %swap3A_673, %swap3A_674], %swap3A_677 {strides = array<i32>} : memref<2x256x128xf32, #tpu.memory_space<vmem>>, vector<1x1x16xf32>,
      %get3A_678 = arith.constant 0 : i32
      %get3A_679 = arith.index_cast %get3A_678 : i32 to index
      %get3A_680 = arith.index_cast %scan3A_648 : i32 to index
      %get3A_681 = arith.constant 32 : index
      %get3A_682 = tpu.vector_load %arg6[%get3A_679, %get3A_680, %get3A_681] {strides = array<i32>} : memref<2x256x128xf32, #tpu.memory_space<vmem>>, vector<1x1x16xf32>,
      %get3A_683 = vector.shape_cast %get3A_682 : vector<1x1x16xf32> to vector<16xf32>
      %max3A_684 = arith.constant 0.000000e+00 : f32
      %max3A_685 = vector.broadcast %max3A_684 : f32 to vector<16xf32>
      %max3A_686 = arith.maximumf %get3A_683, %max3A_685 : vector<16xf32>
      %swap3A_687 = arith.constant 0 : i32
      %swap3A_688 = arith.index_cast %swap3A_687 : i32 to index
      %swap3A_689 = arith.index_cast %scan3A_648 : i32 to index
      %swap3A_690 = arith.constant 32 : index
      %swap3A_691 = tpu.vector_load %arg6[%swap3A_688, %swap3A_689, %swap3A_690] {strides = array<i32>} : memref<2x256x128xf32, #tpu.memory_space<vmem>>, vector<1x1x16xf32>,
      %swap3A_692 = vector.shape_cast %swap3A_691 : vector<1x1x16xf32> to vector<16xf32>
      %swap3A_693 = vector.shape_cast %max3A_686 : vector<16xf32> to vector<1x1x16xf32>
      tpu.vector_store %arg6[%swap3A_688, %swap3A_689, %swap3A_690], %swap3A_693 {strides = array<i32>} : memref<2x256x128xf32, #tpu.memory_space<vmem>>, vector<1x1x16xf32>,
      %get3A_694 = arith.constant 0 : i32
      %get3A_695 = arith.index_cast %get3A_694 : i32 to index
      %get3A_696 = arith.index_cast %scan3A_648 : i32 to index
      %get3A_697 = arith.constant 48 : index
      %get3A_698 = tpu.vector_load %arg6[%get3A_695, %get3A_696, %get3A_697] {strides = array<i32>} : memref<2x256x128xf32, #tpu.memory_space<vmem>>, vector<1x1x16xf32>,
      %get3A_699 = vector.shape_cast %get3A_698 : vector<1x1x16xf32> to vector<16xf32>
      %max3A_700 = arith.constant 0.000000e+00 : f32
      %max3A_701 = vector.broadcast %max3A_700 : f32 to vector<16xf32>
      %max3A_702 = arith.maximumf %get3A_699, %max3A_701 : vector<16xf32>
      %swap3A_703 = arith.constant 0 : i32
      %swap3A_704 = arith.index_cast %swap3A_703 : i32 to index
      %swap3A_705 = arith.index_cast %scan3A_648 : i32 to index
      %swap3A_706 = arith.constant 48 : index
      %swap3A_707 = tpu.vector_load %arg6[%swap3A_704, %swap3A_705, %swap3A_706] {strides = array<i32>} : memref<2x256x128xf32, #tpu.memory_space<vmem>>, vector<1x1x16xf32>,
      %swap3A_708 = vector.shape_cast %swap3A_707 : vector<1x1x16xf32> to vector<16xf32>
      %swap3A_709 = vector.shape_cast %max3A_702 : vector<16xf32> to vector<1x1x16xf32>
      tpu.vector_store %arg6[%swap3A_704, %swap3A_705, %swap3A_706], %swap3A_709 {strides = array<i32>} : memref<2x256x128xf32, #tpu.memory_space<vmem>>, vector<1x1x16xf32>,
      %get3A_710 = arith.constant 0 : i32
      %get3A_711 = arith.index_cast %get3A_710 : i32 to index
      %get3A_712 = arith.index_cast %scan3A_648 : i32 to index
      %get3A_713 = arith.constant 64 : index
      %get3A_714 = tpu.vector_load %arg6[%get3A_711, %get3A_712, %get3A_713] {strides = array<i32>} : memref<2x256x128xf32, #tpu.memory_space<vmem>>, vector<1x1x16xf32>,
      %get3A_715 = vector.shape_cast %get3A_714 : vector<1x1x16xf32> to vector<16xf32>
      %max3A_716 = arith.constant 0.000000e+00 : f32
      %max3A_717 = vector.broadcast %max3A_716 : f32 to vector<16xf32>
      %max3A_718 = arith.maximumf %get3A_715, %max3A_717 : vector<16xf32>
      %swap3A_719 = arith.constant 0 : i32
      %swap3A_720 = arith.index_cast %swap3A_719 : i32 to index
      %swap3A_721 = arith.index_cast %scan3A_648 : i32 to index
      %swap3A_722 = arith.constant 64 : index
      %swap3A_723 = tpu.vector_load %arg6[%swap3A_720, %swap3A_721, %swap3A_722] {strides = array<i32>} : memref<2x256x128xf32, #tpu.memory_space<vmem>>, vector<1x1x16xf32>,
      %swap3A_724 = vector.shape_cast %swap3A_723 : vector<1x1x16xf32> to vector<16xf32>
      %swap3A_725 = vector.shape_cast %max3A_718 : vector<16xf32> to vector<1x1x16xf32>
      tpu.vector_store %arg6[%swap3A_720, %swap3A_721, %swap3A_722], %swap3A_725 {strides = array<i32>} : memref<2x256x128xf32, #tpu.memory_space<vmem>>, vector<1x1x16xf32>,
      %get3A_726 = arith.constant 0 : i32
      %get3A_727 = arith.index_cast %get3A_726 : i32 to index
      %get3A_728 = arith.index_cast %scan3A_648 : i32 to index
      %get3A_729 = arith.constant 80 : index
      %get3A_730 = tpu.vector_load %arg6[%get3A_727, %get3A_728, %get3A_729] {strides = array<i32>} : memref<2x256x128xf32, #tpu.memory_space<vmem>>, vector<1x1x16xf32>,
      %get3A_731 = vector.shape_cast %get3A_730 : vector<1x1x16xf32> to vector<16xf32>
      %max3A_732 = arith.constant 0.000000e+00 : f32
      %max3A_733 = vector.broadcast %max3A_732 : f32 to vector<16xf32>
      %max3A_734 = arith.maximumf %get3A_731, %max3A_733 : vector<16xf32>
      %swap3A_735 = arith.constant 0 : i32
      %swap3A_736 = arith.index_cast %swap3A_735 : i32 to index
      %swap3A_737 = arith.index_cast %scan3A_648 : i32 to index
      %swap3A_738 = arith.constant 80 : index
      %swap3A_739 = tpu.vector_load %arg6[%swap3A_736, %swap3A_737, %swap3A_738] {strides = array<i32>} : memref<2x256x128xf32, #tpu.memory_space<vmem>>, vector<1x1x16xf32>,
      %swap3A_740 = vector.shape_cast %swap3A_739 : vector<1x1x16xf32> to vector<16xf32>
      %swap3A_741 = vector.shape_cast %max3A_734 : vector<16xf32> to vector<1x1x16xf32>
      tpu.vector_store %arg6[%swap3A_736, %swap3A_737, %swap3A_738], %swap3A_741 {strides = array<i32>} : memref<2x256x128xf32, #tpu.memory_space<vmem>>, vector<1x1x16xf32>,
      %get3A_742 = arith.constant 0 : i32
      %get3A_743 = arith.index_cast %get3A_742 : i32 to index
      %get3A_744 = arith.index_cast %scan3A_648 : i32 to index
      %get3A_745 = arith.constant 96 : index
      %get3A_746 = tpu.vector_load %arg6[%get3A_743, %get3A_744, %get3A_745] {strides = array<i32>} : memref<2x256x128xf32, #tpu.memory_space<vmem>>, vector<1x1x16xf32>,
      %get3A_747 = vector.shape_cast %get3A_746 : vector<1x1x16xf32> to vector<16xf32>
      %max3A_748 = arith.constant 0.000000e+00 : f32
      %max3A_749 = vector.broadcast %max3A_748 : f32 to vector<16xf32>
      %max3A_750 = arith.maximumf %get3A_747, %max3A_749 : vector<16xf32>
      %swap3A_751 = arith.constant 0 : i32
      %swap3A_752 = arith.index_cast %swap3A_751 : i32 to index
      %swap3A_753 = arith.index_cast %scan3A_648 : i32 to index
      %swap3A_754 = arith.constant 96 : index
      %swap3A_755 = tpu.vector_load %arg6[%swap3A_752, %swap3A_753, %swap3A_754] {strides = array<i32>} : memref<2x256x128xf32, #tpu.memory_space<vmem>>, vector<1x1x16xf32>,
      %swap3A_756 = vector.shape_cast %swap3A_755 : vector<1x1x16xf32> to vector<16xf32>
      %swap3A_757 = vector.shape_cast %max3A_750 : vector<16xf32> to vector<1x1x16xf32>
      tpu.vector_store %arg6[%swap3A_752, %swap3A_753, %swap3A_754], %swap3A_757 {strides = array<i32>} : memref<2x256x128xf32, #tpu.memory_space<vmem>>, vector<1x1x16xf32>,
      %get3A_758 = arith.constant 0 : i32
      %get3A_759 = arith.index_cast %get3A_758 : i32 to index
      %get3A_760 = arith.index_cast %scan3A_648 : i32 to index
      %get3A_761 = arith.constant 112 : index
      %get3A_762 = tpu.vector_load %arg6[%get3A_759, %get3A_760, %get3A_761] {strides = array<i32>} : memref<2x256x128xf32, #tpu.memory_space<vmem>>, vector<1x1x16xf32>,
      %get3A_763 = vector.shape_cast %get3A_762 : vector<1x1x16xf32> to vector<16xf32>
      %max3A_764 = arith.constant 0.000000e+00 : f32
      %max3A_765 = vector.broadcast %max3A_764 : f32 to vector<16xf32>
      %max3A_766 = arith.maximumf %get3A_763, %max3A_765 : vector<16xf32>
      %swap3A_767 = arith.constant 0 : i32
      %swap3A_768 = arith.index_cast %swap3A_767 : i32 to index
      %swap3A_769 = arith.index_cast %scan3A_648 : i32 to index
      %swap3A_770 = arith.constant 112 : index
      %swap3A_771 = tpu.vector_load %arg6[%swap3A_768, %swap3A_769, %swap3A_770] {strides = array<i32>} : memref<2x256x128xf32, #tpu.memory_space<vmem>>, vector<1x1x16xf32>,
      %swap3A_772 = vector.shape_cast %swap3A_771 : vector<1x1x16xf32> to vector<16xf32>
      %swap3A_773 = vector.shape_cast %max3A_766 : vector<16xf32> to vector<1x1x16xf32>
      tpu.vector_store %arg6[%swap3A_768, %swap3A_769, %swap3A_770], %swap3A_773 {strides = array<i32>} : memref<2x256x128xf32, #tpu.memory_space<vmem>>, vector<1x1x16xf32>,
    }
    %scan3A_251 = arith.constant 256 : i32
    %add3A_252 = arith.constant 1024 : i32
    %add3A_253 = arith.addi %mul3A_2, %add3A_252 : i32
    %dma_start3A_254 = arith.constant 0 : i32
    %dma_start3A_255 = arith.constant 0 : i32
    %dma_start3A_256 = arith.constant 0 : i32
    %dma_start3A_257 = tpu.memref_slice %arg6[%dma_start3A_254, %dma_start3A_255, %dma_start3A_256] : memref<2x256x128xf32, #tpu.memory_space<vmem>> -> memref<1x256x128xf32, #tpu.memory_space<vmem>>
    %dma_start3A_258 = tpu.memref_squeeze %dma_start3A_257 : memref<1x256x128xf32, #tpu.memory_space<vmem>> -> memref<256x128xf32, #tpu.memory_space<vmem>>
    %dma_start3A_259 = arith.constant 0 : i32
    %dma_start3A_260 = tpu.memref_slice %arg4[%add3A_253, %dma_start3A_259] : memref<98304x128xf32, #tpu.memory_space<hbm>> -> memref<256x128xf32, #tpu.memory_space<hbm>>
    %dma_start3A_261 = arith.constant 0 : i32
    %dma_start3A_262 = tpu.memref_slice %arg4[%add3A_253, %dma_start3A_261] : memref<98304x128xf32, #tpu.memory_space<hbm>> -> memref<256x128xf32, #tpu.memory_space<hbm>>
    %dma_start3A_263 = arith.constant 0 : i32
    %dma_start3A_264 = arith.constant 0 : i32
    %dma_start3A_265 = tpu.memref_slice %arg6[%dma_start3A_254, %dma_start3A_263, %dma_start3A_264] : memref<2x256x128xf32, #tpu.memory_space<vmem>> -> memref<1x256x128xf32, #tpu.memory_space<vmem>>
    %dma_start3A_266 = tpu.memref_squeeze %dma_start3A_265 : memref<1x256x128xf32, #tpu.memory_space<vmem>> -> memref<256x128xf32, #tpu.memory_space<vmem>>
    tpu.enqueue_dma source(%dma_start3A_266 : memref<256x128xf32, #tpu.memory_space<vmem>>) target(%dma_start3A_262 : memref<256x128xf32, #tpu.memory_space<hbm>>) target_semaphore(%arg9 : memref<!tpu.dma_semaphore, #tpu.memory_space<semaphore_mem>>)
    %dma_wait3A_267 = arith.constant 0 : i32
    %dma_wait3A_268 = arith.constant 0 : i32
    %dma_wait3A_269 = arith.constant 0 : i32
    %dma_wait3A_270 = tpu.memref_slice %arg6[%dma_wait3A_267, %dma_wait3A_268, %dma_wait3A_269] : memref<2x256x128xf32, #tpu.memory_space<vmem>> -> memref<1x256x128xf32, #tpu.memory_space<vmem>>
    %dma_wait3A_271 = tpu.memref_squeeze %dma_wait3A_270 : memref<1x256x128xf32, #tpu.memory_space<vmem>> -> memref<256x128xf32, #tpu.memory_space<vmem>>
    %dma_wait3A_272 = arith.constant 0 : i32
    %dma_wait3A_273 = tpu.memref_slice %arg4[%add3A_253, %dma_wait3A_272] : memref<98304x128xf32, #tpu.memory_space<hbm>> -> memref<256x128xf32, #tpu.memory_space<hbm>>
    %dma_wait3A_274 = arith.constant 0 : i32
    %dma_wait3A_275 = tpu.memref_slice %arg4[%add3A_253, %dma_wait3A_274] : memref<98304x128xf32, #tpu.memory_space<hbm>> -> memref<256x128xf32, #tpu.memory_space<hbm>>
    %dma_wait3A_276 = arith.constant 0 : i32
    %dma_wait3A_277 = arith.constant 0 : i32
    %dma_wait3A_278 = tpu.memref_slice %arg6[%dma_wait3A_267, %dma_wait3A_276, %dma_wait3A_277] : memref<2x256x128xf32, #tpu.memory_space<vmem>> -> memref<1x256x128xf32, #tpu.memory_space<vmem>>
    %dma_wait3A_279 = tpu.memref_squeeze %dma_wait3A_278 : memref<1x256x128xf32, #tpu.memory_space<vmem>> -> memref<256x128xf32, #tpu.memory_space<vmem>>
    tpu.wait_dma2 semaphore(%arg9 : memref<!tpu.dma_semaphore, #tpu.memory_space<semaphore_mem>>) src(%dma_wait3A_279 : memref<256x128xf32, #tpu.memory_space<vmem>>) dst(%dma_wait3A_275 : memref<256x128xf32, #tpu.memory_space<hbm>>)
    %dma_start3A_280 = arith.constant 0 : i32
    %dma_start3A_281 = arith.constant 0 : i32
    %dma_start3A_282 = arith.constant 0 : i32
    %dma_start3A_283 = tpu.memref_slice %arg6[%dma_start3A_280, %dma_start3A_281, %dma_start3A_282] : memref<2x256x128xf32, #tpu.memory_space<vmem>> -> memref<1x256x128xf32, #tpu.memory_space<vmem>>
    %dma_start3A_284 = tpu.memref_squeeze %dma_start3A_283 : memref<1x256x128xf32, #tpu.memory_space<vmem>> -> memref<256x128xf32, #tpu.memory_space<vmem>>
    %dma_start3A_285 = arith.constant 1536 : i32
    %dma_start3A_286 = tpu.memref_slice %arg5[%dma_start3A_285] : memref<3072xi32, #tpu.memory_space<vmem>> -> memref<256xi32, #tpu.memory_space<vmem>>
    %dma_start3A_287 = arith.constant 0 : i32
    %dma_start3A_288 = arith.constant 0 : i32
    %dma_start3A_289 = tpu.memref_slice %arg3[%dma_start3A_287, %dma_start3A_288] : memref<100000x128xf32, #tpu.memory_space<hbm>> -> memref<100000x128xf32, #tpu.memory_space<hbm>>
    tpu.enqueue_indirect_dma source(%dma_start3A_289 : memref<100000x128xf32, #tpu.memory_space<hbm>>) target(%dma_start3A_284 : memref<256x128xf32, #tpu.memory_space<vmem>>) offsets(%dma_start3A_286 : memref<256xi32, #tpu.memory_space<vmem>>) semaphore(%arg7 : memref<!tpu.dma_semaphore, #tpu.memory_space<semaphore_mem>>)
    %dma_wait3A_290 = arith.constant 1 : i32
    %dma_wait3A_291 = arith.constant 0 : i32
    %dma_wait3A_292 = arith.constant 0 : i32
    %dma_wait3A_293 = tpu.memref_slice %arg6[%dma_wait3A_290, %dma_wait3A_291, %dma_wait3A_292] : memref<2x256x128xf32, #tpu.memory_space<vmem>> -> memref<1x256x128xf32, #tpu.memory_space<vmem>>
    %dma_wait3A_294 = tpu.memref_squeeze %dma_wait3A_293 : memref<1x256x128xf32, #tpu.memory_space<vmem>> -> memref<256x128xf32, #tpu.memory_space<vmem>>
    %dma_wait3A_295 = arith.constant 1280 : i32
    %dma_wait3A_296 = tpu.memref_slice %arg5[%dma_wait3A_295] : memref<3072xi32, #tpu.memory_space<vmem>> -> memref<256xi32, #tpu.memory_space<vmem>>
    %dma_wait3A_297 = arith.constant 0 : i32
    %dma_wait3A_298 = arith.constant 0 : i32
    %dma_wait3A_299 = tpu.memref_slice %arg3[%dma_wait3A_297, %dma_wait3A_298] : memref<100000x128xf32, #tpu.memory_space<hbm>> -> memref<100000x128xf32, #tpu.memory_space<hbm>>
    tpu.wait_indirect_dma semaphore(%arg8 : memref<!tpu.dma_semaphore, #tpu.memory_space<semaphore_mem>>) src(%dma_wait3A_299 : memref<100000x128xf32, #tpu.memory_space<hbm>>) dst(%dma_wait3A_294 : memref<256x128xf32, #tpu.memory_space<vmem>>)
    %scan3A_300 = arith.constant 0 : i32
    %scan3A_301 = arith.constant 0 : i32
    %scan3A_302 = arith.constant 256 : i32
    %scan3A_303 = arith.addi %scan3A_301, %scan3A_302 : i32
    %scan3A_304 = arith.constant 1 : i32
    scf.for %scan3A_648 = %scan3A_301 to %scan3A_303 step %scan3A_304  : i32 {
      %get3A = arith.constant 1 : i32
      %get3A_649 = arith.index_cast %get3A : i32 to index
      %get3A_650 = arith.index_cast %scan3A_648 : i32 to index
      %get3A_651 = arith.constant 0 : index
      %get3A_652 = tpu.vector_load %arg6[%get3A_649, %get3A_650, %get3A_651] {strides = array<i32>} : memref<2x256x128xf32, #tpu.memory_space<vmem>>, vector<1x1x16xf32>,
      %get3A_653 = vector.shape_cast %get3A_652 : vector<1x1x16xf32> to vector<16xf32>
      %max3A = arith.constant 0.000000e+00 : f32
      %max3A_654 = vector.broadcast %max3A : f32 to vector<16xf32>
      %max3A_655 = arith.maximumf %get3A_653, %max3A_654 : vector<16xf32>
      %swap3A = arith.constant 1 : i32
      %swap3A_656 = arith.index_cast %swap3A : i32 to index
      %swap3A_657 = arith.index_cast %scan3A_648 : i32 to index
      %swap3A_658 = arith.constant 0 : index
      %swap3A_659 = tpu.vector_load %arg6[%swap3A_656, %swap3A_657, %swap3A_658] {strides = array<i32>} : memref<2x256x128xf32, #tpu.memory_space<vmem>>, vector<1x1x16xf32>,
      %swap3A_660 = vector.shape_cast %swap3A_659 : vector<1x1x16xf32> to vector<16xf32>
      %swap3A_661 = vector.shape_cast %max3A_655 : vector<16xf32> to vector<1x1x16xf32>
      tpu.vector_store %arg6[%swap3A_656, %swap3A_657, %swap3A_658], %swap3A_661 {strides = array<i32>} : memref<2x256x128xf32, #tpu.memory_space<vmem>>, vector<1x1x16xf32>,
      %get3A_662 = arith.constant 1 : i32
      %get3A_663 = arith.index_cast %get3A_662 : i32 to index
      %get3A_664 = arith.index_cast %scan3A_648 : i32 to index
      %get3A_665 = arith.constant 16 : index
      %get3A_666 = tpu.vector_load %arg6[%get3A_663, %get3A_664, %get3A_665] {strides = array<i32>} : memref<2x256x128xf32, #tpu.memory_space<vmem>>, vector<1x1x16xf32>,
      %get3A_667 = vector.shape_cast %get3A_666 : vector<1x1x16xf32> to vector<16xf32>
      %max3A_668 = arith.constant 0.000000e+00 : f32
      %max3A_669 = vector.broadcast %max3A_668 : f32 to vector<16xf32>
      %max3A_670 = arith.maximumf %get3A_667, %max3A_669 : vector<16xf32>
      %swap3A_671 = arith.constant 1 : i32
      %swap3A_672 = arith.index_cast %swap3A_671 : i32 to index
      %swap3A_673 = arith.index_cast %scan3A_648 : i32 to index
      %swap3A_674 = arith.constant 16 : index
      %swap3A_675 = tpu.vector_load %arg6[%swap3A_672, %swap3A_673, %swap3A_674] {strides = array<i32>} : memref<2x256x128xf32, #tpu.memory_space<vmem>>, vector<1x1x16xf32>,
      %swap3A_676 = vector.shape_cast %swap3A_675 : vector<1x1x16xf32> to vector<16xf32>
      %swap3A_677 = vector.shape_cast %max3A_670 : vector<16xf32> to vector<1x1x16xf32>
      tpu.vector_store %arg6[%swap3A_672, %swap3A_673, %swap3A_674], %swap3A_677 {strides = array<i32>} : memref<2x256x128xf32, #tpu.memory_space<vmem>>, vector<1x1x16xf32>,
      %get3A_678 = arith.constant 1 : i32
      %get3A_679 = arith.index_cast %get3A_678 : i32 to index
      %get3A_680 = arith.index_cast %scan3A_648 : i32 to index
      %get3A_681 = arith.constant 32 : index
      %get3A_682 = tpu.vector_load %arg6[%get3A_679, %get3A_680, %get3A_681] {strides = array<i32>} : memref<2x256x128xf32, #tpu.memory_space<vmem>>, vector<1x1x16xf32>,
      %get3A_683 = vector.shape_cast %get3A_682 : vector<1x1x16xf32> to vector<16xf32>
      %max3A_684 = arith.constant 0.000000e+00 : f32
      %max3A_685 = vector.broadcast %max3A_684 : f32 to vector<16xf32>
      %max3A_686 = arith.maximumf %get3A_683, %max3A_685 : vector<16xf32>
      %swap3A_687 = arith.constant 1 : i32
      %swap3A_688 = arith.index_cast %swap3A_687 : i32 to index
      %swap3A_689 = arith.index_cast %scan3A_648 : i32 to index
      %swap3A_690 = arith.constant 32 : index
      %swap3A_691 = tpu.vector_load %arg6[%swap3A_688, %swap3A_689, %swap3A_690] {strides = array<i32>} : memref<2x256x128xf32, #tpu.memory_space<vmem>>, vector<1x1x16xf32>,
      %swap3A_692 = vector.shape_cast %swap3A_691 : vector<1x1x16xf32> to vector<16xf32>
      %swap3A_693 = vector.shape_cast %max3A_686 : vector<16xf32> to vector<1x1x16xf32>
      tpu.vector_store %arg6[%swap3A_688, %swap3A_689, %swap3A_690], %swap3A_693 {strides = array<i32>} : memref<2x256x128xf32, #tpu.memory_space<vmem>>, vector<1x1x16xf32>,
      %get3A_694 = arith.constant 1 : i32
      %get3A_695 = arith.index_cast %get3A_694 : i32 to index
      %get3A_696 = arith.index_cast %scan3A_648 : i32 to index
      %get3A_697 = arith.constant 48 : index
      %get3A_698 = tpu.vector_load %arg6[%get3A_695, %get3A_696, %get3A_697] {strides = array<i32>} : memref<2x256x128xf32, #tpu.memory_space<vmem>>, vector<1x1x16xf32>,
      %get3A_699 = vector.shape_cast %get3A_698 : vector<1x1x16xf32> to vector<16xf32>
      %max3A_700 = arith.constant 0.000000e+00 : f32
      %max3A_701 = vector.broadcast %max3A_700 : f32 to vector<16xf32>
      %max3A_702 = arith.maximumf %get3A_699, %max3A_701 : vector<16xf32>
      %swap3A_703 = arith.constant 1 : i32
      %swap3A_704 = arith.index_cast %swap3A_703 : i32 to index
      %swap3A_705 = arith.index_cast %scan3A_648 : i32 to index
      %swap3A_706 = arith.constant 48 : index
      %swap3A_707 = tpu.vector_load %arg6[%swap3A_704, %swap3A_705, %swap3A_706] {strides = array<i32>} : memref<2x256x128xf32, #tpu.memory_space<vmem>>, vector<1x1x16xf32>,
      %swap3A_708 = vector.shape_cast %swap3A_707 : vector<1x1x16xf32> to vector<16xf32>
      %swap3A_709 = vector.shape_cast %max3A_702 : vector<16xf32> to vector<1x1x16xf32>
      tpu.vector_store %arg6[%swap3A_704, %swap3A_705, %swap3A_706], %swap3A_709 {strides = array<i32>} : memref<2x256x128xf32, #tpu.memory_space<vmem>>, vector<1x1x16xf32>,
      %get3A_710 = arith.constant 1 : i32
      %get3A_711 = arith.index_cast %get3A_710 : i32 to index
      %get3A_712 = arith.index_cast %scan3A_648 : i32 to index
      %get3A_713 = arith.constant 64 : index
      %get3A_714 = tpu.vector_load %arg6[%get3A_711, %get3A_712, %get3A_713] {strides = array<i32>} : memref<2x256x128xf32, #tpu.memory_space<vmem>>, vector<1x1x16xf32>,
      %get3A_715 = vector.shape_cast %get3A_714 : vector<1x1x16xf32> to vector<16xf32>
      %max3A_716 = arith.constant 0.000000e+00 : f32
      %max3A_717 = vector.broadcast %max3A_716 : f32 to vector<16xf32>
      %max3A_718 = arith.maximumf %get3A_715, %max3A_717 : vector<16xf32>
      %swap3A_719 = arith.constant 1 : i32
      %swap3A_720 = arith.index_cast %swap3A_719 : i32 to index
      %swap3A_721 = arith.index_cast %scan3A_648 : i32 to index
      %swap3A_722 = arith.constant 64 : index
      %swap3A_723 = tpu.vector_load %arg6[%swap3A_720, %swap3A_721, %swap3A_722] {strides = array<i32>} : memref<2x256x128xf32, #tpu.memory_space<vmem>>, vector<1x1x16xf32>,
      %swap3A_724 = vector.shape_cast %swap3A_723 : vector<1x1x16xf32> to vector<16xf32>
      %swap3A_725 = vector.shape_cast %max3A_718 : vector<16xf32> to vector<1x1x16xf32>
      tpu.vector_store %arg6[%swap3A_720, %swap3A_721, %swap3A_722], %swap3A_725 {strides = array<i32>} : memref<2x256x128xf32, #tpu.memory_space<vmem>>, vector<1x1x16xf32>,
      %get3A_726 = arith.constant 1 : i32
      %get3A_727 = arith.index_cast %get3A_726 : i32 to index
      %get3A_728 = arith.index_cast %scan3A_648 : i32 to index
      %get3A_729 = arith.constant 80 : index
      %get3A_730 = tpu.vector_load %arg6[%get3A_727, %get3A_728, %get3A_729] {strides = array<i32>} : memref<2x256x128xf32, #tpu.memory_space<vmem>>, vector<1x1x16xf32>,
      %get3A_731 = vector.shape_cast %get3A_730 : vector<1x1x16xf32> to vector<16xf32>
      %max3A_732 = arith.constant 0.000000e+00 : f32
      %max3A_733 = vector.broadcast %max3A_732 : f32 to vector<16xf32>
      %max3A_734 = arith.maximumf %get3A_731, %max3A_733 : vector<16xf32>
      %swap3A_735 = arith.constant 1 : i32
      %swap3A_736 = arith.index_cast %swap3A_735 : i32 to index
      %swap3A_737 = arith.index_cast %scan3A_648 : i32 to index
      %swap3A_738 = arith.constant 80 : index
      %swap3A_739 = tpu.vector_load %arg6[%swap3A_736, %swap3A_737, %swap3A_738] {strides = array<i32>} : memref<2x256x128xf32, #tpu.memory_space<vmem>>, vector<1x1x16xf32>,
      %swap3A_740 = vector.shape_cast %swap3A_739 : vector<1x1x16xf32> to vector<16xf32>
      %swap3A_741 = vector.shape_cast %max3A_734 : vector<16xf32> to vector<1x1x16xf32>
      tpu.vector_store %arg6[%swap3A_736, %swap3A_737, %swap3A_738], %swap3A_741 {strides = array<i32>} : memref<2x256x128xf32, #tpu.memory_space<vmem>>, vector<1x1x16xf32>,
      %get3A_742 = arith.constant 1 : i32
      %get3A_743 = arith.index_cast %get3A_742 : i32 to index
      %get3A_744 = arith.index_cast %scan3A_648 : i32 to index
      %get3A_745 = arith.constant 96 : index
      %get3A_746 = tpu.vector_load %arg6[%get3A_743, %get3A_744, %get3A_745] {strides = array<i32>} : memref<2x256x128xf32, #tpu.memory_space<vmem>>, vector<1x1x16xf32>,
      %get3A_747 = vector.shape_cast %get3A_746 : vector<1x1x16xf32> to vector<16xf32>
      %max3A_748 = arith.constant 0.000000e+00 : f32
      %max3A_749 = vector.broadcast %max3A_748 : f32 to vector<16xf32>
      %max3A_750 = arith.maximumf %get3A_747, %max3A_749 : vector<16xf32>
      %swap3A_751 = arith.constant 1 : i32
      %swap3A_752 = arith.index_cast %swap3A_751 : i32 to index
      %swap3A_753 = arith.index_cast %scan3A_648 : i32 to index
      %swap3A_754 = arith.constant 96 : index
      %swap3A_755 = tpu.vector_load %arg6[%swap3A_752, %swap3A_753, %swap3A_754] {strides = array<i32>} : memref<2x256x128xf32, #tpu.memory_space<vmem>>, vector<1x1x16xf32>,
      %swap3A_756 = vector.shape_cast %swap3A_755 : vector<1x1x16xf32> to vector<16xf32>
      %swap3A_757 = vector.shape_cast %max3A_750 : vector<16xf32> to vector<1x1x16xf32>
      tpu.vector_store %arg6[%swap3A_752, %swap3A_753, %swap3A_754], %swap3A_757 {strides = array<i32>} : memref<2x256x128xf32, #tpu.memory_space<vmem>>, vector<1x1x16xf32>,
      %get3A_758 = arith.constant 1 : i32
      %get3A_759 = arith.index_cast %get3A_758 : i32 to index
      %get3A_760 = arith.index_cast %scan3A_648 : i32 to index
      %get3A_761 = arith.constant 112 : index
      %get3A_762 = tpu.vector_load %arg6[%get3A_759, %get3A_760, %get3A_761] {strides = array<i32>} : memref<2x256x128xf32, #tpu.memory_space<vmem>>, vector<1x1x16xf32>,
      %get3A_763 = vector.shape_cast %get3A_762 : vector<1x1x16xf32> to vector<16xf32>
      %max3A_764 = arith.constant 0.000000e+00 : f32
      %max3A_765 = vector.broadcast %max3A_764 : f32 to vector<16xf32>
      %max3A_766 = arith.maximumf %get3A_763, %max3A_765 : vector<16xf32>
      %swap3A_767 = arith.constant 1 : i32
      %swap3A_768 = arith.index_cast %swap3A_767 : i32 to index
      %swap3A_769 = arith.index_cast %scan3A_648 : i32 to index
      %swap3A_770 = arith.constant 112 : index
      %swap3A_771 = tpu.vector_load %arg6[%swap3A_768, %swap3A_769, %swap3A_770] {strides = array<i32>} : memref<2x256x128xf32, #tpu.memory_space<vmem>>, vector<1x1x16xf32>,
      %swap3A_772 = vector.shape_cast %swap3A_771 : vector<1x1x16xf32> to vector<16xf32>
      %swap3A_773 = vector.shape_cast %max3A_766 : vector<16xf32> to vector<1x1x16xf32>
      tpu.vector_store %arg6[%swap3A_768, %swap3A_769, %swap3A_770], %swap3A_773 {strides = array<i32>} : memref<2x256x128xf32, #tpu.memory_space<vmem>>, vector<1x1x16xf32>,
    }
    %scan3A_305 = arith.constant 256 : i32
    %add3A_306 = arith.constant 1280 : i32
    %add3A_307 = arith.addi %mul3A_2, %add3A_306 : i32
    %dma_start3A_308 = arith.constant 1 : i32
    %dma_start3A_309 = arith.constant 0 : i32
    %dma_start3A_310 = arith.constant 0 : i32
    %dma_start3A_311 = tpu.memref_slice %arg6[%dma_start3A_308, %dma_start3A_309, %dma_start3A_310] : memref<2x256x128xf32, #tpu.memory_space<vmem>> -> memref<1x256x128xf32, #tpu.memory_space<vmem>>
    %dma_start3A_312 = tpu.memref_squeeze %dma_start3A_311 : memref<1x256x128xf32, #tpu.memory_space<vmem>> -> memref<256x128xf32, #tpu.memory_space<vmem>>
    %dma_start3A_313 = arith.constant 0 : i32
    %dma_start3A_314 = tpu.memref_slice %arg4[%add3A_307, %dma_start3A_313] : memref<98304x128xf32, #tpu.memory_space<hbm>> -> memref<256x128xf32, #tpu.memory_space<hbm>>
    %dma_start3A_315 = arith.constant 0 : i32
    %dma_start3A_316 = tpu.memref_slice %arg4[%add3A_307, %dma_start3A_315] : memref<98304x128xf32, #tpu.memory_space<hbm>> -> memref<256x128xf32, #tpu.memory_space<hbm>>
    %dma_start3A_317 = arith.constant 0 : i32
    %dma_start3A_318 = arith.constant 0 : i32
    %dma_start3A_319 = tpu.memref_slice %arg6[%dma_start3A_308, %dma_start3A_317, %dma_start3A_318] : memref<2x256x128xf32, #tpu.memory_space<vmem>> -> memref<1x256x128xf32, #tpu.memory_space<vmem>>
    %dma_start3A_320 = tpu.memref_squeeze %dma_start3A_319 : memref<1x256x128xf32, #tpu.memory_space<vmem>> -> memref<256x128xf32, #tpu.memory_space<vmem>>
    tpu.enqueue_dma source(%dma_start3A_320 : memref<256x128xf32, #tpu.memory_space<vmem>>) target(%dma_start3A_316 : memref<256x128xf32, #tpu.memory_space<hbm>>) target_semaphore(%arg10 : memref<!tpu.dma_semaphore, #tpu.memory_space<semaphore_mem>>)
    %dma_wait3A_321 = arith.constant 1 : i32
    %dma_wait3A_322 = arith.constant 0 : i32
    %dma_wait3A_323 = arith.constant 0 : i32
    %dma_wait3A_324 = tpu.memref_slice %arg6[%dma_wait3A_321, %dma_wait3A_322, %dma_wait3A_323] : memref<2x256x128xf32, #tpu.memory_space<vmem>> -> memref<1x256x128xf32, #tpu.memory_space<vmem>>
    %dma_wait3A_325 = tpu.memref_squeeze %dma_wait3A_324 : memref<1x256x128xf32, #tpu.memory_space<vmem>> -> memref<256x128xf32, #tpu.memory_space<vmem>>
    %dma_wait3A_326 = arith.constant 0 : i32
    %dma_wait3A_327 = tpu.memref_slice %arg4[%add3A_307, %dma_wait3A_326] : memref<98304x128xf32, #tpu.memory_space<hbm>> -> memref<256x128xf32, #tpu.memory_space<hbm>>
    %dma_wait3A_328 = arith.constant 0 : i32
    %dma_wait3A_329 = tpu.memref_slice %arg4[%add3A_307, %dma_wait3A_328] : memref<98304x128xf32, #tpu.memory_space<hbm>> -> memref<256x128xf32, #tpu.memory_space<hbm>>
    %dma_wait3A_330 = arith.constant 0 : i32
    %dma_wait3A_331 = arith.constant 0 : i32
    %dma_wait3A_332 = tpu.memref_slice %arg6[%dma_wait3A_321, %dma_wait3A_330, %dma_wait3A_331] : memref<2x256x128xf32, #tpu.memory_space<vmem>> -> memref<1x256x128xf32, #tpu.memory_space<vmem>>
    %dma_wait3A_333 = tpu.memref_squeeze %dma_wait3A_332 : memref<1x256x128xf32, #tpu.memory_space<vmem>> -> memref<256x128xf32, #tpu.memory_space<vmem>>
    tpu.wait_dma2 semaphore(%arg10 : memref<!tpu.dma_semaphore, #tpu.memory_space<semaphore_mem>>) src(%dma_wait3A_333 : memref<256x128xf32, #tpu.memory_space<vmem>>) dst(%dma_wait3A_329 : memref<256x128xf32, #tpu.memory_space<hbm>>)
    %dma_start3A_334 = arith.constant 1 : i32
    %dma_start3A_335 = arith.constant 0 : i32
    %dma_start3A_336 = arith.constant 0 : i32
    %dma_start3A_337 = tpu.memref_slice %arg6[%dma_start3A_334, %dma_start3A_335, %dma_start3A_336] : memref<2x256x128xf32, #tpu.memory_space<vmem>> -> memref<1x256x128xf32, #tpu.memory_space<vmem>>
    %dma_start3A_338 = tpu.memref_squeeze %dma_start3A_337 : memref<1x256x128xf32, #tpu.memory_space<vmem>> -> memref<256x128xf32, #tpu.memory_space<vmem>>
    %dma_start3A_339 = arith.constant 1792 : i32
    %dma_start3A_340 = tpu.memref_slice %arg5[%dma_start3A_339] : memref<3072xi32, #tpu.memory_space<vmem>> -> memref<256xi32, #tpu.memory_space<vmem>>
    %dma_start3A_341 = arith.constant 0 : i32
    %dma_start3A_342 = arith.constant 0 : i32
    %dma_start3A_343 = tpu.memref_slice %arg3[%dma_start3A_341, %dma_start3A_342] : memref<100000x128xf32, #tpu.memory_space<hbm>> -> memref<100000x128xf32, #tpu.memory_space<hbm>>
    tpu.enqueue_indirect_dma source(%dma_start3A_343 : memref<100000x128xf32, #tpu.memory_space<hbm>>) target(%dma_start3A_338 : memref<256x128xf32, #tpu.memory_space<vmem>>) offsets(%dma_start3A_340 : memref<256xi32, #tpu.memory_space<vmem>>) semaphore(%arg8 : memref<!tpu.dma_semaphore, #tpu.memory_space<semaphore_mem>>)
    %dma_wait3A_344 = arith.constant 0 : i32
    %dma_wait3A_345 = arith.constant 0 : i32
    %dma_wait3A_346 = arith.constant 0 : i32
    %dma_wait3A_347 = tpu.memref_slice %arg6[%dma_wait3A_344, %dma_wait3A_345, %dma_wait3A_346] : memref<2x256x128xf32, #tpu.memory_space<vmem>> -> memref<1x256x128xf32, #tpu.memory_space<vmem>>
    %dma_wait3A_348 = tpu.memref_squeeze %dma_wait3A_347 : memref<1x256x128xf32, #tpu.memory_space<vmem>> -> memref<256x128xf32, #tpu.memory_space<vmem>>
    %dma_wait3A_349 = arith.constant 1536 : i32
    %dma_wait3A_350 = tpu.memref_slice %arg5[%dma_wait3A_349] : memref<3072xi32, #tpu.memory_space<vmem>> -> memref<256xi32, #tpu.memory_space<vmem>>
    %dma_wait3A_351 = arith.constant 0 : i32
    %dma_wait3A_352 = arith.constant 0 : i32
    %dma_wait3A_353 = tpu.memref_slice %arg3[%dma_wait3A_351, %dma_wait3A_352] : memref<100000x128xf32, #tpu.memory_space<hbm>> -> memref<100000x128xf32, #tpu.memory_space<hbm>>
    tpu.wait_indirect_dma semaphore(%arg7 : memref<!tpu.dma_semaphore, #tpu.memory_space<semaphore_mem>>) src(%dma_wait3A_353 : memref<100000x128xf32, #tpu.memory_space<hbm>>) dst(%dma_wait3A_348 : memref<256x128xf32, #tpu.memory_space<vmem>>)
    %scan3A_354 = arith.constant 0 : i32
    %scan3A_355 = arith.constant 0 : i32
    %scan3A_356 = arith.constant 256 : i32
    %scan3A_357 = arith.addi %scan3A_355, %scan3A_356 : i32
    %scan3A_358 = arith.constant 1 : i32
    scf.for %scan3A_648 = %scan3A_355 to %scan3A_357 step %scan3A_358  : i32 {
      %get3A = arith.constant 0 : i32
      %get3A_649 = arith.index_cast %get3A : i32 to index
      %get3A_650 = arith.index_cast %scan3A_648 : i32 to index
      %get3A_651 = arith.constant 0 : index
      %get3A_652 = tpu.vector_load %arg6[%get3A_649, %get3A_650, %get3A_651] {strides = array<i32>} : memref<2x256x128xf32, #tpu.memory_space<vmem>>, vector<1x1x16xf32>,
      %get3A_653 = vector.shape_cast %get3A_652 : vector<1x1x16xf32> to vector<16xf32>
      %max3A = arith.constant 0.000000e+00 : f32
      %max3A_654 = vector.broadcast %max3A : f32 to vector<16xf32>
      %max3A_655 = arith.maximumf %get3A_653, %max3A_654 : vector<16xf32>
      %swap3A = arith.constant 0 : i32
      %swap3A_656 = arith.index_cast %swap3A : i32 to index
      %swap3A_657 = arith.index_cast %scan3A_648 : i32 to index
      %swap3A_658 = arith.constant 0 : index
      %swap3A_659 = tpu.vector_load %arg6[%swap3A_656, %swap3A_657, %swap3A_658] {strides = array<i32>} : memref<2x256x128xf32, #tpu.memory_space<vmem>>, vector<1x1x16xf32>,
      %swap3A_660 = vector.shape_cast %swap3A_659 : vector<1x1x16xf32> to vector<16xf32>
      %swap3A_661 = vector.shape_cast %max3A_655 : vector<16xf32> to vector<1x1x16xf32>
      tpu.vector_store %arg6[%swap3A_656, %swap3A_657, %swap3A_658], %swap3A_661 {strides = array<i32>} : memref<2x256x128xf32, #tpu.memory_space<vmem>>, vector<1x1x16xf32>,
      %get3A_662 = arith.constant 0 : i32
      %get3A_663 = arith.index_cast %get3A_662 : i32 to index
      %get3A_664 = arith.index_cast %scan3A_648 : i32 to index
      %get3A_665 = arith.constant 16 : index
      %get3A_666 = tpu.vector_load %arg6[%get3A_663, %get3A_664, %get3A_665] {strides = array<i32>} : memref<2x256x128xf32, #tpu.memory_space<vmem>>, vector<1x1x16xf32>,
      %get3A_667 = vector.shape_cast %get3A_666 : vector<1x1x16xf32> to vector<16xf32>
      %max3A_668 = arith.constant 0.000000e+00 : f32
      %max3A_669 = vector.broadcast %max3A_668 : f32 to vector<16xf32>
      %max3A_670 = arith.maximumf %get3A_667, %max3A_669 : vector<16xf32>
      %swap3A_671 = arith.constant 0 : i32
      %swap3A_672 = arith.index_cast %swap3A_671 : i32 to index
      %swap3A_673 = arith.index_cast %scan3A_648 : i32 to index
      %swap3A_674 = arith.constant 16 : index
      %swap3A_675 = tpu.vector_load %arg6[%swap3A_672, %swap3A_673, %swap3A_674] {strides = array<i32>} : memref<2x256x128xf32, #tpu.memory_space<vmem>>, vector<1x1x16xf32>,
      %swap3A_676 = vector.shape_cast %swap3A_675 : vector<1x1x16xf32> to vector<16xf32>
      %swap3A_677 = vector.shape_cast %max3A_670 : vector<16xf32> to vector<1x1x16xf32>
      tpu.vector_store %arg6[%swap3A_672, %swap3A_673, %swap3A_674], %swap3A_677 {strides = array<i32>} : memref<2x256x128xf32, #tpu.memory_space<vmem>>, vector<1x1x16xf32>,
      %get3A_678 = arith.constant 0 : i32
      %get3A_679 = arith.index_cast %get3A_678 : i32 to index
      %get3A_680 = arith.index_cast %scan3A_648 : i32 to index
      %get3A_681 = arith.constant 32 : index
      %get3A_682 = tpu.vector_load %arg6[%get3A_679, %get3A_680, %get3A_681] {strides = array<i32>} : memref<2x256x128xf32, #tpu.memory_space<vmem>>, vector<1x1x16xf32>,
      %get3A_683 = vector.shape_cast %get3A_682 : vector<1x1x16xf32> to vector<16xf32>
      %max3A_684 = arith.constant 0.000000e+00 : f32
      %max3A_685 = vector.broadcast %max3A_684 : f32 to vector<16xf32>
      %max3A_686 = arith.maximumf %get3A_683, %max3A_685 : vector<16xf32>
      %swap3A_687 = arith.constant 0 : i32
      %swap3A_688 = arith.index_cast %swap3A_687 : i32 to index
      %swap3A_689 = arith.index_cast %scan3A_648 : i32 to index
      %swap3A_690 = arith.constant 32 : index
      %swap3A_691 = tpu.vector_load %arg6[%swap3A_688, %swap3A_689, %swap3A_690] {strides = array<i32>} : memref<2x256x128xf32, #tpu.memory_space<vmem>>, vector<1x1x16xf32>,
      %swap3A_692 = vector.shape_cast %swap3A_691 : vector<1x1x16xf32> to vector<16xf32>
      %swap3A_693 = vector.shape_cast %max3A_686 : vector<16xf32> to vector<1x1x16xf32>
      tpu.vector_store %arg6[%swap3A_688, %swap3A_689, %swap3A_690], %swap3A_693 {strides = array<i32>} : memref<2x256x128xf32, #tpu.memory_space<vmem>>, vector<1x1x16xf32>,
      %get3A_694 = arith.constant 0 : i32
      %get3A_695 = arith.index_cast %get3A_694 : i32 to index
      %get3A_696 = arith.index_cast %scan3A_648 : i32 to index
      %get3A_697 = arith.constant 48 : index
      %get3A_698 = tpu.vector_load %arg6[%get3A_695, %get3A_696, %get3A_697] {strides = array<i32>} : memref<2x256x128xf32, #tpu.memory_space<vmem>>, vector<1x1x16xf32>,
      %get3A_699 = vector.shape_cast %get3A_698 : vector<1x1x16xf32> to vector<16xf32>
      %max3A_700 = arith.constant 0.000000e+00 : f32
      %max3A_701 = vector.broadcast %max3A_700 : f32 to vector<16xf32>
      %max3A_702 = arith.maximumf %get3A_699, %max3A_701 : vector<16xf32>
      %swap3A_703 = arith.constant 0 : i32
      %swap3A_704 = arith.index_cast %swap3A_703 : i32 to index
      %swap3A_705 = arith.index_cast %scan3A_648 : i32 to index
      %swap3A_706 = arith.constant 48 : index
      %swap3A_707 = tpu.vector_load %arg6[%swap3A_704, %swap3A_705, %swap3A_706] {strides = array<i32>} : memref<2x256x128xf32, #tpu.memory_space<vmem>>, vector<1x1x16xf32>,
      %swap3A_708 = vector.shape_cast %swap3A_707 : vector<1x1x16xf32> to vector<16xf32>
      %swap3A_709 = vector.shape_cast %max3A_702 : vector<16xf32> to vector<1x1x16xf32>
      tpu.vector_store %arg6[%swap3A_704, %swap3A_705, %swap3A_706], %swap3A_709 {strides = array<i32>} : memref<2x256x128xf32, #tpu.memory_space<vmem>>, vector<1x1x16xf32>,
      %get3A_710 = arith.constant 0 : i32
      %get3A_711 = arith.index_cast %get3A_710 : i32 to index
      %get3A_712 = arith.index_cast %scan3A_648 : i32 to index
      %get3A_713 = arith.constant 64 : index
      %get3A_714 = tpu.vector_load %arg6[%get3A_711, %get3A_712, %get3A_713] {strides = array<i32>} : memref<2x256x128xf32, #tpu.memory_space<vmem>>, vector<1x1x16xf32>,
      %get3A_715 = vector.shape_cast %get3A_714 : vector<1x1x16xf32> to vector<16xf32>
      %max3A_716 = arith.constant 0.000000e+00 : f32
      %max3A_717 = vector.broadcast %max3A_716 : f32 to vector<16xf32>
      %max3A_718 = arith.maximumf %get3A_715, %max3A_717 : vector<16xf32>
      %swap3A_719 = arith.constant 0 : i32
      %swap3A_720 = arith.index_cast %swap3A_719 : i32 to index
      %swap3A_721 = arith.index_cast %scan3A_648 : i32 to index
      %swap3A_722 = arith.constant 64 : index
      %swap3A_723 = tpu.vector_load %arg6[%swap3A_720, %swap3A_721, %swap3A_722] {strides = array<i32>} : memref<2x256x128xf32, #tpu.memory_space<vmem>>, vector<1x1x16xf32>,
      %swap3A_724 = vector.shape_cast %swap3A_723 : vector<1x1x16xf32> to vector<16xf32>
      %swap3A_725 = vector.shape_cast %max3A_718 : vector<16xf32> to vector<1x1x16xf32>
      tpu.vector_store %arg6[%swap3A_720, %swap3A_721, %swap3A_722], %swap3A_725 {strides = array<i32>} : memref<2x256x128xf32, #tpu.memory_space<vmem>>, vector<1x1x16xf32>,
      %get3A_726 = arith.constant 0 : i32
      %get3A_727 = arith.index_cast %get3A_726 : i32 to index
      %get3A_728 = arith.index_cast %scan3A_648 : i32 to index
      %get3A_729 = arith.constant 80 : index
      %get3A_730 = tpu.vector_load %arg6[%get3A_727, %get3A_728, %get3A_729] {strides = array<i32>} : memref<2x256x128xf32, #tpu.memory_space<vmem>>, vector<1x1x16xf32>,
      %get3A_731 = vector.shape_cast %get3A_730 : vector<1x1x16xf32> to vector<16xf32>
      %max3A_732 = arith.constant 0.000000e+00 : f32
      %max3A_733 = vector.broadcast %max3A_732 : f32 to vector<16xf32>
      %max3A_734 = arith.maximumf %get3A_731, %max3A_733 : vector<16xf32>
      %swap3A_735 = arith.constant 0 : i32
      %swap3A_736 = arith.index_cast %swap3A_735 : i32 to index
      %swap3A_737 = arith.index_cast %scan3A_648 : i32 to index
      %swap3A_738 = arith.constant 80 : index
      %swap3A_739 = tpu.vector_load %arg6[%swap3A_736, %swap3A_737, %swap3A_738] {strides = array<i32>} : memref<2x256x128xf32, #tpu.memory_space<vmem>>, vector<1x1x16xf32>,
      %swap3A_740 = vector.shape_cast %swap3A_739 : vector<1x1x16xf32> to vector<16xf32>
      %swap3A_741 = vector.shape_cast %max3A_734 : vector<16xf32> to vector<1x1x16xf32>
      tpu.vector_store %arg6[%swap3A_736, %swap3A_737, %swap3A_738], %swap3A_741 {strides = array<i32>} : memref<2x256x128xf32, #tpu.memory_space<vmem>>, vector<1x1x16xf32>,
      %get3A_742 = arith.constant 0 : i32
      %get3A_743 = arith.index_cast %get3A_742 : i32 to index
      %get3A_744 = arith.index_cast %scan3A_648 : i32 to index
      %get3A_745 = arith.constant 96 : index
      %get3A_746 = tpu.vector_load %arg6[%get3A_743, %get3A_744, %get3A_745] {strides = array<i32>} : memref<2x256x128xf32, #tpu.memory_space<vmem>>, vector<1x1x16xf32>,
      %get3A_747 = vector.shape_cast %get3A_746 : vector<1x1x16xf32> to vector<16xf32>
      %max3A_748 = arith.constant 0.000000e+00 : f32
      %max3A_749 = vector.broadcast %max3A_748 : f32 to vector<16xf32>
      %max3A_750 = arith.maximumf %get3A_747, %max3A_749 : vector<16xf32>
      %swap3A_751 = arith.constant 0 : i32
      %swap3A_752 = arith.index_cast %swap3A_751 : i32 to index
      %swap3A_753 = arith.index_cast %scan3A_648 : i32 to index
      %swap3A_754 = arith.constant 96 : index
      %swap3A_755 = tpu.vector_load %arg6[%swap3A_752, %swap3A_753, %swap3A_754] {strides = array<i32>} : memref<2x256x128xf32, #tpu.memory_space<vmem>>, vector<1x1x16xf32>,
      %swap3A_756 = vector.shape_cast %swap3A_755 : vector<1x1x16xf32> to vector<16xf32>
      %swap3A_757 = vector.shape_cast %max3A_750 : vector<16xf32> to vector<1x1x16xf32>
      tpu.vector_store %arg6[%swap3A_752, %swap3A_753, %swap3A_754], %swap3A_757 {strides = array<i32>} : memref<2x256x128xf32, #tpu.memory_space<vmem>>, vector<1x1x16xf32>,
      %get3A_758 = arith.constant 0 : i32
      %get3A_759 = arith.index_cast %get3A_758 : i32 to index
      %get3A_760 = arith.index_cast %scan3A_648 : i32 to index
      %get3A_761 = arith.constant 112 : index
      %get3A_762 = tpu.vector_load %arg6[%get3A_759, %get3A_760, %get3A_761] {strides = array<i32>} : memref<2x256x128xf32, #tpu.memory_space<vmem>>, vector<1x1x16xf32>,
      %get3A_763 = vector.shape_cast %get3A_762 : vector<1x1x16xf32> to vector<16xf32>
      %max3A_764 = arith.constant 0.000000e+00 : f32
      %max3A_765 = vector.broadcast %max3A_764 : f32 to vector<16xf32>
      %max3A_766 = arith.maximumf %get3A_763, %max3A_765 : vector<16xf32>
      %swap3A_767 = arith.constant 0 : i32
      %swap3A_768 = arith.index_cast %swap3A_767 : i32 to index
      %swap3A_769 = arith.index_cast %scan3A_648 : i32 to index
      %swap3A_770 = arith.constant 112 : index
      %swap3A_771 = tpu.vector_load %arg6[%swap3A_768, %swap3A_769, %swap3A_770] {strides = array<i32>} : memref<2x256x128xf32, #tpu.memory_space<vmem>>, vector<1x1x16xf32>,
      %swap3A_772 = vector.shape_cast %swap3A_771 : vector<1x1x16xf32> to vector<16xf32>
      %swap3A_773 = vector.shape_cast %max3A_766 : vector<16xf32> to vector<1x1x16xf32>
      tpu.vector_store %arg6[%swap3A_768, %swap3A_769, %swap3A_770], %swap3A_773 {strides = array<i32>} : memref<2x256x128xf32, #tpu.memory_space<vmem>>, vector<1x1x16xf32>,
    }
    %scan3A_359 = arith.constant 256 : i32
    %add3A_360 = arith.constant 1536 : i32
    %add3A_361 = arith.addi %mul3A_2, %add3A_360 : i32
    %dma_start3A_362 = arith.constant 0 : i32
    %dma_start3A_363 = arith.constant 0 : i32
    %dma_start3A_364 = arith.constant 0 : i32
    %dma_start3A_365 = tpu.memref_slice %arg6[%dma_start3A_362, %dma_start3A_363, %dma_start3A_364] : memref<2x256x128xf32, #tpu.memory_space<vmem>> -> memref<1x256x128xf32, #tpu.memory_space<vmem>>
    %dma_start3A_366 = tpu.memref_squeeze %dma_start3A_365 : memref<1x256x128xf32, #tpu.memory_space<vmem>> -> memref<256x128xf32, #tpu.memory_space<vmem>>
    %dma_start3A_367 = arith.constant 0 : i32
    %dma_start3A_368 = tpu.memref_slice %arg4[%add3A_361, %dma_start3A_367] : memref<98304x128xf32, #tpu.memory_space<hbm>> -> memref<256x128xf32, #tpu.memory_space<hbm>>
    %dma_start3A_369 = arith.constant 0 : i32
    %dma_start3A_370 = tpu.memref_slice %arg4[%add3A_361, %dma_start3A_369] : memref<98304x128xf32, #tpu.memory_space<hbm>> -> memref<256x128xf32, #tpu.memory_space<hbm>>
    %dma_start3A_371 = arith.constant 0 : i32
    %dma_start3A_372 = arith.constant 0 : i32
    %dma_start3A_373 = tpu.memref_slice %arg6[%dma_start3A_362, %dma_start3A_371, %dma_start3A_372] : memref<2x256x128xf32, #tpu.memory_space<vmem>> -> memref<1x256x128xf32, #tpu.memory_space<vmem>>
    %dma_start3A_374 = tpu.memref_squeeze %dma_start3A_373 : memref<1x256x128xf32, #tpu.memory_space<vmem>> -> memref<256x128xf32, #tpu.memory_space<vmem>>
    tpu.enqueue_dma source(%dma_start3A_374 : memref<256x128xf32, #tpu.memory_space<vmem>>) target(%dma_start3A_370 : memref<256x128xf32, #tpu.memory_space<hbm>>) target_semaphore(%arg9 : memref<!tpu.dma_semaphore, #tpu.memory_space<semaphore_mem>>)
    %dma_wait3A_375 = arith.constant 0 : i32
    %dma_wait3A_376 = arith.constant 0 : i32
    %dma_wait3A_377 = arith.constant 0 : i32
    %dma_wait3A_378 = tpu.memref_slice %arg6[%dma_wait3A_375, %dma_wait3A_376, %dma_wait3A_377] : memref<2x256x128xf32, #tpu.memory_space<vmem>> -> memref<1x256x128xf32, #tpu.memory_space<vmem>>
    %dma_wait3A_379 = tpu.memref_squeeze %dma_wait3A_378 : memref<1x256x128xf32, #tpu.memory_space<vmem>> -> memref<256x128xf32, #tpu.memory_space<vmem>>
    %dma_wait3A_380 = arith.constant 0 : i32
    %dma_wait3A_381 = tpu.memref_slice %arg4[%add3A_361, %dma_wait3A_380] : memref<98304x128xf32, #tpu.memory_space<hbm>> -> memref<256x128xf32, #tpu.memory_space<hbm>>
    %dma_wait3A_382 = arith.constant 0 : i32
    %dma_wait3A_383 = tpu.memref_slice %arg4[%add3A_361, %dma_wait3A_382] : memref<98304x128xf32, #tpu.memory_space<hbm>> -> memref<256x128xf32, #tpu.memory_space<hbm>>
    %dma_wait3A_384 = arith.constant 0 : i32
    %dma_wait3A_385 = arith.constant 0 : i32
    %dma_wait3A_386 = tpu.memref_slice %arg6[%dma_wait3A_375, %dma_wait3A_384, %dma_wait3A_385] : memref<2x256x128xf32, #tpu.memory_space<vmem>> -> memref<1x256x128xf32, #tpu.memory_space<vmem>>
    %dma_wait3A_387 = tpu.memref_squeeze %dma_wait3A_386 : memref<1x256x128xf32, #tpu.memory_space<vmem>> -> memref<256x128xf32, #tpu.memory_space<vmem>>
    tpu.wait_dma2 semaphore(%arg9 : memref<!tpu.dma_semaphore, #tpu.memory_space<semaphore_mem>>) src(%dma_wait3A_387 : memref<256x128xf32, #tpu.memory_space<vmem>>) dst(%dma_wait3A_383 : memref<256x128xf32, #tpu.memory_space<hbm>>)
    %dma_start3A_388 = arith.constant 0 : i32
    %dma_start3A_389 = arith.constant 0 : i32
    %dma_start3A_390 = arith.constant 0 : i32
    %dma_start3A_391 = tpu.memref_slice %arg6[%dma_start3A_388, %dma_start3A_389, %dma_start3A_390] : memref<2x256x128xf32, #tpu.memory_space<vmem>> -> memref<1x256x128xf32, #tpu.memory_space<vmem>>
    %dma_start3A_392 = tpu.memref_squeeze %dma_start3A_391 : memref<1x256x128xf32, #tpu.memory_space<vmem>> -> memref<256x128xf32, #tpu.memory_space<vmem>>
    %dma_start3A_393 = arith.constant 2048 : i32
    %dma_start3A_394 = tpu.memref_slice %arg5[%dma_start3A_393] : memref<3072xi32, #tpu.memory_space<vmem>> -> memref<256xi32, #tpu.memory_space<vmem>>
    %dma_start3A_395 = arith.constant 0 : i32
    %dma_start3A_396 = arith.constant 0 : i32
    %dma_start3A_397 = tpu.memref_slice %arg3[%dma_start3A_395, %dma_start3A_396] : memref<100000x128xf32, #tpu.memory_space<hbm>> -> memref<100000x128xf32, #tpu.memory_space<hbm>>
    tpu.enqueue_indirect_dma source(%dma_start3A_397 : memref<100000x128xf32, #tpu.memory_space<hbm>>) target(%dma_start3A_392 : memref<256x128xf32, #tpu.memory_space<vmem>>) offsets(%dma_start3A_394 : memref<256xi32, #tpu.memory_space<vmem>>) semaphore(%arg7 : memref<!tpu.dma_semaphore, #tpu.memory_space<semaphore_mem>>)
    %dma_wait3A_398 = arith.constant 1 : i32
    %dma_wait3A_399 = arith.constant 0 : i32
    %dma_wait3A_400 = arith.constant 0 : i32
    %dma_wait3A_401 = tpu.memref_slice %arg6[%dma_wait3A_398, %dma_wait3A_399, %dma_wait3A_400] : memref<2x256x128xf32, #tpu.memory_space<vmem>> -> memref<1x256x128xf32, #tpu.memory_space<vmem>>
    %dma_wait3A_402 = tpu.memref_squeeze %dma_wait3A_401 : memref<1x256x128xf32, #tpu.memory_space<vmem>> -> memref<256x128xf32, #tpu.memory_space<vmem>>
    %dma_wait3A_403 = arith.constant 1792 : i32
    %dma_wait3A_404 = tpu.memref_slice %arg5[%dma_wait3A_403] : memref<3072xi32, #tpu.memory_space<vmem>> -> memref<256xi32, #tpu.memory_space<vmem>>
    %dma_wait3A_405 = arith.constant 0 : i32
    %dma_wait3A_406 = arith.constant 0 : i32
    %dma_wait3A_407 = tpu.memref_slice %arg3[%dma_wait3A_405, %dma_wait3A_406] : memref<100000x128xf32, #tpu.memory_space<hbm>> -> memref<100000x128xf32, #tpu.memory_space<hbm>>
    tpu.wait_indirect_dma semaphore(%arg8 : memref<!tpu.dma_semaphore, #tpu.memory_space<semaphore_mem>>) src(%dma_wait3A_407 : memref<100000x128xf32, #tpu.memory_space<hbm>>) dst(%dma_wait3A_402 : memref<256x128xf32, #tpu.memory_space<vmem>>)
    %scan3A_408 = arith.constant 0 : i32
    %scan3A_409 = arith.constant 0 : i32
    %scan3A_410 = arith.constant 256 : i32
    %scan3A_411 = arith.addi %scan3A_409, %scan3A_410 : i32
    %scan3A_412 = arith.constant 1 : i32
    scf.for %scan3A_648 = %scan3A_409 to %scan3A_411 step %scan3A_412  : i32 {
      %get3A = arith.constant 1 : i32
      %get3A_649 = arith.index_cast %get3A : i32 to index
      %get3A_650 = arith.index_cast %scan3A_648 : i32 to index
      %get3A_651 = arith.constant 0 : index
      %get3A_652 = tpu.vector_load %arg6[%get3A_649, %get3A_650, %get3A_651] {strides = array<i32>} : memref<2x256x128xf32, #tpu.memory_space<vmem>>, vector<1x1x16xf32>,
      %get3A_653 = vector.shape_cast %get3A_652 : vector<1x1x16xf32> to vector<16xf32>
      %max3A = arith.constant 0.000000e+00 : f32
      %max3A_654 = vector.broadcast %max3A : f32 to vector<16xf32>
      %max3A_655 = arith.maximumf %get3A_653, %max3A_654 : vector<16xf32>
      %swap3A = arith.constant 1 : i32
      %swap3A_656 = arith.index_cast %swap3A : i32 to index
      %swap3A_657 = arith.index_cast %scan3A_648 : i32 to index
      %swap3A_658 = arith.constant 0 : index
      %swap3A_659 = tpu.vector_load %arg6[%swap3A_656, %swap3A_657, %swap3A_658] {strides = array<i32>} : memref<2x256x128xf32, #tpu.memory_space<vmem>>, vector<1x1x16xf32>,
      %swap3A_660 = vector.shape_cast %swap3A_659 : vector<1x1x16xf32> to vector<16xf32>
      %swap3A_661 = vector.shape_cast %max3A_655 : vector<16xf32> to vector<1x1x16xf32>
      tpu.vector_store %arg6[%swap3A_656, %swap3A_657, %swap3A_658], %swap3A_661 {strides = array<i32>} : memref<2x256x128xf32, #tpu.memory_space<vmem>>, vector<1x1x16xf32>,
      %get3A_662 = arith.constant 1 : i32
      %get3A_663 = arith.index_cast %get3A_662 : i32 to index
      %get3A_664 = arith.index_cast %scan3A_648 : i32 to index
      %get3A_665 = arith.constant 16 : index
      %get3A_666 = tpu.vector_load %arg6[%get3A_663, %get3A_664, %get3A_665] {strides = array<i32>} : memref<2x256x128xf32, #tpu.memory_space<vmem>>, vector<1x1x16xf32>,
      %get3A_667 = vector.shape_cast %get3A_666 : vector<1x1x16xf32> to vector<16xf32>
      %max3A_668 = arith.constant 0.000000e+00 : f32
      %max3A_669 = vector.broadcast %max3A_668 : f32 to vector<16xf32>
      %max3A_670 = arith.maximumf %get3A_667, %max3A_669 : vector<16xf32>
      %swap3A_671 = arith.constant 1 : i32
      %swap3A_672 = arith.index_cast %swap3A_671 : i32 to index
      %swap3A_673 = arith.index_cast %scan3A_648 : i32 to index
      %swap3A_674 = arith.constant 16 : index
      %swap3A_675 = tpu.vector_load %arg6[%swap3A_672, %swap3A_673, %swap3A_674] {strides = array<i32>} : memref<2x256x128xf32, #tpu.memory_space<vmem>>, vector<1x1x16xf32>,
      %swap3A_676 = vector.shape_cast %swap3A_675 : vector<1x1x16xf32> to vector<16xf32>
      %swap3A_677 = vector.shape_cast %max3A_670 : vector<16xf32> to vector<1x1x16xf32>
      tpu.vector_store %arg6[%swap3A_672, %swap3A_673, %swap3A_674], %swap3A_677 {strides = array<i32>} : memref<2x256x128xf32, #tpu.memory_space<vmem>>, vector<1x1x16xf32>,
      %get3A_678 = arith.constant 1 : i32
      %get3A_679 = arith.index_cast %get3A_678 : i32 to index
      %get3A_680 = arith.index_cast %scan3A_648 : i32 to index
      %get3A_681 = arith.constant 32 : index
      %get3A_682 = tpu.vector_load %arg6[%get3A_679, %get3A_680, %get3A_681] {strides = array<i32>} : memref<2x256x128xf32, #tpu.memory_space<vmem>>, vector<1x1x16xf32>,
      %get3A_683 = vector.shape_cast %get3A_682 : vector<1x1x16xf32> to vector<16xf32>
      %max3A_684 = arith.constant 0.000000e+00 : f32
      %max3A_685 = vector.broadcast %max3A_684 : f32 to vector<16xf32>
      %max3A_686 = arith.maximumf %get3A_683, %max3A_685 : vector<16xf32>
      %swap3A_687 = arith.constant 1 : i32
      %swap3A_688 = arith.index_cast %swap3A_687 : i32 to index
      %swap3A_689 = arith.index_cast %scan3A_648 : i32 to index
      %swap3A_690 = arith.constant 32 : index
      %swap3A_691 = tpu.vector_load %arg6[%swap3A_688, %swap3A_689, %swap3A_690] {strides = array<i32>} : memref<2x256x128xf32, #tpu.memory_space<vmem>>, vector<1x1x16xf32>,
      %swap3A_692 = vector.shape_cast %swap3A_691 : vector<1x1x16xf32> to vector<16xf32>
      %swap3A_693 = vector.shape_cast %max3A_686 : vector<16xf32> to vector<1x1x16xf32>
      tpu.vector_store %arg6[%swap3A_688, %swap3A_689, %swap3A_690], %swap3A_693 {strides = array<i32>} : memref<2x256x128xf32, #tpu.memory_space<vmem>>, vector<1x1x16xf32>,
      %get3A_694 = arith.constant 1 : i32
      %get3A_695 = arith.index_cast %get3A_694 : i32 to index
      %get3A_696 = arith.index_cast %scan3A_648 : i32 to index
      %get3A_697 = arith.constant 48 : index
      %get3A_698 = tpu.vector_load %arg6[%get3A_695, %get3A_696, %get3A_697] {strides = array<i32>} : memref<2x256x128xf32, #tpu.memory_space<vmem>>, vector<1x1x16xf32>,
      %get3A_699 = vector.shape_cast %get3A_698 : vector<1x1x16xf32> to vector<16xf32>
      %max3A_700 = arith.constant 0.000000e+00 : f32
      %max3A_701 = vector.broadcast %max3A_700 : f32 to vector<16xf32>
      %max3A_702 = arith.maximumf %get3A_699, %max3A_701 : vector<16xf32>
      %swap3A_703 = arith.constant 1 : i32
      %swap3A_704 = arith.index_cast %swap3A_703 : i32 to index
      %swap3A_705 = arith.index_cast %scan3A_648 : i32 to index
      %swap3A_706 = arith.constant 48 : index
      %swap3A_707 = tpu.vector_load %arg6[%swap3A_704, %swap3A_705, %swap3A_706] {strides = array<i32>} : memref<2x256x128xf32, #tpu.memory_space<vmem>>, vector<1x1x16xf32>,
      %swap3A_708 = vector.shape_cast %swap3A_707 : vector<1x1x16xf32> to vector<16xf32>
      %swap3A_709 = vector.shape_cast %max3A_702 : vector<16xf32> to vector<1x1x16xf32>
      tpu.vector_store %arg6[%swap3A_704, %swap3A_705, %swap3A_706], %swap3A_709 {strides = array<i32>} : memref<2x256x128xf32, #tpu.memory_space<vmem>>, vector<1x1x16xf32>,
      %get3A_710 = arith.constant 1 : i32
      %get3A_711 = arith.index_cast %get3A_710 : i32 to index
      %get3A_712 = arith.index_cast %scan3A_648 : i32 to index
      %get3A_713 = arith.constant 64 : index
      %get3A_714 = tpu.vector_load %arg6[%get3A_711, %get3A_712, %get3A_713] {strides = array<i32>} : memref<2x256x128xf32, #tpu.memory_space<vmem>>, vector<1x1x16xf32>,
      %get3A_715 = vector.shape_cast %get3A_714 : vector<1x1x16xf32> to vector<16xf32>
      %max3A_716 = arith.constant 0.000000e+00 : f32
      %max3A_717 = vector.broadcast %max3A_716 : f32 to vector<16xf32>
      %max3A_718 = arith.maximumf %get3A_715, %max3A_717 : vector<16xf32>
      %swap3A_719 = arith.constant 1 : i32
      %swap3A_720 = arith.index_cast %swap3A_719 : i32 to index
      %swap3A_721 = arith.index_cast %scan3A_648 : i32 to index
      %swap3A_722 = arith.constant 64 : index
      %swap3A_723 = tpu.vector_load %arg6[%swap3A_720, %swap3A_721, %swap3A_722] {strides = array<i32>} : memref<2x256x128xf32, #tpu.memory_space<vmem>>, vector<1x1x16xf32>,
      %swap3A_724 = vector.shape_cast %swap3A_723 : vector<1x1x16xf32> to vector<16xf32>
      %swap3A_725 = vector.shape_cast %max3A_718 : vector<16xf32> to vector<1x1x16xf32>
      tpu.vector_store %arg6[%swap3A_720, %swap3A_721, %swap3A_722], %swap3A_725 {strides = array<i32>} : memref<2x256x128xf32, #tpu.memory_space<vmem>>, vector<1x1x16xf32>,
      %get3A_726 = arith.constant 1 : i32
      %get3A_727 = arith.index_cast %get3A_726 : i32 to index
      %get3A_728 = arith.index_cast %scan3A_648 : i32 to index
      %get3A_729 = arith.constant 80 : index
      %get3A_730 = tpu.vector_load %arg6[%get3A_727, %get3A_728, %get3A_729] {strides = array<i32>} : memref<2x256x128xf32, #tpu.memory_space<vmem>>, vector<1x1x16xf32>,
      %get3A_731 = vector.shape_cast %get3A_730 : vector<1x1x16xf32> to vector<16xf32>
      %max3A_732 = arith.constant 0.000000e+00 : f32
      %max3A_733 = vector.broadcast %max3A_732 : f32 to vector<16xf32>
      %max3A_734 = arith.maximumf %get3A_731, %max3A_733 : vector<16xf32>
      %swap3A_735 = arith.constant 1 : i32
      %swap3A_736 = arith.index_cast %swap3A_735 : i32 to index
      %swap3A_737 = arith.index_cast %scan3A_648 : i32 to index
      %swap3A_738 = arith.constant 80 : index
      %swap3A_739 = tpu.vector_load %arg6[%swap3A_736, %swap3A_737, %swap3A_738] {strides = array<i32>} : memref<2x256x128xf32, #tpu.memory_space<vmem>>, vector<1x1x16xf32>,
      %swap3A_740 = vector.shape_cast %swap3A_739 : vector<1x1x16xf32> to vector<16xf32>
      %swap3A_741 = vector.shape_cast %max3A_734 : vector<16xf32> to vector<1x1x16xf32>
      tpu.vector_store %arg6[%swap3A_736, %swap3A_737, %swap3A_738], %swap3A_741 {strides = array<i32>} : memref<2x256x128xf32, #tpu.memory_space<vmem>>, vector<1x1x16xf32>,
      %get3A_742 = arith.constant 1 : i32
      %get3A_743 = arith.index_cast %get3A_742 : i32 to index
      %get3A_744 = arith.index_cast %scan3A_648 : i32 to index
      %get3A_745 = arith.constant 96 : index
      %get3A_746 = tpu.vector_load %arg6[%get3A_743, %get3A_744, %get3A_745] {strides = array<i32>} : memref<2x256x128xf32, #tpu.memory_space<vmem>>, vector<1x1x16xf32>,
      %get3A_747 = vector.shape_cast %get3A_746 : vector<1x1x16xf32> to vector<16xf32>
      %max3A_748 = arith.constant 0.000000e+00 : f32
      %max3A_749 = vector.broadcast %max3A_748 : f32 to vector<16xf32>
      %max3A_750 = arith.maximumf %get3A_747, %max3A_749 : vector<16xf32>
      %swap3A_751 = arith.constant 1 : i32
      %swap3A_752 = arith.index_cast %swap3A_751 : i32 to index
      %swap3A_753 = arith.index_cast %scan3A_648 : i32 to index
      %swap3A_754 = arith.constant 96 : index
      %swap3A_755 = tpu.vector_load %arg6[%swap3A_752, %swap3A_753, %swap3A_754] {strides = array<i32>} : memref<2x256x128xf32, #tpu.memory_space<vmem>>, vector<1x1x16xf32>,
      %swap3A_756 = vector.shape_cast %swap3A_755 : vector<1x1x16xf32> to vector<16xf32>
      %swap3A_757 = vector.shape_cast %max3A_750 : vector<16xf32> to vector<1x1x16xf32>
      tpu.vector_store %arg6[%swap3A_752, %swap3A_753, %swap3A_754], %swap3A_757 {strides = array<i32>} : memref<2x256x128xf32, #tpu.memory_space<vmem>>, vector<1x1x16xf32>,
      %get3A_758 = arith.constant 1 : i32
      %get3A_759 = arith.index_cast %get3A_758 : i32 to index
      %get3A_760 = arith.index_cast %scan3A_648 : i32 to index
      %get3A_761 = arith.constant 112 : index
      %get3A_762 = tpu.vector_load %arg6[%get3A_759, %get3A_760, %get3A_761] {strides = array<i32>} : memref<2x256x128xf32, #tpu.memory_space<vmem>>, vector<1x1x16xf32>,
      %get3A_763 = vector.shape_cast %get3A_762 : vector<1x1x16xf32> to vector<16xf32>
      %max3A_764 = arith.constant 0.000000e+00 : f32
      %max3A_765 = vector.broadcast %max3A_764 : f32 to vector<16xf32>
      %max3A_766 = arith.maximumf %get3A_763, %max3A_765 : vector<16xf32>
      %swap3A_767 = arith.constant 1 : i32
      %swap3A_768 = arith.index_cast %swap3A_767 : i32 to index
      %swap3A_769 = arith.index_cast %scan3A_648 : i32 to index
      %swap3A_770 = arith.constant 112 : index
      %swap3A_771 = tpu.vector_load %arg6[%swap3A_768, %swap3A_769, %swap3A_770] {strides = array<i32>} : memref<2x256x128xf32, #tpu.memory_space<vmem>>, vector<1x1x16xf32>,
      %swap3A_772 = vector.shape_cast %swap3A_771 : vector<1x1x16xf32> to vector<16xf32>
      %swap3A_773 = vector.shape_cast %max3A_766 : vector<16xf32> to vector<1x1x16xf32>
      tpu.vector_store %arg6[%swap3A_768, %swap3A_769, %swap3A_770], %swap3A_773 {strides = array<i32>} : memref<2x256x128xf32, #tpu.memory_space<vmem>>, vector<1x1x16xf32>,
    }
    %scan3A_413 = arith.constant 256 : i32
    %add3A_414 = arith.constant 1792 : i32
    %add3A_415 = arith.addi %mul3A_2, %add3A_414 : i32
    %dma_start3A_416 = arith.constant 1 : i32
    %dma_start3A_417 = arith.constant 0 : i32
    %dma_start3A_418 = arith.constant 0 : i32
    %dma_start3A_419 = tpu.memref_slice %arg6[%dma_start3A_416, %dma_start3A_417, %dma_start3A_418] : memref<2x256x128xf32, #tpu.memory_space<vmem>> -> memref<1x256x128xf32, #tpu.memory_space<vmem>>
    %dma_start3A_420 = tpu.memref_squeeze %dma_start3A_419 : memref<1x256x128xf32, #tpu.memory_space<vmem>> -> memref<256x128xf32, #tpu.memory_space<vmem>>
    %dma_start3A_421 = arith.constant 0 : i32
    %dma_start3A_422 = tpu.memref_slice %arg4[%add3A_415, %dma_start3A_421] : memref<98304x128xf32, #tpu.memory_space<hbm>> -> memref<256x128xf32, #tpu.memory_space<hbm>>
    %dma_start3A_423 = arith.constant 0 : i32
    %dma_start3A_424 = tpu.memref_slice %arg4[%add3A_415, %dma_start3A_423] : memref<98304x128xf32, #tpu.memory_space<hbm>> -> memref<256x128xf32, #tpu.memory_space<hbm>>
    %dma_start3A_425 = arith.constant 0 : i32
    %dma_start3A_426 = arith.constant 0 : i32
    %dma_start3A_427 = tpu.memref_slice %arg6[%dma_start3A_416, %dma_start3A_425, %dma_start3A_426] : memref<2x256x128xf32, #tpu.memory_space<vmem>> -> memref<1x256x128xf32, #tpu.memory_space<vmem>>
    %dma_start3A_428 = tpu.memref_squeeze %dma_start3A_427 : memref<1x256x128xf32, #tpu.memory_space<vmem>> -> memref<256x128xf32, #tpu.memory_space<vmem>>
    tpu.enqueue_dma source(%dma_start3A_428 : memref<256x128xf32, #tpu.memory_space<vmem>>) target(%dma_start3A_424 : memref<256x128xf32, #tpu.memory_space<hbm>>) target_semaphore(%arg10 : memref<!tpu.dma_semaphore, #tpu.memory_space<semaphore_mem>>)
    %dma_wait3A_429 = arith.constant 1 : i32
    %dma_wait3A_430 = arith.constant 0 : i32
    %dma_wait3A_431 = arith.constant 0 : i32
    %dma_wait3A_432 = tpu.memref_slice %arg6[%dma_wait3A_429, %dma_wait3A_430, %dma_wait3A_431] : memref<2x256x128xf32, #tpu.memory_space<vmem>> -> memref<1x256x128xf32, #tpu.memory_space<vmem>>
    %dma_wait3A_433 = tpu.memref_squeeze %dma_wait3A_432 : memref<1x256x128xf32, #tpu.memory_space<vmem>> -> memref<256x128xf32, #tpu.memory_space<vmem>>
    %dma_wait3A_434 = arith.constant 0 : i32
    %dma_wait3A_435 = tpu.memref_slice %arg4[%add3A_415, %dma_wait3A_434] : memref<98304x128xf32, #tpu.memory_space<hbm>> -> memref<256x128xf32, #tpu.memory_space<hbm>>
    %dma_wait3A_436 = arith.constant 0 : i32
    %dma_wait3A_437 = tpu.memref_slice %arg4[%add3A_415, %dma_wait3A_436] : memref<98304x128xf32, #tpu.memory_space<hbm>> -> memref<256x128xf32, #tpu.memory_space<hbm>>
    %dma_wait3A_438 = arith.constant 0 : i32
    %dma_wait3A_439 = arith.constant 0 : i32
    %dma_wait3A_440 = tpu.memref_slice %arg6[%dma_wait3A_429, %dma_wait3A_438, %dma_wait3A_439] : memref<2x256x128xf32, #tpu.memory_space<vmem>> -> memref<1x256x128xf32, #tpu.memory_space<vmem>>
    %dma_wait3A_441 = tpu.memref_squeeze %dma_wait3A_440 : memref<1x256x128xf32, #tpu.memory_space<vmem>> -> memref<256x128xf32, #tpu.memory_space<vmem>>
    tpu.wait_dma2 semaphore(%arg10 : memref<!tpu.dma_semaphore, #tpu.memory_space<semaphore_mem>>) src(%dma_wait3A_441 : memref<256x128xf32, #tpu.memory_space<vmem>>) dst(%dma_wait3A_437 : memref<256x128xf32, #tpu.memory_space<hbm>>)
    %dma_start3A_442 = arith.constant 1 : i32
    %dma_start3A_443 = arith.constant 0 : i32
    %dma_start3A_444 = arith.constant 0 : i32
    %dma_start3A_445 = tpu.memref_slice %arg6[%dma_start3A_442, %dma_start3A_443, %dma_start3A_444] : memref<2x256x128xf32, #tpu.memory_space<vmem>> -> memref<1x256x128xf32, #tpu.memory_space<vmem>>
    %dma_start3A_446 = tpu.memref_squeeze %dma_start3A_445 : memref<1x256x128xf32, #tpu.memory_space<vmem>> -> memref<256x128xf32, #tpu.memory_space<vmem>>
    %dma_start3A_447 = arith.constant 2304 : i32
    %dma_start3A_448 = tpu.memref_slice %arg5[%dma_start3A_447] : memref<3072xi32, #tpu.memory_space<vmem>> -> memref<256xi32, #tpu.memory_space<vmem>>
    %dma_start3A_449 = arith.constant 0 : i32
    %dma_start3A_450 = arith.constant 0 : i32
    %dma_start3A_451 = tpu.memref_slice %arg3[%dma_start3A_449, %dma_start3A_450] : memref<100000x128xf32, #tpu.memory_space<hbm>> -> memref<100000x128xf32, #tpu.memory_space<hbm>>
    tpu.enqueue_indirect_dma source(%dma_start3A_451 : memref<100000x128xf32, #tpu.memory_space<hbm>>) target(%dma_start3A_446 : memref<256x128xf32, #tpu.memory_space<vmem>>) offsets(%dma_start3A_448 : memref<256xi32, #tpu.memory_space<vmem>>) semaphore(%arg8 : memref<!tpu.dma_semaphore, #tpu.memory_space<semaphore_mem>>)
    %dma_wait3A_452 = arith.constant 0 : i32
    %dma_wait3A_453 = arith.constant 0 : i32
    %dma_wait3A_454 = arith.constant 0 : i32
    %dma_wait3A_455 = tpu.memref_slice %arg6[%dma_wait3A_452, %dma_wait3A_453, %dma_wait3A_454] : memref<2x256x128xf32, #tpu.memory_space<vmem>> -> memref<1x256x128xf32, #tpu.memory_space<vmem>>
    %dma_wait3A_456 = tpu.memref_squeeze %dma_wait3A_455 : memref<1x256x128xf32, #tpu.memory_space<vmem>> -> memref<256x128xf32, #tpu.memory_space<vmem>>
    %dma_wait3A_457 = arith.constant 2048 : i32
    %dma_wait3A_458 = tpu.memref_slice %arg5[%dma_wait3A_457] : memref<3072xi32, #tpu.memory_space<vmem>> -> memref<256xi32, #tpu.memory_space<vmem>>
    %dma_wait3A_459 = arith.constant 0 : i32
    %dma_wait3A_460 = arith.constant 0 : i32
    %dma_wait3A_461 = tpu.memref_slice %arg3[%dma_wait3A_459, %dma_wait3A_460] : memref<100000x128xf32, #tpu.memory_space<hbm>> -> memref<100000x128xf32, #tpu.memory_space<hbm>>
    tpu.wait_indirect_dma semaphore(%arg7 : memref<!tpu.dma_semaphore, #tpu.memory_space<semaphore_mem>>) src(%dma_wait3A_461 : memref<100000x128xf32, #tpu.memory_space<hbm>>) dst(%dma_wait3A_456 : memref<256x128xf32, #tpu.memory_space<vmem>>)
    %scan3A_462 = arith.constant 0 : i32
    %scan3A_463 = arith.constant 0 : i32
    %scan3A_464 = arith.constant 256 : i32
    %scan3A_465 = arith.addi %scan3A_463, %scan3A_464 : i32
    %scan3A_466 = arith.constant 1 : i32
    scf.for %scan3A_648 = %scan3A_463 to %scan3A_465 step %scan3A_466  : i32 {
      %get3A = arith.constant 0 : i32
      %get3A_649 = arith.index_cast %get3A : i32 to index
      %get3A_650 = arith.index_cast %scan3A_648 : i32 to index
      %get3A_651 = arith.constant 0 : index
      %get3A_652 = tpu.vector_load %arg6[%get3A_649, %get3A_650, %get3A_651] {strides = array<i32>} : memref<2x256x128xf32, #tpu.memory_space<vmem>>, vector<1x1x16xf32>,
      %get3A_653 = vector.shape_cast %get3A_652 : vector<1x1x16xf32> to vector<16xf32>
      %max3A = arith.constant 0.000000e+00 : f32
      %max3A_654 = vector.broadcast %max3A : f32 to vector<16xf32>
      %max3A_655 = arith.maximumf %get3A_653, %max3A_654 : vector<16xf32>
      %swap3A = arith.constant 0 : i32
      %swap3A_656 = arith.index_cast %swap3A : i32 to index
      %swap3A_657 = arith.index_cast %scan3A_648 : i32 to index
      %swap3A_658 = arith.constant 0 : index
      %swap3A_659 = tpu.vector_load %arg6[%swap3A_656, %swap3A_657, %swap3A_658] {strides = array<i32>} : memref<2x256x128xf32, #tpu.memory_space<vmem>>, vector<1x1x16xf32>,
      %swap3A_660 = vector.shape_cast %swap3A_659 : vector<1x1x16xf32> to vector<16xf32>
      %swap3A_661 = vector.shape_cast %max3A_655 : vector<16xf32> to vector<1x1x16xf32>
      tpu.vector_store %arg6[%swap3A_656, %swap3A_657, %swap3A_658], %swap3A_661 {strides = array<i32>} : memref<2x256x128xf32, #tpu.memory_space<vmem>>, vector<1x1x16xf32>,
      %get3A_662 = arith.constant 0 : i32
      %get3A_663 = arith.index_cast %get3A_662 : i32 to index
      %get3A_664 = arith.index_cast %scan3A_648 : i32 to index
      %get3A_665 = arith.constant 16 : index
      %get3A_666 = tpu.vector_load %arg6[%get3A_663, %get3A_664, %get3A_665] {strides = array<i32>} : memref<2x256x128xf32, #tpu.memory_space<vmem>>, vector<1x1x16xf32>,
      %get3A_667 = vector.shape_cast %get3A_666 : vector<1x1x16xf32> to vector<16xf32>
      %max3A_668 = arith.constant 0.000000e+00 : f32
      %max3A_669 = vector.broadcast %max3A_668 : f32 to vector<16xf32>
      %max3A_670 = arith.maximumf %get3A_667, %max3A_669 : vector<16xf32>
      %swap3A_671 = arith.constant 0 : i32
      %swap3A_672 = arith.index_cast %swap3A_671 : i32 to index
      %swap3A_673 = arith.index_cast %scan3A_648 : i32 to index
      %swap3A_674 = arith.constant 16 : index
      %swap3A_675 = tpu.vector_load %arg6[%swap3A_672, %swap3A_673, %swap3A_674] {strides = array<i32>} : memref<2x256x128xf32, #tpu.memory_space<vmem>>, vector<1x1x16xf32>,
      %swap3A_676 = vector.shape_cast %swap3A_675 : vector<1x1x16xf32> to vector<16xf32>
      %swap3A_677 = vector.shape_cast %max3A_670 : vector<16xf32> to vector<1x1x16xf32>
      tpu.vector_store %arg6[%swap3A_672, %swap3A_673, %swap3A_674], %swap3A_677 {strides = array<i32>} : memref<2x256x128xf32, #tpu.memory_space<vmem>>, vector<1x1x16xf32>,
      %get3A_678 = arith.constant 0 : i32
      %get3A_679 = arith.index_cast %get3A_678 : i32 to index
      %get3A_680 = arith.index_cast %scan3A_648 : i32 to index
      %get3A_681 = arith.constant 32 : index
      %get3A_682 = tpu.vector_load %arg6[%get3A_679, %get3A_680, %get3A_681] {strides = array<i32>} : memref<2x256x128xf32, #tpu.memory_space<vmem>>, vector<1x1x16xf32>,
      %get3A_683 = vector.shape_cast %get3A_682 : vector<1x1x16xf32> to vector<16xf32>
      %max3A_684 = arith.constant 0.000000e+00 : f32
      %max3A_685 = vector.broadcast %max3A_684 : f32 to vector<16xf32>
      %max3A_686 = arith.maximumf %get3A_683, %max3A_685 : vector<16xf32>
      %swap3A_687 = arith.constant 0 : i32
      %swap3A_688 = arith.index_cast %swap3A_687 : i32 to index
      %swap3A_689 = arith.index_cast %scan3A_648 : i32 to index
      %swap3A_690 = arith.constant 32 : index
      %swap3A_691 = tpu.vector_load %arg6[%swap3A_688, %swap3A_689, %swap3A_690] {strides = array<i32>} : memref<2x256x128xf32, #tpu.memory_space<vmem>>, vector<1x1x16xf32>,
      %swap3A_692 = vector.shape_cast %swap3A_691 : vector<1x1x16xf32> to vector<16xf32>
      %swap3A_693 = vector.shape_cast %max3A_686 : vector<16xf32> to vector<1x1x16xf32>
      tpu.vector_store %arg6[%swap3A_688, %swap3A_689, %swap3A_690], %swap3A_693 {strides = array<i32>} : memref<2x256x128xf32, #tpu.memory_space<vmem>>, vector<1x1x16xf32>,
      %get3A_694 = arith.constant 0 : i32
      %get3A_695 = arith.index_cast %get3A_694 : i32 to index
      %get3A_696 = arith.index_cast %scan3A_648 : i32 to index
      %get3A_697 = arith.constant 48 : index
      %get3A_698 = tpu.vector_load %arg6[%get3A_695, %get3A_696, %get3A_697] {strides = array<i32>} : memref<2x256x128xf32, #tpu.memory_space<vmem>>, vector<1x1x16xf32>,
      %get3A_699 = vector.shape_cast %get3A_698 : vector<1x1x16xf32> to vector<16xf32>
      %max3A_700 = arith.constant 0.000000e+00 : f32
      %max3A_701 = vector.broadcast %max3A_700 : f32 to vector<16xf32>
      %max3A_702 = arith.maximumf %get3A_699, %max3A_701 : vector<16xf32>
      %swap3A_703 = arith.constant 0 : i32
      %swap3A_704 = arith.index_cast %swap3A_703 : i32 to index
      %swap3A_705 = arith.index_cast %scan3A_648 : i32 to index
      %swap3A_706 = arith.constant 48 : index
      %swap3A_707 = tpu.vector_load %arg6[%swap3A_704, %swap3A_705, %swap3A_706] {strides = array<i32>} : memref<2x256x128xf32, #tpu.memory_space<vmem>>, vector<1x1x16xf32>,
      %swap3A_708 = vector.shape_cast %swap3A_707 : vector<1x1x16xf32> to vector<16xf32>
      %swap3A_709 = vector.shape_cast %max3A_702 : vector<16xf32> to vector<1x1x16xf32>
      tpu.vector_store %arg6[%swap3A_704, %swap3A_705, %swap3A_706], %swap3A_709 {strides = array<i32>} : memref<2x256x128xf32, #tpu.memory_space<vmem>>, vector<1x1x16xf32>,
      %get3A_710 = arith.constant 0 : i32
      %get3A_711 = arith.index_cast %get3A_710 : i32 to index
      %get3A_712 = arith.index_cast %scan3A_648 : i32 to index
      %get3A_713 = arith.constant 64 : index
      %get3A_714 = tpu.vector_load %arg6[%get3A_711, %get3A_712, %get3A_713] {strides = array<i32>} : memref<2x256x128xf32, #tpu.memory_space<vmem>>, vector<1x1x16xf32>,
      %get3A_715 = vector.shape_cast %get3A_714 : vector<1x1x16xf32> to vector<16xf32>
      %max3A_716 = arith.constant 0.000000e+00 : f32
      %max3A_717 = vector.broadcast %max3A_716 : f32 to vector<16xf32>
      %max3A_718 = arith.maximumf %get3A_715, %max3A_717 : vector<16xf32>
      %swap3A_719 = arith.constant 0 : i32
      %swap3A_720 = arith.index_cast %swap3A_719 : i32 to index
      %swap3A_721 = arith.index_cast %scan3A_648 : i32 to index
      %swap3A_722 = arith.constant 64 : index
      %swap3A_723 = tpu.vector_load %arg6[%swap3A_720, %swap3A_721, %swap3A_722] {strides = array<i32>} : memref<2x256x128xf32, #tpu.memory_space<vmem>>, vector<1x1x16xf32>,
      %swap3A_724 = vector.shape_cast %swap3A_723 : vector<1x1x16xf32> to vector<16xf32>
      %swap3A_725 = vector.shape_cast %max3A_718 : vector<16xf32> to vector<1x1x16xf32>
      tpu.vector_store %arg6[%swap3A_720, %swap3A_721, %swap3A_722], %swap3A_725 {strides = array<i32>} : memref<2x256x128xf32, #tpu.memory_space<vmem>>, vector<1x1x16xf32>,
      %get3A_726 = arith.constant 0 : i32
      %get3A_727 = arith.index_cast %get3A_726 : i32 to index
      %get3A_728 = arith.index_cast %scan3A_648 : i32 to index
      %get3A_729 = arith.constant 80 : index
      %get3A_730 = tpu.vector_load %arg6[%get3A_727, %get3A_728, %get3A_729] {strides = array<i32>} : memref<2x256x128xf32, #tpu.memory_space<vmem>>, vector<1x1x16xf32>,
      %get3A_731 = vector.shape_cast %get3A_730 : vector<1x1x16xf32> to vector<16xf32>
      %max3A_732 = arith.constant 0.000000e+00 : f32
      %max3A_733 = vector.broadcast %max3A_732 : f32 to vector<16xf32>
      %max3A_734 = arith.maximumf %get3A_731, %max3A_733 : vector<16xf32>
      %swap3A_735 = arith.constant 0 : i32
      %swap3A_736 = arith.index_cast %swap3A_735 : i32 to index
      %swap3A_737 = arith.index_cast %scan3A_648 : i32 to index
      %swap3A_738 = arith.constant 80 : index
      %swap3A_739 = tpu.vector_load %arg6[%swap3A_736, %swap3A_737, %swap3A_738] {strides = array<i32>} : memref<2x256x128xf32, #tpu.memory_space<vmem>>, vector<1x1x16xf32>,
      %swap3A_740 = vector.shape_cast %swap3A_739 : vector<1x1x16xf32> to vector<16xf32>
      %swap3A_741 = vector.shape_cast %max3A_734 : vector<16xf32> to vector<1x1x16xf32>
      tpu.vector_store %arg6[%swap3A_736, %swap3A_737, %swap3A_738], %swap3A_741 {strides = array<i32>} : memref<2x256x128xf32, #tpu.memory_space<vmem>>, vector<1x1x16xf32>,
      %get3A_742 = arith.constant 0 : i32
      %get3A_743 = arith.index_cast %get3A_742 : i32 to index
      %get3A_744 = arith.index_cast %scan3A_648 : i32 to index
      %get3A_745 = arith.constant 96 : index
      %get3A_746 = tpu.vector_load %arg6[%get3A_743, %get3A_744, %get3A_745] {strides = array<i32>} : memref<2x256x128xf32, #tpu.memory_space<vmem>>, vector<1x1x16xf32>,
      %get3A_747 = vector.shape_cast %get3A_746 : vector<1x1x16xf32> to vector<16xf32>
      %max3A_748 = arith.constant 0.000000e+00 : f32
      %max3A_749 = vector.broadcast %max3A_748 : f32 to vector<16xf32>
      %max3A_750 = arith.maximumf %get3A_747, %max3A_749 : vector<16xf32>
      %swap3A_751 = arith.constant 0 : i32
      %swap3A_752 = arith.index_cast %swap3A_751 : i32 to index
      %swap3A_753 = arith.index_cast %scan3A_648 : i32 to index
      %swap3A_754 = arith.constant 96 : index
      %swap3A_755 = tpu.vector_load %arg6[%swap3A_752, %swap3A_753, %swap3A_754] {strides = array<i32>} : memref<2x256x128xf32, #tpu.memory_space<vmem>>, vector<1x1x16xf32>,
      %swap3A_756 = vector.shape_cast %swap3A_755 : vector<1x1x16xf32> to vector<16xf32>
      %swap3A_757 = vector.shape_cast %max3A_750 : vector<16xf32> to vector<1x1x16xf32>
      tpu.vector_store %arg6[%swap3A_752, %swap3A_753, %swap3A_754], %swap3A_757 {strides = array<i32>} : memref<2x256x128xf32, #tpu.memory_space<vmem>>, vector<1x1x16xf32>,
      %get3A_758 = arith.constant 0 : i32
      %get3A_759 = arith.index_cast %get3A_758 : i32 to index
      %get3A_760 = arith.index_cast %scan3A_648 : i32 to index
      %get3A_761 = arith.constant 112 : index
      %get3A_762 = tpu.vector_load %arg6[%get3A_759, %get3A_760, %get3A_761] {strides = array<i32>} : memref<2x256x128xf32, #tpu.memory_space<vmem>>, vector<1x1x16xf32>,
      %get3A_763 = vector.shape_cast %get3A_762 : vector<1x1x16xf32> to vector<16xf32>
      %max3A_764 = arith.constant 0.000000e+00 : f32
      %max3A_765 = vector.broadcast %max3A_764 : f32 to vector<16xf32>
      %max3A_766 = arith.maximumf %get3A_763, %max3A_765 : vector<16xf32>
      %swap3A_767 = arith.constant 0 : i32
      %swap3A_768 = arith.index_cast %swap3A_767 : i32 to index
      %swap3A_769 = arith.index_cast %scan3A_648 : i32 to index
      %swap3A_770 = arith.constant 112 : index
      %swap3A_771 = tpu.vector_load %arg6[%swap3A_768, %swap3A_769, %swap3A_770] {strides = array<i32>} : memref<2x256x128xf32, #tpu.memory_space<vmem>>, vector<1x1x16xf32>,
      %swap3A_772 = vector.shape_cast %swap3A_771 : vector<1x1x16xf32> to vector<16xf32>
      %swap3A_773 = vector.shape_cast %max3A_766 : vector<16xf32> to vector<1x1x16xf32>
      tpu.vector_store %arg6[%swap3A_768, %swap3A_769, %swap3A_770], %swap3A_773 {strides = array<i32>} : memref<2x256x128xf32, #tpu.memory_space<vmem>>, vector<1x1x16xf32>,
    }
    %scan3A_467 = arith.constant 256 : i32
    %add3A_468 = arith.constant 2048 : i32
    %add3A_469 = arith.addi %mul3A_2, %add3A_468 : i32
    %dma_start3A_470 = arith.constant 0 : i32
    %dma_start3A_471 = arith.constant 0 : i32
    %dma_start3A_472 = arith.constant 0 : i32
    %dma_start3A_473 = tpu.memref_slice %arg6[%dma_start3A_470, %dma_start3A_471, %dma_start3A_472] : memref<2x256x128xf32, #tpu.memory_space<vmem>> -> memref<1x256x128xf32, #tpu.memory_space<vmem>>
    %dma_start3A_474 = tpu.memref_squeeze %dma_start3A_473 : memref<1x256x128xf32, #tpu.memory_space<vmem>> -> memref<256x128xf32, #tpu.memory_space<vmem>>
    %dma_start3A_475 = arith.constant 0 : i32
    %dma_start3A_476 = tpu.memref_slice %arg4[%add3A_469, %dma_start3A_475] : memref<98304x128xf32, #tpu.memory_space<hbm>> -> memref<256x128xf32, #tpu.memory_space<hbm>>
    %dma_start3A_477 = arith.constant 0 : i32
    %dma_start3A_478 = tpu.memref_slice %arg4[%add3A_469, %dma_start3A_477] : memref<98304x128xf32, #tpu.memory_space<hbm>> -> memref<256x128xf32, #tpu.memory_space<hbm>>
    %dma_start3A_479 = arith.constant 0 : i32
    %dma_start3A_480 = arith.constant 0 : i32
    %dma_start3A_481 = tpu.memref_slice %arg6[%dma_start3A_470, %dma_start3A_479, %dma_start3A_480] : memref<2x256x128xf32, #tpu.memory_space<vmem>> -> memref<1x256x128xf32, #tpu.memory_space<vmem>>
    %dma_start3A_482 = tpu.memref_squeeze %dma_start3A_481 : memref<1x256x128xf32, #tpu.memory_space<vmem>> -> memref<256x128xf32, #tpu.memory_space<vmem>>
    tpu.enqueue_dma source(%dma_start3A_482 : memref<256x128xf32, #tpu.memory_space<vmem>>) target(%dma_start3A_478 : memref<256x128xf32, #tpu.memory_space<hbm>>) target_semaphore(%arg9 : memref<!tpu.dma_semaphore, #tpu.memory_space<semaphore_mem>>)
    %dma_wait3A_483 = arith.constant 0 : i32
    %dma_wait3A_484 = arith.constant 0 : i32
    %dma_wait3A_485 = arith.constant 0 : i32
    %dma_wait3A_486 = tpu.memref_slice %arg6[%dma_wait3A_483, %dma_wait3A_484, %dma_wait3A_485] : memref<2x256x128xf32, #tpu.memory_space<vmem>> -> memref<1x256x128xf32, #tpu.memory_space<vmem>>
    %dma_wait3A_487 = tpu.memref_squeeze %dma_wait3A_486 : memref<1x256x128xf32, #tpu.memory_space<vmem>> -> memref<256x128xf32, #tpu.memory_space<vmem>>
    %dma_wait3A_488 = arith.constant 0 : i32
    %dma_wait3A_489 = tpu.memref_slice %arg4[%add3A_469, %dma_wait3A_488] : memref<98304x128xf32, #tpu.memory_space<hbm>> -> memref<256x128xf32, #tpu.memory_space<hbm>>
    %dma_wait3A_490 = arith.constant 0 : i32
    %dma_wait3A_491 = tpu.memref_slice %arg4[%add3A_469, %dma_wait3A_490] : memref<98304x128xf32, #tpu.memory_space<hbm>> -> memref<256x128xf32, #tpu.memory_space<hbm>>
    %dma_wait3A_492 = arith.constant 0 : i32
    %dma_wait3A_493 = arith.constant 0 : i32
    %dma_wait3A_494 = tpu.memref_slice %arg6[%dma_wait3A_483, %dma_wait3A_492, %dma_wait3A_493] : memref<2x256x128xf32, #tpu.memory_space<vmem>> -> memref<1x256x128xf32, #tpu.memory_space<vmem>>
    %dma_wait3A_495 = tpu.memref_squeeze %dma_wait3A_494 : memref<1x256x128xf32, #tpu.memory_space<vmem>> -> memref<256x128xf32, #tpu.memory_space<vmem>>
    tpu.wait_dma2 semaphore(%arg9 : memref<!tpu.dma_semaphore, #tpu.memory_space<semaphore_mem>>) src(%dma_wait3A_495 : memref<256x128xf32, #tpu.memory_space<vmem>>) dst(%dma_wait3A_491 : memref<256x128xf32, #tpu.memory_space<hbm>>)
    %dma_start3A_496 = arith.constant 0 : i32
    %dma_start3A_497 = arith.constant 0 : i32
    %dma_start3A_498 = arith.constant 0 : i32
    %dma_start3A_499 = tpu.memref_slice %arg6[%dma_start3A_496, %dma_start3A_497, %dma_start3A_498] : memref<2x256x128xf32, #tpu.memory_space<vmem>> -> memref<1x256x128xf32, #tpu.memory_space<vmem>>
    %dma_start3A_500 = tpu.memref_squeeze %dma_start3A_499 : memref<1x256x128xf32, #tpu.memory_space<vmem>> -> memref<256x128xf32, #tpu.memory_space<vmem>>
    %dma_start3A_501 = arith.constant 2560 : i32
    %dma_start3A_502 = tpu.memref_slice %arg5[%dma_start3A_501] : memref<3072xi32, #tpu.memory_space<vmem>> -> memref<256xi32, #tpu.memory_space<vmem>>
    %dma_start3A_503 = arith.constant 0 : i32
    %dma_start3A_504 = arith.constant 0 : i32
    %dma_start3A_505 = tpu.memref_slice %arg3[%dma_start3A_503, %dma_start3A_504] : memref<100000x128xf32, #tpu.memory_space<hbm>> -> memref<100000x128xf32, #tpu.memory_space<hbm>>
    tpu.enqueue_indirect_dma source(%dma_start3A_505 : memref<100000x128xf32, #tpu.memory_space<hbm>>) target(%dma_start3A_500 : memref<256x128xf32, #tpu.memory_space<vmem>>) offsets(%dma_start3A_502 : memref<256xi32, #tpu.memory_space<vmem>>) semaphore(%arg7 : memref<!tpu.dma_semaphore, #tpu.memory_space<semaphore_mem>>)
    %dma_wait3A_506 = arith.constant 1 : i32
    %dma_wait3A_507 = arith.constant 0 : i32
    %dma_wait3A_508 = arith.constant 0 : i32
    %dma_wait3A_509 = tpu.memref_slice %arg6[%dma_wait3A_506, %dma_wait3A_507, %dma_wait3A_508] : memref<2x256x128xf32, #tpu.memory_space<vmem>> -> memref<1x256x128xf32, #tpu.memory_space<vmem>>
    %dma_wait3A_510 = tpu.memref_squeeze %dma_wait3A_509 : memref<1x256x128xf32, #tpu.memory_space<vmem>> -> memref<256x128xf32, #tpu.memory_space<vmem>>
    %dma_wait3A_511 = arith.constant 2304 : i32
    %dma_wait3A_512 = tpu.memref_slice %arg5[%dma_wait3A_511] : memref<3072xi32, #tpu.memory_space<vmem>> -> memref<256xi32, #tpu.memory_space<vmem>>
    %dma_wait3A_513 = arith.constant 0 : i32
    %dma_wait3A_514 = arith.constant 0 : i32
    %dma_wait3A_515 = tpu.memref_slice %arg3[%dma_wait3A_513, %dma_wait3A_514] : memref<100000x128xf32, #tpu.memory_space<hbm>> -> memref<100000x128xf32, #tpu.memory_space<hbm>>
    tpu.wait_indirect_dma semaphore(%arg8 : memref<!tpu.dma_semaphore, #tpu.memory_space<semaphore_mem>>) src(%dma_wait3A_515 : memref<100000x128xf32, #tpu.memory_space<hbm>>) dst(%dma_wait3A_510 : memref<256x128xf32, #tpu.memory_space<vmem>>)
    %scan3A_516 = arith.constant 0 : i32
    %scan3A_517 = arith.constant 0 : i32
    %scan3A_518 = arith.constant 256 : i32
    %scan3A_519 = arith.addi %scan3A_517, %scan3A_518 : i32
    %scan3A_520 = arith.constant 1 : i32
    scf.for %scan3A_648 = %scan3A_517 to %scan3A_519 step %scan3A_520  : i32 {
      %get3A = arith.constant 1 : i32
      %get3A_649 = arith.index_cast %get3A : i32 to index
      %get3A_650 = arith.index_cast %scan3A_648 : i32 to index
      %get3A_651 = arith.constant 0 : index
      %get3A_652 = tpu.vector_load %arg6[%get3A_649, %get3A_650, %get3A_651] {strides = array<i32>} : memref<2x256x128xf32, #tpu.memory_space<vmem>>, vector<1x1x16xf32>,
      %get3A_653 = vector.shape_cast %get3A_652 : vector<1x1x16xf32> to vector<16xf32>
      %max3A = arith.constant 0.000000e+00 : f32
      %max3A_654 = vector.broadcast %max3A : f32 to vector<16xf32>
      %max3A_655 = arith.maximumf %get3A_653, %max3A_654 : vector<16xf32>
      %swap3A = arith.constant 1 : i32
      %swap3A_656 = arith.index_cast %swap3A : i32 to index
      %swap3A_657 = arith.index_cast %scan3A_648 : i32 to index
      %swap3A_658 = arith.constant 0 : index
      %swap3A_659 = tpu.vector_load %arg6[%swap3A_656, %swap3A_657, %swap3A_658] {strides = array<i32>} : memref<2x256x128xf32, #tpu.memory_space<vmem>>, vector<1x1x16xf32>,
      %swap3A_660 = vector.shape_cast %swap3A_659 : vector<1x1x16xf32> to vector<16xf32>
      %swap3A_661 = vector.shape_cast %max3A_655 : vector<16xf32> to vector<1x1x16xf32>
      tpu.vector_store %arg6[%swap3A_656, %swap3A_657, %swap3A_658], %swap3A_661 {strides = array<i32>} : memref<2x256x128xf32, #tpu.memory_space<vmem>>, vector<1x1x16xf32>,
      %get3A_662 = arith.constant 1 : i32
      %get3A_663 = arith.index_cast %get3A_662 : i32 to index
      %get3A_664 = arith.index_cast %scan3A_648 : i32 to index
      %get3A_665 = arith.constant 16 : index
      %get3A_666 = tpu.vector_load %arg6[%get3A_663, %get3A_664, %get3A_665] {strides = array<i32>} : memref<2x256x128xf32, #tpu.memory_space<vmem>>, vector<1x1x16xf32>,
      %get3A_667 = vector.shape_cast %get3A_666 : vector<1x1x16xf32> to vector<16xf32>
      %max3A_668 = arith.constant 0.000000e+00 : f32
      %max3A_669 = vector.broadcast %max3A_668 : f32 to vector<16xf32>
      %max3A_670 = arith.maximumf %get3A_667, %max3A_669 : vector<16xf32>
      %swap3A_671 = arith.constant 1 : i32
      %swap3A_672 = arith.index_cast %swap3A_671 : i32 to index
      %swap3A_673 = arith.index_cast %scan3A_648 : i32 to index
      %swap3A_674 = arith.constant 16 : index
      %swap3A_675 = tpu.vector_load %arg6[%swap3A_672, %swap3A_673, %swap3A_674] {strides = array<i32>} : memref<2x256x128xf32, #tpu.memory_space<vmem>>, vector<1x1x16xf32>,
      %swap3A_676 = vector.shape_cast %swap3A_675 : vector<1x1x16xf32> to vector<16xf32>
      %swap3A_677 = vector.shape_cast %max3A_670 : vector<16xf32> to vector<1x1x16xf32>
      tpu.vector_store %arg6[%swap3A_672, %swap3A_673, %swap3A_674], %swap3A_677 {strides = array<i32>} : memref<2x256x128xf32, #tpu.memory_space<vmem>>, vector<1x1x16xf32>,
      %get3A_678 = arith.constant 1 : i32
      %get3A_679 = arith.index_cast %get3A_678 : i32 to index
      %get3A_680 = arith.index_cast %scan3A_648 : i32 to index
      %get3A_681 = arith.constant 32 : index
      %get3A_682 = tpu.vector_load %arg6[%get3A_679, %get3A_680, %get3A_681] {strides = array<i32>} : memref<2x256x128xf32, #tpu.memory_space<vmem>>, vector<1x1x16xf32>,
      %get3A_683 = vector.shape_cast %get3A_682 : vector<1x1x16xf32> to vector<16xf32>
      %max3A_684 = arith.constant 0.000000e+00 : f32
      %max3A_685 = vector.broadcast %max3A_684 : f32 to vector<16xf32>
      %max3A_686 = arith.maximumf %get3A_683, %max3A_685 : vector<16xf32>
      %swap3A_687 = arith.constant 1 : i32
      %swap3A_688 = arith.index_cast %swap3A_687 : i32 to index
      %swap3A_689 = arith.index_cast %scan3A_648 : i32 to index
      %swap3A_690 = arith.constant 32 : index
      %swap3A_691 = tpu.vector_load %arg6[%swap3A_688, %swap3A_689, %swap3A_690] {strides = array<i32>} : memref<2x256x128xf32, #tpu.memory_space<vmem>>, vector<1x1x16xf32>,
      %swap3A_692 = vector.shape_cast %swap3A_691 : vector<1x1x16xf32> to vector<16xf32>
      %swap3A_693 = vector.shape_cast %max3A_686 : vector<16xf32> to vector<1x1x16xf32>
      tpu.vector_store %arg6[%swap3A_688, %swap3A_689, %swap3A_690], %swap3A_693 {strides = array<i32>} : memref<2x256x128xf32, #tpu.memory_space<vmem>>, vector<1x1x16xf32>,
      %get3A_694 = arith.constant 1 : i32
      %get3A_695 = arith.index_cast %get3A_694 : i32 to index
      %get3A_696 = arith.index_cast %scan3A_648 : i32 to index
      %get3A_697 = arith.constant 48 : index
      %get3A_698 = tpu.vector_load %arg6[%get3A_695, %get3A_696, %get3A_697] {strides = array<i32>} : memref<2x256x128xf32, #tpu.memory_space<vmem>>, vector<1x1x16xf32>,
      %get3A_699 = vector.shape_cast %get3A_698 : vector<1x1x16xf32> to vector<16xf32>
      %max3A_700 = arith.constant 0.000000e+00 : f32
      %max3A_701 = vector.broadcast %max3A_700 : f32 to vector<16xf32>
      %max3A_702 = arith.maximumf %get3A_699, %max3A_701 : vector<16xf32>
      %swap3A_703 = arith.constant 1 : i32
      %swap3A_704 = arith.index_cast %swap3A_703 : i32 to index
      %swap3A_705 = arith.index_cast %scan3A_648 : i32 to index
      %swap3A_706 = arith.constant 48 : index
      %swap3A_707 = tpu.vector_load %arg6[%swap3A_704, %swap3A_705, %swap3A_706] {strides = array<i32>} : memref<2x256x128xf32, #tpu.memory_space<vmem>>, vector<1x1x16xf32>,
      %swap3A_708 = vector.shape_cast %swap3A_707 : vector<1x1x16xf32> to vector<16xf32>
      %swap3A_709 = vector.shape_cast %max3A_702 : vector<16xf32> to vector<1x1x16xf32>
      tpu.vector_store %arg6[%swap3A_704, %swap3A_705, %swap3A_706], %swap3A_709 {strides = array<i32>} : memref<2x256x128xf32, #tpu.memory_space<vmem>>, vector<1x1x16xf32>,
      %get3A_710 = arith.constant 1 : i32
      %get3A_711 = arith.index_cast %get3A_710 : i32 to index
      %get3A_712 = arith.index_cast %scan3A_648 : i32 to index
      %get3A_713 = arith.constant 64 : index
      %get3A_714 = tpu.vector_load %arg6[%get3A_711, %get3A_712, %get3A_713] {strides = array<i32>} : memref<2x256x128xf32, #tpu.memory_space<vmem>>, vector<1x1x16xf32>,
      %get3A_715 = vector.shape_cast %get3A_714 : vector<1x1x16xf32> to vector<16xf32>
      %max3A_716 = arith.constant 0.000000e+00 : f32
      %max3A_717 = vector.broadcast %max3A_716 : f32 to vector<16xf32>
      %max3A_718 = arith.maximumf %get3A_715, %max3A_717 : vector<16xf32>
      %swap3A_719 = arith.constant 1 : i32
      %swap3A_720 = arith.index_cast %swap3A_719 : i32 to index
      %swap3A_721 = arith.index_cast %scan3A_648 : i32 to index
      %swap3A_722 = arith.constant 64 : index
      %swap3A_723 = tpu.vector_load %arg6[%swap3A_720, %swap3A_721, %swap3A_722] {strides = array<i32>} : memref<2x256x128xf32, #tpu.memory_space<vmem>>, vector<1x1x16xf32>,
      %swap3A_724 = vector.shape_cast %swap3A_723 : vector<1x1x16xf32> to vector<16xf32>
      %swap3A_725 = vector.shape_cast %max3A_718 : vector<16xf32> to vector<1x1x16xf32>
      tpu.vector_store %arg6[%swap3A_720, %swap3A_721, %swap3A_722], %swap3A_725 {strides = array<i32>} : memref<2x256x128xf32, #tpu.memory_space<vmem>>, vector<1x1x16xf32>,
      %get3A_726 = arith.constant 1 : i32
      %get3A_727 = arith.index_cast %get3A_726 : i32 to index
      %get3A_728 = arith.index_cast %scan3A_648 : i32 to index
      %get3A_729 = arith.constant 80 : index
      %get3A_730 = tpu.vector_load %arg6[%get3A_727, %get3A_728, %get3A_729] {strides = array<i32>} : memref<2x256x128xf32, #tpu.memory_space<vmem>>, vector<1x1x16xf32>,
      %get3A_731 = vector.shape_cast %get3A_730 : vector<1x1x16xf32> to vector<16xf32>
      %max3A_732 = arith.constant 0.000000e+00 : f32
      %max3A_733 = vector.broadcast %max3A_732 : f32 to vector<16xf32>
      %max3A_734 = arith.maximumf %get3A_731, %max3A_733 : vector<16xf32>
      %swap3A_735 = arith.constant 1 : i32
      %swap3A_736 = arith.index_cast %swap3A_735 : i32 to index
      %swap3A_737 = arith.index_cast %scan3A_648 : i32 to index
      %swap3A_738 = arith.constant 80 : index
      %swap3A_739 = tpu.vector_load %arg6[%swap3A_736, %swap3A_737, %swap3A_738] {strides = array<i32>} : memref<2x256x128xf32, #tpu.memory_space<vmem>>, vector<1x1x16xf32>,
      %swap3A_740 = vector.shape_cast %swap3A_739 : vector<1x1x16xf32> to vector<16xf32>
      %swap3A_741 = vector.shape_cast %max3A_734 : vector<16xf32> to vector<1x1x16xf32>
      tpu.vector_store %arg6[%swap3A_736, %swap3A_737, %swap3A_738], %swap3A_741 {strides = array<i32>} : memref<2x256x128xf32, #tpu.memory_space<vmem>>, vector<1x1x16xf32>,
      %get3A_742 = arith.constant 1 : i32
      %get3A_743 = arith.index_cast %get3A_742 : i32 to index
      %get3A_744 = arith.index_cast %scan3A_648 : i32 to index
      %get3A_745 = arith.constant 96 : index
      %get3A_746 = tpu.vector_load %arg6[%get3A_743, %get3A_744, %get3A_745] {strides = array<i32>} : memref<2x256x128xf32, #tpu.memory_space<vmem>>, vector<1x1x16xf32>,
      %get3A_747 = vector.shape_cast %get3A_746 : vector<1x1x16xf32> to vector<16xf32>
      %max3A_748 = arith.constant 0.000000e+00 : f32
      %max3A_749 = vector.broadcast %max3A_748 : f32 to vector<16xf32>
      %max3A_750 = arith.maximumf %get3A_747, %max3A_749 : vector<16xf32>
      %swap3A_751 = arith.constant 1 : i32
      %swap3A_752 = arith.index_cast %swap3A_751 : i32 to index
      %swap3A_753 = arith.index_cast %scan3A_648 : i32 to index
      %swap3A_754 = arith.constant 96 : index
      %swap3A_755 = tpu.vector_load %arg6[%swap3A_752, %swap3A_753, %swap3A_754] {strides = array<i32>} : memref<2x256x128xf32, #tpu.memory_space<vmem>>, vector<1x1x16xf32>,
      %swap3A_756 = vector.shape_cast %swap3A_755 : vector<1x1x16xf32> to vector<16xf32>
      %swap3A_757 = vector.shape_cast %max3A_750 : vector<16xf32> to vector<1x1x16xf32>
      tpu.vector_store %arg6[%swap3A_752, %swap3A_753, %swap3A_754], %swap3A_757 {strides = array<i32>} : memref<2x256x128xf32, #tpu.memory_space<vmem>>, vector<1x1x16xf32>,
      %get3A_758 = arith.constant 1 : i32
      %get3A_759 = arith.index_cast %get3A_758 : i32 to index
      %get3A_760 = arith.index_cast %scan3A_648 : i32 to index
      %get3A_761 = arith.constant 112 : index
      %get3A_762 = tpu.vector_load %arg6[%get3A_759, %get3A_760, %get3A_761] {strides = array<i32>} : memref<2x256x128xf32, #tpu.memory_space<vmem>>, vector<1x1x16xf32>,
      %get3A_763 = vector.shape_cast %get3A_762 : vector<1x1x16xf32> to vector<16xf32>
      %max3A_764 = arith.constant 0.000000e+00 : f32
      %max3A_765 = vector.broadcast %max3A_764 : f32 to vector<16xf32>
      %max3A_766 = arith.maximumf %get3A_763, %max3A_765 : vector<16xf32>
      %swap3A_767 = arith.constant 1 : i32
      %swap3A_768 = arith.index_cast %swap3A_767 : i32 to index
      %swap3A_769 = arith.index_cast %scan3A_648 : i32 to index
      %swap3A_770 = arith.constant 112 : index
      %swap3A_771 = tpu.vector_load %arg6[%swap3A_768, %swap3A_769, %swap3A_770] {strides = array<i32>} : memref<2x256x128xf32, #tpu.memory_space<vmem>>, vector<1x1x16xf32>,
      %swap3A_772 = vector.shape_cast %swap3A_771 : vector<1x1x16xf32> to vector<16xf32>
      %swap3A_773 = vector.shape_cast %max3A_766 : vector<16xf32> to vector<1x1x16xf32>
      tpu.vector_store %arg6[%swap3A_768, %swap3A_769, %swap3A_770], %swap3A_773 {strides = array<i32>} : memref<2x256x128xf32, #tpu.memory_space<vmem>>, vector<1x1x16xf32>,
    }
    %scan3A_521 = arith.constant 256 : i32
    %add3A_522 = arith.constant 2304 : i32
    %add3A_523 = arith.addi %mul3A_2, %add3A_522 : i32
    %dma_start3A_524 = arith.constant 1 : i32
    %dma_start3A_525 = arith.constant 0 : i32
    %dma_start3A_526 = arith.constant 0 : i32
    %dma_start3A_527 = tpu.memref_slice %arg6[%dma_start3A_524, %dma_start3A_525, %dma_start3A_526] : memref<2x256x128xf32, #tpu.memory_space<vmem>> -> memref<1x256x128xf32, #tpu.memory_space<vmem>>
    %dma_start3A_528 = tpu.memref_squeeze %dma_start3A_527 : memref<1x256x128xf32, #tpu.memory_space<vmem>> -> memref<256x128xf32, #tpu.memory_space<vmem>>
    %dma_start3A_529 = arith.constant 0 : i32
    %dma_start3A_530 = tpu.memref_slice %arg4[%add3A_523, %dma_start3A_529] : memref<98304x128xf32, #tpu.memory_space<hbm>> -> memref<256x128xf32, #tpu.memory_space<hbm>>
    %dma_start3A_531 = arith.constant 0 : i32
    %dma_start3A_532 = tpu.memref_slice %arg4[%add3A_523, %dma_start3A_531] : memref<98304x128xf32, #tpu.memory_space<hbm>> -> memref<256x128xf32, #tpu.memory_space<hbm>>
    %dma_start3A_533 = arith.constant 0 : i32
    %dma_start3A_534 = arith.constant 0 : i32
    %dma_start3A_535 = tpu.memref_slice %arg6[%dma_start3A_524, %dma_start3A_533, %dma_start3A_534] : memref<2x256x128xf32, #tpu.memory_space<vmem>> -> memref<1x256x128xf32, #tpu.memory_space<vmem>>
    %dma_start3A_536 = tpu.memref_squeeze %dma_start3A_535 : memref<1x256x128xf32, #tpu.memory_space<vmem>> -> memref<256x128xf32, #tpu.memory_space<vmem>>
    tpu.enqueue_dma source(%dma_start3A_536 : memref<256x128xf32, #tpu.memory_space<vmem>>) target(%dma_start3A_532 : memref<256x128xf32, #tpu.memory_space<hbm>>) target_semaphore(%arg10 : memref<!tpu.dma_semaphore, #tpu.memory_space<semaphore_mem>>)
    %dma_wait3A_537 = arith.constant 1 : i32
    %dma_wait3A_538 = arith.constant 0 : i32
    %dma_wait3A_539 = arith.constant 0 : i32
    %dma_wait3A_540 = tpu.memref_slice %arg6[%dma_wait3A_537, %dma_wait3A_538, %dma_wait3A_539] : memref<2x256x128xf32, #tpu.memory_space<vmem>> -> memref<1x256x128xf32, #tpu.memory_space<vmem>>
    %dma_wait3A_541 = tpu.memref_squeeze %dma_wait3A_540 : memref<1x256x128xf32, #tpu.memory_space<vmem>> -> memref<256x128xf32, #tpu.memory_space<vmem>>
    %dma_wait3A_542 = arith.constant 0 : i32
    %dma_wait3A_543 = tpu.memref_slice %arg4[%add3A_523, %dma_wait3A_542] : memref<98304x128xf32, #tpu.memory_space<hbm>> -> memref<256x128xf32, #tpu.memory_space<hbm>>
    %dma_wait3A_544 = arith.constant 0 : i32
    %dma_wait3A_545 = tpu.memref_slice %arg4[%add3A_523, %dma_wait3A_544] : memref<98304x128xf32, #tpu.memory_space<hbm>> -> memref<256x128xf32, #tpu.memory_space<hbm>>
    %dma_wait3A_546 = arith.constant 0 : i32
    %dma_wait3A_547 = arith.constant 0 : i32
    %dma_wait3A_548 = tpu.memref_slice %arg6[%dma_wait3A_537, %dma_wait3A_546, %dma_wait3A_547] : memref<2x256x128xf32, #tpu.memory_space<vmem>> -> memref<1x256x128xf32, #tpu.memory_space<vmem>>
    %dma_wait3A_549 = tpu.memref_squeeze %dma_wait3A_548 : memref<1x256x128xf32, #tpu.memory_space<vmem>> -> memref<256x128xf32, #tpu.memory_space<vmem>>
    tpu.wait_dma2 semaphore(%arg10 : memref<!tpu.dma_semaphore, #tpu.memory_space<semaphore_mem>>) src(%dma_wait3A_549 : memref<256x128xf32, #tpu.memory_space<vmem>>) dst(%dma_wait3A_545 : memref<256x128xf32, #tpu.memory_space<hbm>>)
    %dma_start3A_550 = arith.constant 1 : i32
    %dma_start3A_551 = arith.constant 0 : i32
    %dma_start3A_552 = arith.constant 0 : i32
    %dma_start3A_553 = tpu.memref_slice %arg6[%dma_start3A_550, %dma_start3A_551, %dma_start3A_552] : memref<2x256x128xf32, #tpu.memory_space<vmem>> -> memref<1x256x128xf32, #tpu.memory_space<vmem>>
    %dma_start3A_554 = tpu.memref_squeeze %dma_start3A_553 : memref<1x256x128xf32, #tpu.memory_space<vmem>> -> memref<256x128xf32, #tpu.memory_space<vmem>>
    %dma_start3A_555 = arith.constant 2816 : i32
    %dma_start3A_556 = tpu.memref_slice %arg5[%dma_start3A_555] : memref<3072xi32, #tpu.memory_space<vmem>> -> memref<256xi32, #tpu.memory_space<vmem>>
    %dma_start3A_557 = arith.constant 0 : i32
    %dma_start3A_558 = arith.constant 0 : i32
    %dma_start3A_559 = tpu.memref_slice %arg3[%dma_start3A_557, %dma_start3A_558] : memref<100000x128xf32, #tpu.memory_space<hbm>> -> memref<100000x128xf32, #tpu.memory_space<hbm>>
    tpu.enqueue_indirect_dma source(%dma_start3A_559 : memref<100000x128xf32, #tpu.memory_space<hbm>>) target(%dma_start3A_554 : memref<256x128xf32, #tpu.memory_space<vmem>>) offsets(%dma_start3A_556 : memref<256xi32, #tpu.memory_space<vmem>>) semaphore(%arg8 : memref<!tpu.dma_semaphore, #tpu.memory_space<semaphore_mem>>)
    %dma_wait3A_560 = arith.constant 0 : i32
    %dma_wait3A_561 = arith.constant 0 : i32
    %dma_wait3A_562 = arith.constant 0 : i32
    %dma_wait3A_563 = tpu.memref_slice %arg6[%dma_wait3A_560, %dma_wait3A_561, %dma_wait3A_562] : memref<2x256x128xf32, #tpu.memory_space<vmem>> -> memref<1x256x128xf32, #tpu.memory_space<vmem>>
    %dma_wait3A_564 = tpu.memref_squeeze %dma_wait3A_563 : memref<1x256x128xf32, #tpu.memory_space<vmem>> -> memref<256x128xf32, #tpu.memory_space<vmem>>
    %dma_wait3A_565 = arith.constant 2560 : i32
    %dma_wait3A_566 = tpu.memref_slice %arg5[%dma_wait3A_565] : memref<3072xi32, #tpu.memory_space<vmem>> -> memref<256xi32, #tpu.memory_space<vmem>>
    %dma_wait3A_567 = arith.constant 0 : i32
    %dma_wait3A_568 = arith.constant 0 : i32
    %dma_wait3A_569 = tpu.memref_slice %arg3[%dma_wait3A_567, %dma_wait3A_568] : memref<100000x128xf32, #tpu.memory_space<hbm>> -> memref<100000x128xf32, #tpu.memory_space<hbm>>
    tpu.wait_indirect_dma semaphore(%arg7 : memref<!tpu.dma_semaphore, #tpu.memory_space<semaphore_mem>>) src(%dma_wait3A_569 : memref<100000x128xf32, #tpu.memory_space<hbm>>) dst(%dma_wait3A_564 : memref<256x128xf32, #tpu.memory_space<vmem>>)
    %scan3A_570 = arith.constant 0 : i32
    %scan3A_571 = arith.constant 0 : i32
    %scan3A_572 = arith.constant 256 : i32
    %scan3A_573 = arith.addi %scan3A_571, %scan3A_572 : i32
    %scan3A_574 = arith.constant 1 : i32
    scf.for %scan3A_648 = %scan3A_571 to %scan3A_573 step %scan3A_574  : i32 {
      %get3A = arith.constant 0 : i32
      %get3A_649 = arith.index_cast %get3A : i32 to index
      %get3A_650 = arith.index_cast %scan3A_648 : i32 to index
      %get3A_651 = arith.constant 0 : index
      %get3A_652 = tpu.vector_load %arg6[%get3A_649, %get3A_650, %get3A_651] {strides = array<i32>} : memref<2x256x128xf32, #tpu.memory_space<vmem>>, vector<1x1x16xf32>,
      %get3A_653 = vector.shape_cast %get3A_652 : vector<1x1x16xf32> to vector<16xf32>
      %max3A = arith.constant 0.000000e+00 : f32
      %max3A_654 = vector.broadcast %max3A : f32 to vector<16xf32>
      %max3A_655 = arith.maximumf %get3A_653, %max3A_654 : vector<16xf32>
      %swap3A = arith.constant 0 : i32
      %swap3A_656 = arith.index_cast %swap3A : i32 to index
      %swap3A_657 = arith.index_cast %scan3A_648 : i32 to index
      %swap3A_658 = arith.constant 0 : index
      %swap3A_659 = tpu.vector_load %arg6[%swap3A_656, %swap3A_657, %swap3A_658] {strides = array<i32>} : memref<2x256x128xf32, #tpu.memory_space<vmem>>, vector<1x1x16xf32>,
      %swap3A_660 = vector.shape_cast %swap3A_659 : vector<1x1x16xf32> to vector<16xf32>
      %swap3A_661 = vector.shape_cast %max3A_655 : vector<16xf32> to vector<1x1x16xf32>
      tpu.vector_store %arg6[%swap3A_656, %swap3A_657, %swap3A_658], %swap3A_661 {strides = array<i32>} : memref<2x256x128xf32, #tpu.memory_space<vmem>>, vector<1x1x16xf32>,
      %get3A_662 = arith.constant 0 : i32
      %get3A_663 = arith.index_cast %get3A_662 : i32 to index
      %get3A_664 = arith.index_cast %scan3A_648 : i32 to index
      %get3A_665 = arith.constant 16 : index
      %get3A_666 = tpu.vector_load %arg6[%get3A_663, %get3A_664, %get3A_665] {strides = array<i32>} : memref<2x256x128xf32, #tpu.memory_space<vmem>>, vector<1x1x16xf32>,
      %get3A_667 = vector.shape_cast %get3A_666 : vector<1x1x16xf32> to vector<16xf32>
      %max3A_668 = arith.constant 0.000000e+00 : f32
      %max3A_669 = vector.broadcast %max3A_668 : f32 to vector<16xf32>
      %max3A_670 = arith.maximumf %get3A_667, %max3A_669 : vector<16xf32>
      %swap3A_671 = arith.constant 0 : i32
      %swap3A_672 = arith.index_cast %swap3A_671 : i32 to index
      %swap3A_673 = arith.index_cast %scan3A_648 : i32 to index
      %swap3A_674 = arith.constant 16 : index
      %swap3A_675 = tpu.vector_load %arg6[%swap3A_672, %swap3A_673, %swap3A_674] {strides = array<i32>} : memref<2x256x128xf32, #tpu.memory_space<vmem>>, vector<1x1x16xf32>,
      %swap3A_676 = vector.shape_cast %swap3A_675 : vector<1x1x16xf32> to vector<16xf32>
      %swap3A_677 = vector.shape_cast %max3A_670 : vector<16xf32> to vector<1x1x16xf32>
      tpu.vector_store %arg6[%swap3A_672, %swap3A_673, %swap3A_674], %swap3A_677 {strides = array<i32>} : memref<2x256x128xf32, #tpu.memory_space<vmem>>, vector<1x1x16xf32>,
      %get3A_678 = arith.constant 0 : i32
      %get3A_679 = arith.index_cast %get3A_678 : i32 to index
      %get3A_680 = arith.index_cast %scan3A_648 : i32 to index
      %get3A_681 = arith.constant 32 : index
      %get3A_682 = tpu.vector_load %arg6[%get3A_679, %get3A_680, %get3A_681] {strides = array<i32>} : memref<2x256x128xf32, #tpu.memory_space<vmem>>, vector<1x1x16xf32>,
      %get3A_683 = vector.shape_cast %get3A_682 : vector<1x1x16xf32> to vector<16xf32>
      %max3A_684 = arith.constant 0.000000e+00 : f32
      %max3A_685 = vector.broadcast %max3A_684 : f32 to vector<16xf32>
      %max3A_686 = arith.maximumf %get3A_683, %max3A_685 : vector<16xf32>
      %swap3A_687 = arith.constant 0 : i32
      %swap3A_688 = arith.index_cast %swap3A_687 : i32 to index
      %swap3A_689 = arith.index_cast %scan3A_648 : i32 to index
      %swap3A_690 = arith.constant 32 : index
      %swap3A_691 = tpu.vector_load %arg6[%swap3A_688, %swap3A_689, %swap3A_690] {strides = array<i32>} : memref<2x256x128xf32, #tpu.memory_space<vmem>>, vector<1x1x16xf32>,
      %swap3A_692 = vector.shape_cast %swap3A_691 : vector<1x1x16xf32> to vector<16xf32>
      %swap3A_693 = vector.shape_cast %max3A_686 : vector<16xf32> to vector<1x1x16xf32>
      tpu.vector_store %arg6[%swap3A_688, %swap3A_689, %swap3A_690], %swap3A_693 {strides = array<i32>} : memref<2x256x128xf32, #tpu.memory_space<vmem>>, vector<1x1x16xf32>,
      %get3A_694 = arith.constant 0 : i32
      %get3A_695 = arith.index_cast %get3A_694 : i32 to index
      %get3A_696 = arith.index_cast %scan3A_648 : i32 to index
      %get3A_697 = arith.constant 48 : index
      %get3A_698 = tpu.vector_load %arg6[%get3A_695, %get3A_696, %get3A_697] {strides = array<i32>} : memref<2x256x128xf32, #tpu.memory_space<vmem>>, vector<1x1x16xf32>,
      %get3A_699 = vector.shape_cast %get3A_698 : vector<1x1x16xf32> to vector<16xf32>
      %max3A_700 = arith.constant 0.000000e+00 : f32
      %max3A_701 = vector.broadcast %max3A_700 : f32 to vector<16xf32>
      %max3A_702 = arith.maximumf %get3A_699, %max3A_701 : vector<16xf32>
      %swap3A_703 = arith.constant 0 : i32
      %swap3A_704 = arith.index_cast %swap3A_703 : i32 to index
      %swap3A_705 = arith.index_cast %scan3A_648 : i32 to index
      %swap3A_706 = arith.constant 48 : index
      %swap3A_707 = tpu.vector_load %arg6[%swap3A_704, %swap3A_705, %swap3A_706] {strides = array<i32>} : memref<2x256x128xf32, #tpu.memory_space<vmem>>, vector<1x1x16xf32>,
      %swap3A_708 = vector.shape_cast %swap3A_707 : vector<1x1x16xf32> to vector<16xf32>
      %swap3A_709 = vector.shape_cast %max3A_702 : vector<16xf32> to vector<1x1x16xf32>
      tpu.vector_store %arg6[%swap3A_704, %swap3A_705, %swap3A_706], %swap3A_709 {strides = array<i32>} : memref<2x256x128xf32, #tpu.memory_space<vmem>>, vector<1x1x16xf32>,
      %get3A_710 = arith.constant 0 : i32
      %get3A_711 = arith.index_cast %get3A_710 : i32 to index
      %get3A_712 = arith.index_cast %scan3A_648 : i32 to index
      %get3A_713 = arith.constant 64 : index
      %get3A_714 = tpu.vector_load %arg6[%get3A_711, %get3A_712, %get3A_713] {strides = array<i32>} : memref<2x256x128xf32, #tpu.memory_space<vmem>>, vector<1x1x16xf32>,
      %get3A_715 = vector.shape_cast %get3A_714 : vector<1x1x16xf32> to vector<16xf32>
      %max3A_716 = arith.constant 0.000000e+00 : f32
      %max3A_717 = vector.broadcast %max3A_716 : f32 to vector<16xf32>
      %max3A_718 = arith.maximumf %get3A_715, %max3A_717 : vector<16xf32>
      %swap3A_719 = arith.constant 0 : i32
      %swap3A_720 = arith.index_cast %swap3A_719 : i32 to index
      %swap3A_721 = arith.index_cast %scan3A_648 : i32 to index
      %swap3A_722 = arith.constant 64 : index
      %swap3A_723 = tpu.vector_load %arg6[%swap3A_720, %swap3A_721, %swap3A_722] {strides = array<i32>} : memref<2x256x128xf32, #tpu.memory_space<vmem>>, vector<1x1x16xf32>,
      %swap3A_724 = vector.shape_cast %swap3A_723 : vector<1x1x16xf32> to vector<16xf32>
      %swap3A_725 = vector.shape_cast %max3A_718 : vector<16xf32> to vector<1x1x16xf32>
      tpu.vector_store %arg6[%swap3A_720, %swap3A_721, %swap3A_722], %swap3A_725 {strides = array<i32>} : memref<2x256x128xf32, #tpu.memory_space<vmem>>, vector<1x1x16xf32>,
      %get3A_726 = arith.constant 0 : i32
      %get3A_727 = arith.index_cast %get3A_726 : i32 to index
      %get3A_728 = arith.index_cast %scan3A_648 : i32 to index
      %get3A_729 = arith.constant 80 : index
      %get3A_730 = tpu.vector_load %arg6[%get3A_727, %get3A_728, %get3A_729] {strides = array<i32>} : memref<2x256x128xf32, #tpu.memory_space<vmem>>, vector<1x1x16xf32>,
      %get3A_731 = vector.shape_cast %get3A_730 : vector<1x1x16xf32> to vector<16xf32>
      %max3A_732 = arith.constant 0.000000e+00 : f32
      %max3A_733 = vector.broadcast %max3A_732 : f32 to vector<16xf32>
      %max3A_734 = arith.maximumf %get3A_731, %max3A_733 : vector<16xf32>
      %swap3A_735 = arith.constant 0 : i32
      %swap3A_736 = arith.index_cast %swap3A_735 : i32 to index
      %swap3A_737 = arith.index_cast %scan3A_648 : i32 to index
      %swap3A_738 = arith.constant 80 : index
      %swap3A_739 = tpu.vector_load %arg6[%swap3A_736, %swap3A_737, %swap3A_738] {strides = array<i32>} : memref<2x256x128xf32, #tpu.memory_space<vmem>>, vector<1x1x16xf32>,
      %swap3A_740 = vector.shape_cast %swap3A_739 : vector<1x1x16xf32> to vector<16xf32>
      %swap3A_741 = vector.shape_cast %max3A_734 : vector<16xf32> to vector<1x1x16xf32>
      tpu.vector_store %arg6[%swap3A_736, %swap3A_737, %swap3A_738], %swap3A_741 {strides = array<i32>} : memref<2x256x128xf32, #tpu.memory_space<vmem>>, vector<1x1x16xf32>,
      %get3A_742 = arith.constant 0 : i32
      %get3A_743 = arith.index_cast %get3A_742 : i32 to index
      %get3A_744 = arith.index_cast %scan3A_648 : i32 to index
      %get3A_745 = arith.constant 96 : index
      %get3A_746 = tpu.vector_load %arg6[%get3A_743, %get3A_744, %get3A_745] {strides = array<i32>} : memref<2x256x128xf32, #tpu.memory_space<vmem>>, vector<1x1x16xf32>,
      %get3A_747 = vector.shape_cast %get3A_746 : vector<1x1x16xf32> to vector<16xf32>
      %max3A_748 = arith.constant 0.000000e+00 : f32
      %max3A_749 = vector.broadcast %max3A_748 : f32 to vector<16xf32>
      %max3A_750 = arith.maximumf %get3A_747, %max3A_749 : vector<16xf32>
      %swap3A_751 = arith.constant 0 : i32
      %swap3A_752 = arith.index_cast %swap3A_751 : i32 to index
      %swap3A_753 = arith.index_cast %scan3A_648 : i32 to index
      %swap3A_754 = arith.constant 96 : index
      %swap3A_755 = tpu.vector_load %arg6[%swap3A_752, %swap3A_753, %swap3A_754] {strides = array<i32>} : memref<2x256x128xf32, #tpu.memory_space<vmem>>, vector<1x1x16xf32>,
      %swap3A_756 = vector.shape_cast %swap3A_755 : vector<1x1x16xf32> to vector<16xf32>
      %swap3A_757 = vector.shape_cast %max3A_750 : vector<16xf32> to vector<1x1x16xf32>
      tpu.vector_store %arg6[%swap3A_752, %swap3A_753, %swap3A_754], %swap3A_757 {strides = array<i32>} : memref<2x256x128xf32, #tpu.memory_space<vmem>>, vector<1x1x16xf32>,
      %get3A_758 = arith.constant 0 : i32
      %get3A_759 = arith.index_cast %get3A_758 : i32 to index
      %get3A_760 = arith.index_cast %scan3A_648 : i32 to index
      %get3A_761 = arith.constant 112 : index
      %get3A_762 = tpu.vector_load %arg6[%get3A_759, %get3A_760, %get3A_761] {strides = array<i32>} : memref<2x256x128xf32, #tpu.memory_space<vmem>>, vector<1x1x16xf32>,
      %get3A_763 = vector.shape_cast %get3A_762 : vector<1x1x16xf32> to vector<16xf32>
      %max3A_764 = arith.constant 0.000000e+00 : f32
      %max3A_765 = vector.broadcast %max3A_764 : f32 to vector<16xf32>
      %max3A_766 = arith.maximumf %get3A_763, %max3A_765 : vector<16xf32>
      %swap3A_767 = arith.constant 0 : i32
      %swap3A_768 = arith.index_cast %swap3A_767 : i32 to index
      %swap3A_769 = arith.index_cast %scan3A_648 : i32 to index
      %swap3A_770 = arith.constant 112 : index
      %swap3A_771 = tpu.vector_load %arg6[%swap3A_768, %swap3A_769, %swap3A_770] {strides = array<i32>} : memref<2x256x128xf32, #tpu.memory_space<vmem>>, vector<1x1x16xf32>,
      %swap3A_772 = vector.shape_cast %swap3A_771 : vector<1x1x16xf32> to vector<16xf32>
      %swap3A_773 = vector.shape_cast %max3A_766 : vector<16xf32> to vector<1x1x16xf32>
      tpu.vector_store %arg6[%swap3A_768, %swap3A_769, %swap3A_770], %swap3A_773 {strides = array<i32>} : memref<2x256x128xf32, #tpu.memory_space<vmem>>, vector<1x1x16xf32>,
    }
    %scan3A_575 = arith.constant 256 : i32
    %add3A_576 = arith.constant 2560 : i32
    %add3A_577 = arith.addi %mul3A_2, %add3A_576 : i32
    %dma_start3A_578 = arith.constant 0 : i32
    %dma_start3A_579 = arith.constant 0 : i32
    %dma_start3A_580 = arith.constant 0 : i32
    %dma_start3A_581 = tpu.memref_slice %arg6[%dma_start3A_578, %dma_start3A_579, %dma_start3A_580] : memref<2x256x128xf32, #tpu.memory_space<vmem>> -> memref<1x256x128xf32, #tpu.memory_space<vmem>>
    %dma_start3A_582 = tpu.memref_squeeze %dma_start3A_581 : memref<1x256x128xf32, #tpu.memory_space<vmem>> -> memref<256x128xf32, #tpu.memory_space<vmem>>
    %dma_start3A_583 = arith.constant 0 : i32
    %dma_start3A_584 = tpu.memref_slice %arg4[%add3A_577, %dma_start3A_583] : memref<98304x128xf32, #tpu.memory_space<hbm>> -> memref<256x128xf32, #tpu.memory_space<hbm>>
    %dma_start3A_585 = arith.constant 0 : i32
    %dma_start3A_586 = tpu.memref_slice %arg4[%add3A_577, %dma_start3A_585] : memref<98304x128xf32, #tpu.memory_space<hbm>> -> memref<256x128xf32, #tpu.memory_space<hbm>>
    %dma_start3A_587 = arith.constant 0 : i32
    %dma_start3A_588 = arith.constant 0 : i32
    %dma_start3A_589 = tpu.memref_slice %arg6[%dma_start3A_578, %dma_start3A_587, %dma_start3A_588] : memref<2x256x128xf32, #tpu.memory_space<vmem>> -> memref<1x256x128xf32, #tpu.memory_space<vmem>>
    %dma_start3A_590 = tpu.memref_squeeze %dma_start3A_589 : memref<1x256x128xf32, #tpu.memory_space<vmem>> -> memref<256x128xf32, #tpu.memory_space<vmem>>
    tpu.enqueue_dma source(%dma_start3A_590 : memref<256x128xf32, #tpu.memory_space<vmem>>) target(%dma_start3A_586 : memref<256x128xf32, #tpu.memory_space<hbm>>) target_semaphore(%arg9 : memref<!tpu.dma_semaphore, #tpu.memory_space<semaphore_mem>>)
    %dma_wait3A_591 = arith.constant 1 : i32
    %dma_wait3A_592 = arith.constant 0 : i32
    %dma_wait3A_593 = arith.constant 0 : i32
    %dma_wait3A_594 = tpu.memref_slice %arg6[%dma_wait3A_591, %dma_wait3A_592, %dma_wait3A_593] : memref<2x256x128xf32, #tpu.memory_space<vmem>> -> memref<1x256x128xf32, #tpu.memory_space<vmem>>
    %dma_wait3A_595 = tpu.memref_squeeze %dma_wait3A_594 : memref<1x256x128xf32, #tpu.memory_space<vmem>> -> memref<256x128xf32, #tpu.memory_space<vmem>>
    %dma_wait3A_596 = arith.constant 2816 : i32
    %dma_wait3A_597 = tpu.memref_slice %arg5[%dma_wait3A_596] : memref<3072xi32, #tpu.memory_space<vmem>> -> memref<256xi32, #tpu.memory_space<vmem>>
    %dma_wait3A_598 = arith.constant 0 : i32
    %dma_wait3A_599 = arith.constant 0 : i32
    %dma_wait3A_600 = tpu.memref_slice %arg3[%dma_wait3A_598, %dma_wait3A_599] : memref<100000x128xf32, #tpu.memory_space<hbm>> -> memref<100000x128xf32, #tpu.memory_space<hbm>>
    tpu.wait_indirect_dma semaphore(%arg8 : memref<!tpu.dma_semaphore, #tpu.memory_space<semaphore_mem>>) src(%dma_wait3A_600 : memref<100000x128xf32, #tpu.memory_space<hbm>>) dst(%dma_wait3A_595 : memref<256x128xf32, #tpu.memory_space<vmem>>)
    %scan3A_601 = arith.constant 0 : i32
    %scan3A_602 = arith.constant 0 : i32
    %scan3A_603 = arith.constant 256 : i32
    %scan3A_604 = arith.addi %scan3A_602, %scan3A_603 : i32
    %scan3A_605 = arith.constant 1 : i32
    scf.for %scan3A_648 = %scan3A_602 to %scan3A_604 step %scan3A_605  : i32 {
      %get3A = arith.constant 1 : i32
      %get3A_649 = arith.index_cast %get3A : i32 to index
      %get3A_650 = arith.index_cast %scan3A_648 : i32 to index
      %get3A_651 = arith.constant 0 : index
      %get3A_652 = tpu.vector_load %arg6[%get3A_649, %get3A_650, %get3A_651] {strides = array<i32>} : memref<2x256x128xf32, #tpu.memory_space<vmem>>, vector<1x1x16xf32>,
      %get3A_653 = vector.shape_cast %get3A_652 : vector<1x1x16xf32> to vector<16xf32>
      %max3A = arith.constant 0.000000e+00 : f32
      %max3A_654 = vector.broadcast %max3A : f32 to vector<16xf32>
      %max3A_655 = arith.maximumf %get3A_653, %max3A_654 : vector<16xf32>
      %swap3A = arith.constant 1 : i32
      %swap3A_656 = arith.index_cast %swap3A : i32 to index
      %swap3A_657 = arith.index_cast %scan3A_648 : i32 to index
      %swap3A_658 = arith.constant 0 : index
      %swap3A_659 = tpu.vector_load %arg6[%swap3A_656, %swap3A_657, %swap3A_658] {strides = array<i32>} : memref<2x256x128xf32, #tpu.memory_space<vmem>>, vector<1x1x16xf32>,
      %swap3A_660 = vector.shape_cast %swap3A_659 : vector<1x1x16xf32> to vector<16xf32>
      %swap3A_661 = vector.shape_cast %max3A_655 : vector<16xf32> to vector<1x1x16xf32>
      tpu.vector_store %arg6[%swap3A_656, %swap3A_657, %swap3A_658], %swap3A_661 {strides = array<i32>} : memref<2x256x128xf32, #tpu.memory_space<vmem>>, vector<1x1x16xf32>,
      %get3A_662 = arith.constant 1 : i32
      %get3A_663 = arith.index_cast %get3A_662 : i32 to index
      %get3A_664 = arith.index_cast %scan3A_648 : i32 to index
      %get3A_665 = arith.constant 16 : index
      %get3A_666 = tpu.vector_load %arg6[%get3A_663, %get3A_664, %get3A_665] {strides = array<i32>} : memref<2x256x128xf32, #tpu.memory_space<vmem>>, vector<1x1x16xf32>,
      %get3A_667 = vector.shape_cast %get3A_666 : vector<1x1x16xf32> to vector<16xf32>
      %max3A_668 = arith.constant 0.000000e+00 : f32
      %max3A_669 = vector.broadcast %max3A_668 : f32 to vector<16xf32>
      %max3A_670 = arith.maximumf %get3A_667, %max3A_669 : vector<16xf32>
      %swap3A_671 = arith.constant 1 : i32
      %swap3A_672 = arith.index_cast %swap3A_671 : i32 to index
      %swap3A_673 = arith.index_cast %scan3A_648 : i32 to index
      %swap3A_674 = arith.constant 16 : index
      %swap3A_675 = tpu.vector_load %arg6[%swap3A_672, %swap3A_673, %swap3A_674] {strides = array<i32>} : memref<2x256x128xf32, #tpu.memory_space<vmem>>, vector<1x1x16xf32>,
      %swap3A_676 = vector.shape_cast %swap3A_675 : vector<1x1x16xf32> to vector<16xf32>
      %swap3A_677 = vector.shape_cast %max3A_670 : vector<16xf32> to vector<1x1x16xf32>
      tpu.vector_store %arg6[%swap3A_672, %swap3A_673, %swap3A_674], %swap3A_677 {strides = array<i32>} : memref<2x256x128xf32, #tpu.memory_space<vmem>>, vector<1x1x16xf32>,
      %get3A_678 = arith.constant 1 : i32
      %get3A_679 = arith.index_cast %get3A_678 : i32 to index
      %get3A_680 = arith.index_cast %scan3A_648 : i32 to index
      %get3A_681 = arith.constant 32 : index
      %get3A_682 = tpu.vector_load %arg6[%get3A_679, %get3A_680, %get3A_681] {strides = array<i32>} : memref<2x256x128xf32, #tpu.memory_space<vmem>>, vector<1x1x16xf32>,
      %get3A_683 = vector.shape_cast %get3A_682 : vector<1x1x16xf32> to vector<16xf32>
      %max3A_684 = arith.constant 0.000000e+00 : f32
      %max3A_685 = vector.broadcast %max3A_684 : f32 to vector<16xf32>
      %max3A_686 = arith.maximumf %get3A_683, %max3A_685 : vector<16xf32>
      %swap3A_687 = arith.constant 1 : i32
      %swap3A_688 = arith.index_cast %swap3A_687 : i32 to index
      %swap3A_689 = arith.index_cast %scan3A_648 : i32 to index
      %swap3A_690 = arith.constant 32 : index
      %swap3A_691 = tpu.vector_load %arg6[%swap3A_688, %swap3A_689, %swap3A_690] {strides = array<i32>} : memref<2x256x128xf32, #tpu.memory_space<vmem>>, vector<1x1x16xf32>,
      %swap3A_692 = vector.shape_cast %swap3A_691 : vector<1x1x16xf32> to vector<16xf32>
      %swap3A_693 = vector.shape_cast %max3A_686 : vector<16xf32> to vector<1x1x16xf32>
      tpu.vector_store %arg6[%swap3A_688, %swap3A_689, %swap3A_690], %swap3A_693 {strides = array<i32>} : memref<2x256x128xf32, #tpu.memory_space<vmem>>, vector<1x1x16xf32>,
      %get3A_694 = arith.constant 1 : i32
      %get3A_695 = arith.index_cast %get3A_694 : i32 to index
      %get3A_696 = arith.index_cast %scan3A_648 : i32 to index
      %get3A_697 = arith.constant 48 : index
      %get3A_698 = tpu.vector_load %arg6[%get3A_695, %get3A_696, %get3A_697] {strides = array<i32>} : memref<2x256x128xf32, #tpu.memory_space<vmem>>, vector<1x1x16xf32>,
      %get3A_699 = vector.shape_cast %get3A_698 : vector<1x1x16xf32> to vector<16xf32>
      %max3A_700 = arith.constant 0.000000e+00 : f32
      %max3A_701 = vector.broadcast %max3A_700 : f32 to vector<16xf32>
      %max3A_702 = arith.maximumf %get3A_699, %max3A_701 : vector<16xf32>
      %swap3A_703 = arith.constant 1 : i32
      %swap3A_704 = arith.index_cast %swap3A_703 : i32 to index
      %swap3A_705 = arith.index_cast %scan3A_648 : i32 to index
      %swap3A_706 = arith.constant 48 : index
      %swap3A_707 = tpu.vector_load %arg6[%swap3A_704, %swap3A_705, %swap3A_706] {strides = array<i32>} : memref<2x256x128xf32, #tpu.memory_space<vmem>>, vector<1x1x16xf32>,
      %swap3A_708 = vector.shape_cast %swap3A_707 : vector<1x1x16xf32> to vector<16xf32>
      %swap3A_709 = vector.shape_cast %max3A_702 : vector<16xf32> to vector<1x1x16xf32>
      tpu.vector_store %arg6[%swap3A_704, %swap3A_705, %swap3A_706], %swap3A_709 {strides = array<i32>} : memref<2x256x128xf32, #tpu.memory_space<vmem>>, vector<1x1x16xf32>,
      %get3A_710 = arith.constant 1 : i32
      %get3A_711 = arith.index_cast %get3A_710 : i32 to index
      %get3A_712 = arith.index_cast %scan3A_648 : i32 to index
      %get3A_713 = arith.constant 64 : index
      %get3A_714 = tpu.vector_load %arg6[%get3A_711, %get3A_712, %get3A_713] {strides = array<i32>} : memref<2x256x128xf32, #tpu.memory_space<vmem>>, vector<1x1x16xf32>,
      %get3A_715 = vector.shape_cast %get3A_714 : vector<1x1x16xf32> to vector<16xf32>
      %max3A_716 = arith.constant 0.000000e+00 : f32
      %max3A_717 = vector.broadcast %max3A_716 : f32 to vector<16xf32>
      %max3A_718 = arith.maximumf %get3A_715, %max3A_717 : vector<16xf32>
      %swap3A_719 = arith.constant 1 : i32
      %swap3A_720 = arith.index_cast %swap3A_719 : i32 to index
      %swap3A_721 = arith.index_cast %scan3A_648 : i32 to index
      %swap3A_722 = arith.constant 64 : index
      %swap3A_723 = tpu.vector_load %arg6[%swap3A_720, %swap3A_721, %swap3A_722] {strides = array<i32>} : memref<2x256x128xf32, #tpu.memory_space<vmem>>, vector<1x1x16xf32>,
      %swap3A_724 = vector.shape_cast %swap3A_723 : vector<1x1x16xf32> to vector<16xf32>
      %swap3A_725 = vector.shape_cast %max3A_718 : vector<16xf32> to vector<1x1x16xf32>
      tpu.vector_store %arg6[%swap3A_720, %swap3A_721, %swap3A_722], %swap3A_725 {strides = array<i32>} : memref<2x256x128xf32, #tpu.memory_space<vmem>>, vector<1x1x16xf32>,
      %get3A_726 = arith.constant 1 : i32
      %get3A_727 = arith.index_cast %get3A_726 : i32 to index
      %get3A_728 = arith.index_cast %scan3A_648 : i32 to index
      %get3A_729 = arith.constant 80 : index
      %get3A_730 = tpu.vector_load %arg6[%get3A_727, %get3A_728, %get3A_729] {strides = array<i32>} : memref<2x256x128xf32, #tpu.memory_space<vmem>>, vector<1x1x16xf32>,
      %get3A_731 = vector.shape_cast %get3A_730 : vector<1x1x16xf32> to vector<16xf32>
      %max3A_732 = arith.constant 0.000000e+00 : f32
      %max3A_733 = vector.broadcast %max3A_732 : f32 to vector<16xf32>
      %max3A_734 = arith.maximumf %get3A_731, %max3A_733 : vector<16xf32>
      %swap3A_735 = arith.constant 1 : i32
      %swap3A_736 = arith.index_cast %swap3A_735 : i32 to index
      %swap3A_737 = arith.index_cast %scan3A_648 : i32 to index
      %swap3A_738 = arith.constant 80 : index
      %swap3A_739 = tpu.vector_load %arg6[%swap3A_736, %swap3A_737, %swap3A_738] {strides = array<i32>} : memref<2x256x128xf32, #tpu.memory_space<vmem>>, vector<1x1x16xf32>,
      %swap3A_740 = vector.shape_cast %swap3A_739 : vector<1x1x16xf32> to vector<16xf32>
      %swap3A_741 = vector.shape_cast %max3A_734 : vector<16xf32> to vector<1x1x16xf32>
      tpu.vector_store %arg6[%swap3A_736, %swap3A_737, %swap3A_738], %swap3A_741 {strides = array<i32>} : memref<2x256x128xf32, #tpu.memory_space<vmem>>, vector<1x1x16xf32>,
      %get3A_742 = arith.constant 1 : i32
      %get3A_743 = arith.index_cast %get3A_742 : i32 to index
      %get3A_744 = arith.index_cast %scan3A_648 : i32 to index
      %get3A_745 = arith.constant 96 : index
      %get3A_746 = tpu.vector_load %arg6[%get3A_743, %get3A_744, %get3A_745] {strides = array<i32>} : memref<2x256x128xf32, #tpu.memory_space<vmem>>, vector<1x1x16xf32>,
      %get3A_747 = vector.shape_cast %get3A_746 : vector<1x1x16xf32> to vector<16xf32>
      %max3A_748 = arith.constant 0.000000e+00 : f32
      %max3A_749 = vector.broadcast %max3A_748 : f32 to vector<16xf32>
      %max3A_750 = arith.maximumf %get3A_747, %max3A_749 : vector<16xf32>
      %swap3A_751 = arith.constant 1 : i32
      %swap3A_752 = arith.index_cast %swap3A_751 : i32 to index
      %swap3A_753 = arith.index_cast %scan3A_648 : i32 to index
      %swap3A_754 = arith.constant 96 : index
      %swap3A_755 = tpu.vector_load %arg6[%swap3A_752, %swap3A_753, %swap3A_754] {strides = array<i32>} : memref<2x256x128xf32, #tpu.memory_space<vmem>>, vector<1x1x16xf32>,
      %swap3A_756 = vector.shape_cast %swap3A_755 : vector<1x1x16xf32> to vector<16xf32>
      %swap3A_757 = vector.shape_cast %max3A_750 : vector<16xf32> to vector<1x1x16xf32>
      tpu.vector_store %arg6[%swap3A_752, %swap3A_753, %swap3A_754], %swap3A_757 {strides = array<i32>} : memref<2x256x128xf32, #tpu.memory_space<vmem>>, vector<1x1x16xf32>,
      %get3A_758 = arith.constant 1 : i32
      %get3A_759 = arith.index_cast %get3A_758 : i32 to index
      %get3A_760 = arith.index_cast %scan3A_648 : i32 to index
      %get3A_761 = arith.constant 112 : index
      %get3A_762 = tpu.vector_load %arg6[%get3A_759, %get3A_760, %get3A_761] {strides = array<i32>} : memref<2x256x128xf32, #tpu.memory_space<vmem>>, vector<1x1x16xf32>,
      %get3A_763 = vector.shape_cast %get3A_762 : vector<1x1x16xf32> to vector<16xf32>
      %max3A_764 = arith.constant 0.000000e+00 : f32
      %max3A_765 = vector.broadcast %max3A_764 : f32 to vector<16xf32>
      %max3A_766 = arith.maximumf %get3A_763, %max3A_765 : vector<16xf32>
      %swap3A_767 = arith.constant 1 : i32
      %swap3A_768 = arith.index_cast %swap3A_767 : i32 to index
      %swap3A_769 = arith.index_cast %scan3A_648 : i32 to index
      %swap3A_770 = arith.constant 112 : index
      %swap3A_771 = tpu.vector_load %arg6[%swap3A_768, %swap3A_769, %swap3A_770] {strides = array<i32>} : memref<2x256x128xf32, #tpu.memory_space<vmem>>, vector<1x1x16xf32>,
      %swap3A_772 = vector.shape_cast %swap3A_771 : vector<1x1x16xf32> to vector<16xf32>
      %swap3A_773 = vector.shape_cast %max3A_766 : vector<16xf32> to vector<1x1x16xf32>
      tpu.vector_store %arg6[%swap3A_768, %swap3A_769, %swap3A_770], %swap3A_773 {strides = array<i32>} : memref<2x256x128xf32, #tpu.memory_space<vmem>>, vector<1x1x16xf32>,
    }
    %scan3A_606 = arith.constant 256 : i32
    %add3A_607 = arith.constant 2816 : i32
    %add3A_608 = arith.addi %mul3A_2, %add3A_607 : i32
    %dma_start3A_609 = arith.constant 1 : i32
    %dma_start3A_610 = arith.constant 0 : i32
    %dma_start3A_611 = arith.constant 0 : i32
    %dma_start3A_612 = tpu.memref_slice %arg6[%dma_start3A_609, %dma_start3A_610, %dma_start3A_611] : memref<2x256x128xf32, #tpu.memory_space<vmem>> -> memref<1x256x128xf32, #tpu.memory_space<vmem>>
    %dma_start3A_613 = tpu.memref_squeeze %dma_start3A_612 : memref<1x256x128xf32, #tpu.memory_space<vmem>> -> memref<256x128xf32, #tpu.memory_space<vmem>>
    %dma_start3A_614 = arith.constant 0 : i32
    %dma_start3A_615 = tpu.memref_slice %arg4[%add3A_608, %dma_start3A_614] : memref<98304x128xf32, #tpu.memory_space<hbm>> -> memref<256x128xf32, #tpu.memory_space<hbm>>
    %dma_start3A_616 = arith.constant 0 : i32
    %dma_start3A_617 = tpu.memref_slice %arg4[%add3A_608, %dma_start3A_616] : memref<98304x128xf32, #tpu.memory_space<hbm>> -> memref<256x128xf32, #tpu.memory_space<hbm>>
    %dma_start3A_618 = arith.constant 0 : i32
    %dma_start3A_619 = arith.constant 0 : i32
    %dma_start3A_620 = tpu.memref_slice %arg6[%dma_start3A_609, %dma_start3A_618, %dma_start3A_619] : memref<2x256x128xf32, #tpu.memory_space<vmem>> -> memref<1x256x128xf32, #tpu.memory_space<vmem>>
    %dma_start3A_621 = tpu.memref_squeeze %dma_start3A_620 : memref<1x256x128xf32, #tpu.memory_space<vmem>> -> memref<256x128xf32, #tpu.memory_space<vmem>>
    tpu.enqueue_dma source(%dma_start3A_621 : memref<256x128xf32, #tpu.memory_space<vmem>>) target(%dma_start3A_617 : memref<256x128xf32, #tpu.memory_space<hbm>>) target_semaphore(%arg10 : memref<!tpu.dma_semaphore, #tpu.memory_space<semaphore_mem>>)
    %dma_wait3A_622 = arith.constant 0 : i32
    %dma_wait3A_623 = arith.constant 0 : i32
    %dma_wait3A_624 = arith.constant 0 : i32
    %dma_wait3A_625 = tpu.memref_slice %arg6[%dma_wait3A_622, %dma_wait3A_623, %dma_wait3A_624] : memref<2x256x128xf32, #tpu.memory_space<vmem>> -> memref<1x256x128xf32, #tpu.memory_space<vmem>>
    %dma_wait3A_626 = tpu.memref_squeeze %dma_wait3A_625 : memref<1x256x128xf32, #tpu.memory_space<vmem>> -> memref<256x128xf32, #tpu.memory_space<vmem>>
    %dma_wait3A_627 = arith.constant 0 : i32
    %dma_wait3A_628 = tpu.memref_slice %arg4[%add3A_577, %dma_wait3A_627] : memref<98304x128xf32, #tpu.memory_space<hbm>> -> memref<256x128xf32, #tpu.memory_space<hbm>>
    %dma_wait3A_629 = arith.constant 0 : i32
    %dma_wait3A_630 = tpu.memref_slice %arg4[%add3A_577, %dma_wait3A_629] : memref<98304x128xf32, #tpu.memory_space<hbm>> -> memref<256x128xf32, #tpu.memory_space<hbm>>
    %dma_wait3A_631 = arith.constant 0 : i32
    %dma_wait3A_632 = arith.constant 0 : i32
    %dma_wait3A_633 = tpu.memref_slice %arg6[%dma_wait3A_622, %dma_wait3A_631, %dma_wait3A_632] : memref<2x256x128xf32, #tpu.memory_space<vmem>> -> memref<1x256x128xf32, #tpu.memory_space<vmem>>
    %dma_wait3A_634 = tpu.memref_squeeze %dma_wait3A_633 : memref<1x256x128xf32, #tpu.memory_space<vmem>> -> memref<256x128xf32, #tpu.memory_space<vmem>>
    tpu.wait_dma2 semaphore(%arg9 : memref<!tpu.dma_semaphore, #tpu.memory_space<semaphore_mem>>) src(%dma_wait3A_634 : memref<256x128xf32, #tpu.memory_space<vmem>>) dst(%dma_wait3A_630 : memref<256x128xf32, #tpu.memory_space<hbm>>)
    %dma_wait3A_635 = arith.constant 1 : i32
    %dma_wait3A_636 = arith.constant 0 : i32
    %dma_wait3A_637 = arith.constant 0 : i32
    %dma_wait3A_638 = tpu.memref_slice %arg6[%dma_wait3A_635, %dma_wait3A_636, %dma_wait3A_637] : memref<2x256x128xf32, #tpu.memory_space<vmem>> -> memref<1x256x128xf32, #tpu.memory_space<vmem>>
    %dma_wait3A_639 = tpu.memref_squeeze %dma_wait3A_638 : memref<1x256x128xf32, #tpu.memory_space<vmem>> -> memref<256x128xf32, #tpu.memory_space<vmem>>
    %dma_wait3A_640 = arith.constant 0 : i32
    %dma_wait3A_641 = tpu.memref_slice %arg4[%add3A_608, %dma_wait3A_640] : memref<98304x128xf32, #tpu.memory_space<hbm>> -> memref<256x128xf32, #tpu.memory_space<hbm>>
    %dma_wait3A_642 = arith.constant 0 : i32
    %dma_wait3A_643 = tpu.memref_slice %arg4[%add3A_608, %dma_wait3A_642] : memref<98304x128xf32, #tpu.memory_space<hbm>> -> memref<256x128xf32, #tpu.memory_space<hbm>>
    %dma_wait3A_644 = arith.constant 0 : i32
    %dma_wait3A_645 = arith.constant 0 : i32
    %dma_wait3A_646 = tpu.memref_slice %arg6[%dma_wait3A_635, %dma_wait3A_644, %dma_wait3A_645] : memref<2x256x128xf32, #tpu.memory_space<vmem>> -> memref<1x256x128xf32, #tpu.memory_space<vmem>>
    %dma_wait3A_647 = tpu.memref_squeeze %dma_wait3A_646 : memref<1x256x128xf32, #tpu.memory_space<vmem>> -> memref<256x128xf32, #tpu.memory_space<vmem>>
    tpu.wait_dma2 semaphore(%arg10 : memref<!tpu.dma_semaphore, #tpu.memory_space<semaphore_mem>>) src(%dma_wait3A_647 : memref<256x128xf32, #tpu.memory_space<vmem>>) dst(%dma_wait3A_643 : memref<256x128xf32, #tpu.memory_space<hbm>>)
    return
  }
}

</mosaic_0001>

<sc_bundles>
// kernel: _sc_gather_relu.3.cloned.1.call-start
scs
__scs_entry_jumppad:
0x0: {  	(pc) =	sbr.rel $0x88, $3  }
0x1: {  	(tag) =	ssettag $0x0;
	lr =	simm.s32 $0x1  }
0x2: {  	[smem:$0x3F9F] =	sst lr;
	_ =	strace $0xD0000000  }
0x3: {  	_ = 	snop  }
0x4: {  	_ = 	snop  }
0x5: {  	_ = 	snop  }
0x6: {  	_ = 	snop  }
0x7: {  	_ = 	snop  }
__scs_overlays_trampoline_lowered:
0x8: {  	[smem:$0x3FAE] =	sst s0  }
0x9: {  	[smem:$0x3FAF] =	sst s1  }
0xa: {  	[smem:$0x3FB0] =	sst s2  }
0xb: {  	[smem:$0x3FB1] =	sst s3  }
0xc: {  	[smem:$0x3FB2] =	sst s4  }
0xd: {  	[smem:$0x3FB3] =	sst s5  }
0xe: {  	[smem:$0x3FB4] =	sst s6  }
0xf: {  	[smem:$0x3FB5] =	sst s7  }
0x10: {  	[smem:$0x3FB6] =	sst s8  }
0x11: {  	[smem:$0x3FB7] =	sst s9;
	s0 =	simm.s32 @!p0 $0x0  }
0x12: {  	s1 =	sld [smem:$0x3F9D];
	s0 =	simm.s32 @p0 $0x1  }
0x13: {  	[smem:$0x3FB8] =	sst s0;
	s0 =	simm.s32 @!p1 $0x0  }
0x14: {  	s2 =	sld [smem:$0x3F9C];
	s0 =	simm.s32 @p1 $0x1  }
0x15: {  	[smem:$0x3FB9] =	sst s0;
	s0 =	simm.s32 @!p2 $0x0  }
0x16: {  	s3 =	sld [smem:$0x3FDB];
	s0 =	simm.s32 @p2 $0x1  }
0x17: {  	s4 =	simm.s32 $0x1BF5;
	[smem:$0x3FBB] =	sst s0  }
0x18: {  	s0 =	sld [smem:$0x3F9E];
	_ =	swait.ge [sflag:s4], $0x0  }
0x19: {  	s7 =	sld [smem:$0x3F9F]  }
0x1a: {  	s8 =	sadd.s32 $0xFFFFE003, lr  }
0x1b: {  	s9 =	sadd.s32 $0xFFFFFEF7, lr;
	s5 =	simm.s32 $0xFFFFFFFF;
	p2 =	slt.u32 s8, $0xFFFFF086  }
0x1c: {  	p1 =	slt.u32 s9, $0xF7A;
	s5 =	simm.s32 @!p2 $0x0  }
0x1d: {  	s5 =	simm.s32 @p1 $0x1;
	p0 =	seq.s32 s7, s2  }
0x1e: {  	s7 =	smul.u32 @!p0 $0xF7A, s2;
	p2 =	seq.s32 @!p0 s5, $0x0  }
0x1f: {  	s9 =	smul.u32 $0xF7A, s1;
	s8 =	simm.s32 @!p0 $0x1BF5;
	p2 =	por !p2, p0  }
0x20: {  	[sflag:s8] =	ssyncset.s32 @!p0 $0xFFFFF086;
	s6 =	sadd.s32 @!p0 s3, s7;
	s7 =	simm.s32 @!p0 $0x108  }
0x21: {  	s3 =	sadd.s32 s3, s9;
	s6 =	sadd.s32 @!p0 $0x88, s6;
	s7 =	simm.s32 @p2 $0x1082  }
0x22: {  	[simem:s7], [sflag:s8] =	dma.local @!p0 [hbm:s6], $0xF7A  }
0x23: {  	s9 =	sor.u32 $0xD0000000, s2;
	s6 =	simm.s32 $0x108;
	_ =	swait.ge @!p0 [sflag:s8], $0x0  }
0x24: {  	s3 =	sadd.s32 $0x88, s3;
	s6 =	simm.s32 @!p1 $0x1082;
	[sflag:s4] =	ssyncset.s32 $0xFFFFF086  }
0x25: {  	[simem:s6], [sflag:s4] =	dma.local [hbm:s3], $0xF7A  }
0x26: {  	[smem:$0x3F9F] =	sst s1;
	(tag) =	ssettag s2;
	_ =	strace s9  }
0x27: {  	s1 =	sld [smem:$0x3FAF]  }
0x28: {  	s2 =	sld [smem:$0x3FB0]  }
0x29: {  	s4 =	sld [smem:$0x3FB2]  }
0x2a: {  	p0 =	seq.s32 s5, $0x0;
	s5 =	sld [smem:$0x3FB3]  }
0x2b: {  	s6 =	sld [smem:$0x3FB4]  }
0x2c: {  	s7 =	sld [smem:$0x3FB5]  }
0x2d: {  	s3 =	simm.s32 $0x108;
	s8 =	sld [smem:$0x3FB6]  }
0x2e: {  	s3 =	simm.s32 @!p0 $0x1082;
	s9 =	sld [smem:$0x3FB7]  }
0x2f: {  	lr =	sadd.s32 s0, s3;
	s0 =	sld [smem:$0x3FAE]  }
0x30: {  	s3 =	sld [smem:$0x3FB1]  }
0x31: {  	[smem:$0x3FBA] =	sst s10  }
0x32: {  	s10 =	sld [smem:$0x3FB8];
	_ =	sdelay $0x3  }
0x33: {  	p0 =	seq.s32 s10, $0x1;
	s10 =	sld [smem:$0x3FBA];
	_ =	sdelay $0x3  }
0x34: {  	[smem:$0x3FBA] =	sst s10  }
0x35: {  	s10 =	sld [smem:$0x3FB9];
	_ =	sdelay $0x3  }
0x36: {  	p1 =	seq.s32 s10, $0x1;
	s10 =	sld [smem:$0x3FBA];
	_ =	sdelay $0x3  }
0x37: {  	[smem:$0x3FBA] =	sst s10  }
0x38: {  	s10 =	sld [smem:$0x3FBB]  }
0x39: {  	_ = 	snop;
	(pc) =	sbr.ind lr, $3  }
0x3a: {  	_ = 	snop  }
0x3b: {  	_ = 	snop  }
0x3c: {  	p2 =	seq.s32 s10, $0x1;
	s10 =	sld [smem:$0x3FBA]  }
0x3d: {  	_ =	shalt  }
0x3e: {  	_ =	shalt  }
0x3f: {  	_ =	shalt  }
0x40: {  	_ =	shalt  }
0x41: {  	_ =	shalt  }
0x42: {  	_ =	shalt  }
0x43: {  	_ =	shalt  }
0x44: {  	_ =	shalt  }
0x45: {  	_ =	shalt  }
0x46: {  	_ =	shalt  }
0x47: {  	_ =	shalt  }
0x48: {  	_ =	shalt  }
0x49: {  	_ =	shalt  }
0x4a: {  	_ =	shalt  }
0x4b: {  	_ =	shalt  }
0x4c: {  	_ =	shalt  }
0x4d: {  	_ =	shalt  }
0x4e: {  	_ =	shalt  }
0x4f: {  	_ =	shalt  }
0x50: {  	_ =	shalt  }
0x51: {  	_ =	shalt  }
0x52: {  	_ =	shalt  }
0x53: {  	_ =	shalt  }
0x54: {  	_ =	shalt  }
0x55: {  	_ =	shalt  }
0x56: {  	_ =	shalt  }
0x57: {  	_ =	shalt  }
0x58: {  	_ =	shalt  }
0x59: {  	_ =	shalt  }
0x5a: {  	_ =	shalt  }
0x5b: {  	_ =	shalt  }
0x5c: {  	_ =	shalt  }
0x5d: {  	_ =	shalt  }
0x5e: {  	_ =	shalt  }
0x5f: {  	_ =	shalt  }
0x60: {  	_ =	shalt  }
0x61: {  	_ =	shalt  }
0x62: {  	_ =	shalt  }
0x63: {  	_ =	shalt  }
0x64: {  	_ =	shalt  }
0x65: {  	_ =	shalt  }
0x66: {  	_ =	shalt  }
0x67: {  	_ =	shalt  }
0x68: {  	_ =	shalt  }
0x69: {  	_ =	shalt  }
0x6a: {  	_ =	shalt  }
0x6b: {  	_ =	shalt  }
0x6c: {  	_ =	shalt  }
0x6d: {  	_ =	shalt  }
0x6e: {  	_ =	shalt  }
0x6f: {  	_ =	shalt  }
0x70: {  	_ =	shalt  }
0x71: {  	_ =	shalt  }
0x72: {  	_ =	shalt  }
0x73: {  	_ =	shalt  }
0x74: {  	_ =	shalt  }
0x75: {  	_ =	shalt  }
0x76: {  	_ =	shalt  }
0x77: {  	_ =	shalt  }
0x78: {  	_ =	shalt  }
0x79: {  	_ =	shalt  }
0x7a: {  	_ =	shalt  }
0x7b: {  	_ =	shalt  }
0x7c: {  	_ =	shalt  }
0x7d: {  	_ =	shalt  }
0x7e: {  	_ =	shalt  }
0x7f: {  	_ =	shalt  }
0x80: {  	_ =	shalt  }
0x81: {  	_ =	shalt  }
0x82: {  	_ =	shalt  }
0x83: {  	_ =	shalt  }
0x84: {  	_ =	shalt  }
0x85: {  	_ =	shalt  }
0x86: {  	_ =	shalt  }
0x87: {  	_ =	shalt  }
.Lfunc_end0:
.L_simem_size_0:
called_computation_lowered:
.L_overlay_start_0:
0x88: {  	s2 =	sld [smem:$0x3FD9]  }
0x89: {  	s3 =	sld [smem:$0x3FFE];
	_ =	sdelay $0x1  }
0x8a: {  	s1 =	srdreg.scid  }
0x8b: {  	s0 =	sand.u32 $0x1, s1  }
0x8c: {  	s18 =	sshll.u32 s0, $0xA;
	s2 =	sadd.s32 s3, s2  }
0x8d: {  	s2 =	sadd.s32 s2, s18  }
0x8e: {  	[smem:$0x3FC6] =	sst s2  }
0x8f: {  	_ = 	snop  }
0x90: {  	s2 =	sld [smem:$0x3FC9]  }
0x91: {  	s19 =	sld [smem:$0x3FC8]  }
0x92: {  	s4 =	sld [smem:$0x3FD0];
	(tm) =	ssettm $0x1  }
0x93: {  	s5 =	sld [smem:$0x3FFB];
	_ =	sdelay $0x3  }
0x94: {  	_ =	strace s5  }
0x95: {  	s5 =	sld [smem:$0x3FFC];
	_ =	sdelay $0x3  }
0x96: {  	_ =	strace s5  }
0x97: {  	s5 =	sld [smem:$0x3FFD];
	_ =	sdelay $0x3  }
0x98: {  	_ =	strace s5  }
0x99: {  	_ =	strace $0x8FFFFFFF  }
0x9a: {  	s20 =	sld [smem:$0x3FDB];
	_ =	sdelay $0x1  }
0x9b: {  	s6 =	simm.s32 $_scs_section_size  }
0x9c: {  	s7 =	simm.s32 $_size__tile_overlayer_lowered;
	s8 =	simm.s32 $_tile_overlayer_lowered  }
0x9d: {  	s23 =	simm.s32 $0x1BFF;
	s22 =	sshll.u32 s8, $0x1;
	s5 =	sadd.s32 s6, s20  }
0x9e: {  	s9 =	simm.s32 $0x0;
	s21 =	sshll.u32 s7, $0x1;
	s7 =	sadd.s32 s22, s5  }
0x9f: {  	[timem:s9], [sflag:s23] =	dma.local [hbm:s7], s21  }
0xa0: {  	_ =	swait.ge [sflag:s23], s21  }
0xa1: {  	s6 =	ssub.s32 $0x0, s21;
	[sflag:s23] =	ssyncset.done $0x0  }
0xa2: {  	[sflag:s23] =	ssyncadd.s32 s6;
	_ =	sdelay $0x1  }
0xa3: {  	s24 =	simm.s32 $0x1B8B  }
0xa4: {  	_ =	swait.ge [sflag:s24], $0x1  }
0xa5: {  	[sflag:s24] =	ssyncset.done $0x0  }
0xa6: {  	s25 =	simm.s32 $0x1B8E;
	[sflag:s24] =	ssyncadd.s32 $0xFFFFFFFF  }
0xa7: {  	s26 =	simm.s32 $execute0_lowered;
	[smem:$0x3FD2] =	sst s25  }
0xa8: {  	s6 =	sshll.u32 s26, $0x1;
	_ =	strace $0x80000046;
	[dreg:$0x1] =	wrdreg $0xFFFFFFFF  }
0xa9: {  	s28 =	simm.s32 $_size_execute0_lowered;
	s5 =	sadd.s32 s5, s6;
	[dreg:$0x0] =	wrdreg $0x0  }
0xaa: {  	s6 =	sshll.u32 s28, $0x1;
	[dreg:$0x2] =	wrdreg s5  }
0xab: {  	[dreg:$0x3] =	wrdreg s6  }
0xac: {  	[dreg:$0x4] =	wrdreg $0xC0  }
0xad: {  	_ =	task [dreg:s9], $0x5FFFF  }
0xae: {  	[dreg:$0x1] =	wrdreg $0xFFFFFFFF  }
0xaf: {  	[dreg:$0x0] =	wrdreg $0x60  }
0xb0: {  	[dreg:$0x2] =	wrdreg s2  }
0xb1: {  	[dreg:$0x3] =	wrdreg s19  }
0xb2: {  	[dreg:$0x4] =	wrdreg s4  }
0xb3: {  	[dreg:$0x5] =	wrdreg $0x9  }
0xb4: {  	_ =	task.clear_ibuf [dreg:s9], $0x6FFFF;
	_ =	strace $0x90000046  }
0xb5: {  	s29 =	simm.s32 $0x9;
	_ =	strace $0x80000048  }
0xb6: {  	_ =	swait.ge [sflag:s29], $0x1  }
0xb7: {  	[sflag:s29] =	ssyncadd.s32 $0xFFFFFFFF  }
0xb8: {  	_ =	strace $0x90000048  }
0xb9: {  	_ =	sfence  }
0xba: {  	s30 =	sld [smem:$0x0];
	_ =	sdelay $0x2  }
0xbb: {  	s31 =	sshll.u32 s1, $0xD;
	s1 =	sshrl.u32 s1, $0x2  }
0xbc: {  	s3 =	sand.u32 $0x4000, s31;
	s1 =	sadd.s32 s1, s30  }
0xbd: {  	s0 =	sor.u32 s3, s0;
	s1 =	sshll.u32 s1, $0x11  }
0xbe: {  	s0 =	sor.u32 s1, s0  }
0xbf: {  	s0 =	sadd.s32 $0x8F2B, s0  }
0xc0: {  	[sflag:s0] =	ssyncadd.remote.s32 $0x1  }
0xc1: {  	_ =	sfence.sel $0xFFFF  }
0xc2: {  	[dreg:$0x0] =	wrdreg $0xFFFFFFFF;
	(pc) =	sbr.abs _section_cstart, $3  }
0xc3: {  	[dreg:$0x1] =	wrdreg $0xFFFFFFFF  }
0xc4: {  	_ =	task.clear_ibuf [dreg:s9], $0x2FFFF;
	_ =	strace $0x9FFFFFFF  }
0xc5: {  	(tm) =	ssettm $0x7FFFFFFF  }
tec
execute0_lowered:
.L_overlay_start_1:
0x0: {  	(tag) =	ssettag $0x1  }
0x1: {  	s0 =	rddreg [dreg:$0x0]  }
0x2: {  	s1 =	srdreg.scid;
	s2 =	rddreg [dreg:$0x1]  }
0x3: {  	s3 =	stileid.u32;
	s7 =	rddreg [dreg:$0x2];
	s18 =	simm.s32 $0x5  }
0x4: {  	s19 =	simm.s32 $0x100;
	s20 =	simm.s32 $0xC00;
	s21 =	simm.s32 $0x8C00  }
0x5: {  	s22 =	simm.s32 $0x1;
	s23 =	simm.s32 $0x3;
	s25 =	simm.s32 $0x2  }
0x6: {  	s24 =	simm.s32 $0x900;
	s1 =	sand.u32 $0x1, s1;
	s3 =	sshll.u32 s3, $0x1  }
0x7: {  	s28 =	simm.s32 $0xA00;
	s29 =	simm.s32 $0xB00;
	s4 =	sor.u32 s1, s3  }
0x8: {  	s30 =	simm.s32 $0x0;
	s3 =	simm.s32 $0x0;
	s5 =	smul.u32 $0xC000, s4  }
0x9: {  	s1 =	ssub.s32 $0x2, s1;
	[smem:$0x7FF] =	sst s3;
	s6 =	smul.u32 $0x60000, s4  }
0xa: {  	s8 =	sshrl.u32 s1, $0x1;
	s9 =	smul.u32 $0x180, s4;
	_ =	strace $0x80000047  }
0xb: {  	s1 =	ssub.s32 s1, s8;
	s4 =	sadd.s32 s7, s5;
	s26 =	sshrl.u32 s6, $0x3  }
0xc: {  	s5 =	sadd.s32 s0, s9;
	s17 =	smax.u32 s1, $0x1;
	s6 =	sadd.s32 $0x1000, s4  }
0xd: {  	s31 =	sadd.s32 s7, s26;
	s7 =	sadd.s32 $0x2000, s4;
	s8 =	sadd.s32 $0x3000, s4  }
0xe: {  	s26 =	simm.s32 $0x4;
	s9 =	sadd.s32 $0x4000, s31;
	s10 =	sadd.s32 $0x5000, s31  }
0xf: {  	s11 =	sadd.s32 $0x6000, s31;
	s12 =	sadd.s32 $0x7000, s31;
	s13 =	sadd.s32 $0x8000, s31  }
0x10: {  	s14 =	sadd.s32 $0x9000, s31;
	s15 =	sadd.s32 $0xA000, s31;
	s16 =	sadd.s32 $0xB000, s31  }
.LBB2_1:
0x11: {  	[tilespmem:s3], [sflag:$0x5] =	stream.linear.gather [hbm4b:s5+s3], $0xC00, $0x38;
	[tilespmem:$0x10C00] =	vst v63  }
0x12: {  	_ =	swait.ge [sflag:s18], $0xC00  }
0x13: {  	[sflag:s18] =	ssyncset.done $0x0  }
0x14: {  	[sflag:s18] =	ssyncadd.s32 $0xFFFFF400  }
0x15: {  	[tilespmem:s20], [sflag:$0x1] =	stream.indirect.gather [hbm4b:s2+s19], $0x80, s3, s19, $0xb8;
	[tilespmem:$0x10C00] =	vst v63  }
0x16: {  	_ = 	snop  }
0x17: {  	[tilespmem:s21], [sflag:$0x2] =	stream.indirect.gather [hbm4b:s2+s19], $0x80, s19, s19, $0xb8;
	[tilespmem:$0x10C00] =	vst v63  }
0x18: {  	_ =	swait.ge [sflag:s22], $0x8000  }
0x19: {  	[sflag:s22] =	ssyncset.done $0x0  }
0x1a: {  	s31 =	simm.s32 $0x0;
	[sflag:s22] =	ssyncadd.s32 $0xFFFF8000  }
0x1b: {  	v2 =	vld [tilespmem:s31+$0xC00]  }
0x1c: {  	v4 =	vld [tilespmem:s31+$0xC10]  }
0x1d: {  	v3 =	vld [tilespmem:s31+$0xC20]  }
0x1e: {  	v1 =	vld [tilespmem:s31+$0xC30]  }
0x1f: {  	v0 =	vld [tilespmem:s31+$0xC40]  }
0x20: {  	v5 =	vmax.f32 v2, $0.0e+00;
	v2 =	vld [tilespmem:s31+$0xC50]  }
0x21: {  	s1 =	simm.s32 $0x200;
	[tilespmem:s31+$0xC00] =	vst v5;
	v5 =	vmax.f32 v4, $0.0e+00;
	v4 =	vld [tilespmem:s31+$0xC60]  }
.LBB2_2:
0x22: {  	s0 =	sshra.s32 s1, $0x2;
	p0 =	sne.s32 s1, $0x1FE00;
	[tilespmem:s31+$0xC10] =	vst v5;
	v3 =	vmax.f32 v3, $0.0e+00;
	v5 =	vld [tilespmem:s31+$0xC70]  }
0x23: {  	v6 =	vld [tilespmem:s0+$0xC00];
	[tilespmem:s31+$0xC20] =	vst v3;
	v1 =	vmax.f32 v1, $0.0e+00  }
0x24: {  	v7 =	vld [tilespmem:s0+$0xC10];
	[tilespmem:s31+$0xC30] =	vst v1;
	v0 =	vmax.f32 v0, $0.0e+00  }
.Ltmp0:
0x25: {  	v3 =	vld [tilespmem:s0+$0xC20];
	[tilespmem:s31+$0xC40] =	vst v0;
	v0 =	vmax.f32 v2, $0.0e+00;
	(pc) =	sbr.rel @p0 .LBB2_2-.Ltmp0, $4  }
0x26: {  	v1 =	vld [tilespmem:s0+$0xC30];
	[tilespmem:s31+$0xC50] =	vst v0;
	v2 =	vmax.f32 v4, $0.0e+00  }
0x27: {  	v0 =	vld [tilespmem:s0+$0xC40];
	[tilespmem:s31+$0xC60] =	vst v2;
	v4 =	vmax.f32 v5, $0.0e+00  }
0x28: {  	v5 =	vmax.f32 v6, $0.0e+00;
	v2 =	vld [tilespmem:s0+$0xC50];
	[tilespmem:s31+$0xC70] =	vst v4;
	s31 =	smov.u32 s0  }
0x29: {  	s1 =	sadd.s32 $0x200, s1;
	[tilespmem:s31+$0xC00] =	vst v5;
	v5 =	vmax.f32 v7, $0.0e+00;
	v4 =	vld [tilespmem:s31+$0xC60]  }
0x2a: {  	[tilespmem:s31+$0xC10] =	vst v5;
	v3 =	vmax.f32 v3, $0.0e+00;
	v5 =	vld [tilespmem:s31+$0xC70]  }
0x2b: {  	[tilespmem:s31+$0xC20] =	vst v3;
	v1 =	vmax.f32 v1, $0.0e+00  }
0x2c: {  	[tilespmem:s31+$0xC30] =	vst v1;
	v0 =	vmax.f32 v0, $0.0e+00  }
0x2d: {  	[tilespmem:s31+$0xC40] =	vst v0;
	v0 =	vmax.f32 v2, $0.0e+00  }
0x2e: {  	[tilespmem:s31+$0xC50] =	vst v0;
	v0 =	vmax.f32 v4, $0.0e+00  }
0x2f: {  	[tilespmem:s31+$0xC60] =	vst v0;
	v0 =	vmax.f32 v5, $0.0e+00  }
0x30: {  	s0 =	simm.s32 $0x0;
	[tilespmem:s31+$0xC70] =	vst v0  }
0x31: {  	[hbm4b:s4+s0] =	stream.linear.scatter [tilespmem:s20], [sflag:$0x3], $0x8000, $0x38;
	[tilespmem:$0x10C00] =	vst v63  }
0x32: {  	_ =	swait.ge [sflag:s23], $0x8000  }
0x33: {  	[sflag:s23] =	ssyncset.done $0x0  }
0x34: {  	s1 =	simm.s32 $0x200;
	[sflag:s23] =	ssyncadd.s32 $0xFFFF8000  }
0x35: {  	[tilespmem:s20], [sflag:$0x1] =	stream.indirect.gather [hbm4b:s2+s19], $0x80, s1, s19, $0xb8;
	[tilespmem:$0x10C00] =	vst v63  }
0x36: {  	_ =	swait.ge [sflag:s25], $0x8000  }
0x37: {  	[sflag:s25] =	ssyncset.done $0x0  }
0x38: {  	s31 =	simm.s32 $0x0;
	[sflag:s25] =	ssyncadd.s32 $0xFFFF8000  }
0x39: {  	v2 =	vld [tilespmem:s31+$0x8C00]  }
0x3a: {  	v4 =	vld [tilespmem:s31+$0x8C10]  }
0x3b: {  	v3 =	vld [tilespmem:s31+$0x8C20]  }
0x3c: {  	v1 =	vld [tilespmem:s31+$0x8C30]  }
0x3d: {  	v0 =	vld [tilespmem:s31+$0x8C40]  }
0x3e: {  	v5 =	vmax.f32 v2, $0.0e+00;
	v2 =	vld [tilespmem:s31+$0x8C50]  }
0x3f: {  	s1 =	simm.s32 $0x200;
	[tilespmem:s31+$0x8C00] =	vst v5;
	v5 =	vmax.f32 v4, $0.0e+00;
	v4 =	vld [tilespmem:s31+$0x8C60]  }
.LBB2_4:
0x40: {  	s0 =	sshra.s32 s1, $0x2;
	p0 =	sne.s32 s1, $0x1FE00;
	[tilespmem:s31+$0x8C10] =	vst v5;
	v3 =	vmax.f32 v3, $0.0e+00;
	v5 =	vld [tilespmem:s31+$0x8C70]  }
0x41: {  	v6 =	vld [tilespmem:s0+$0x8C00];
	[tilespmem:s31+$0x8C20] =	vst v3;
	v1 =	vmax.f32 v1, $0.0e+00  }
0x42: {  	v7 =	vld [tilespmem:s0+$0x8C10];
	[tilespmem:s31+$0x8C30] =	vst v1;
	v0 =	vmax.f32 v0, $0.0e+00  }
.Ltmp1:
0x43: {  	v3 =	vld [tilespmem:s0+$0x8C20];
	[tilespmem:s31+$0x8C40] =	vst v0;
	v0 =	vmax.f32 v2, $0.0e+00;
	(pc) =	sbr.rel @p0 .LBB2_4-.Ltmp1, $4  }
0x44: {  	v1 =	vld [tilespmem:s0+$0x8C30];
	[tilespmem:s31+$0x8C50] =	vst v0;
	v2 =	vmax.f32 v4, $0.0e+00  }
0x45: {  	v0 =	vld [tilespmem:s0+$0x8C40];
	[tilespmem:s31+$0x8C60] =	vst v2;
	v4 =	vmax.f32 v5, $0.0e+00  }
0x46: {  	v5 =	vmax.f32 v6, $0.0e+00;
	v2 =	vld [tilespmem:s0+$0x8C50];
	[tilespmem:s31+$0x8C70] =	vst v4;
	s31 =	smov.u32 s0  }
0x47: {  	s1 =	sadd.s32 $0x200, s1;
	[tilespmem:s31+$0x8C00] =	vst v5;
	v5 =	vmax.f32 v7, $0.0e+00;
	v4 =	vld [tilespmem:s31+$0x8C60]  }
0x48: {  	[tilespmem:s31+$0x8C10] =	vst v5;
	v3 =	vmax.f32 v3, $0.0e+00;
	v5 =	vld [tilespmem:s31+$0x8C70]  }
0x49: {  	[tilespmem:s31+$0x8C20] =	vst v3;
	v1 =	vmax.f32 v1, $0.0e+00  }
0x4a: {  	[tilespmem:s31+$0x8C30] =	vst v1;
	v0 =	vmax.f32 v0, $0.0e+00  }
0x4b: {  	[tilespmem:s31+$0x8C40] =	vst v0;
	v0 =	vmax.f32 v2, $0.0e+00  }
0x4c: {  	[tilespmem:s31+$0x8C50] =	vst v0;
	v0 =	vmax.f32 v4, $0.0e+00  }
0x4d: {  	[tilespmem:s31+$0x8C60] =	vst v0;
	v0 =	vmax.f32 v5, $0.0e+00  }
0x4e: {  	s0 =	simm.s32 $0x0;
	[tilespmem:s31+$0x8C70] =	vst v0  }
0x4f: {  	[hbm4b:s6+s0] =	stream.linear.scatter [tilespmem:s21], [sflag:$0x4], $0x8000, $0x38;
	[tilespmem:$0x10C00] =	vst v63  }
0x50: {  	_ =	swait.ge [sflag:s26], $0x8000  }
0x51: {  	[sflag:s26] =	ssyncset.done $0x0  }
0x52: {  	s1 =	simm.s32 $0x300;
	[sflag:s26] =	ssyncadd.s32 $0xFFFF8000  }
0x53: {  	[tilespmem:s21], [sflag:$0x2] =	stream.indirect.gather [hbm4b:s2+s19], $0x80, s1, s19, $0xb8;
	[tilespmem:$0x10C00] =	vst v63  }
0x54: {  	_ =	swait.ge [sflag:s22], $0x8000  }
0x55: {  	[sflag:s22] =	ssyncset.done $0x0  }
0x56: {  	s31 =	simm.s32 $0x0;
	[sflag:s22] =	ssyncadd.s32 $0xFFFF8000  }
0x57: {  	v2 =	vld [tilespmem:s31+$0xC00]  }
0x58: {  	v4 =	vld [tilespmem:s31+$0xC10]  }
0x59: {  	v3 =	vld [tilespmem:s31+$0xC20]  }
0x5a: {  	v1 =	vld [tilespmem:s31+$0xC30]  }
0x5b: {  	v0 =	vld [tilespmem:s31+$0xC40]  }
0x5c: {  	v5 =	vmax.f32 v2, $0.0e+00;
	v2 =	vld [tilespmem:s31+$0xC50]  }
0x5d: {  	s1 =	simm.s32 $0x200;
	[tilespmem:s31+$0xC00] =	vst v5;
	v5 =	vmax.f32 v4, $0.0e+00;
	v4 =	vld [tilespmem:s31+$0xC60]  }
.LBB2_6:
0x5e: {  	s0 =	sshra.s32 s1, $0x2;
	p0 =	sne.s32 s1, $0x1FE00;
	[tilespmem:s31+$0xC10] =	vst v5;
	v3 =	vmax.f32 v3, $0.0e+00;
	v5 =	vld [tilespmem:s31+$0xC70]  }
0x5f: {  	v6 =	vld [tilespmem:s0+$0xC00];
	[tilespmem:s31+$0xC20] =	vst v3;
	v1 =	vmax.f32 v1, $0.0e+00  }
0x60: {  	v7 =	vld [tilespmem:s0+$0xC10];
	[tilespmem:s31+$0xC30] =	vst v1;
	v0 =	vmax.f32 v0, $0.0e+00  }
.Ltmp2:
0x61: {  	v3 =	vld [tilespmem:s0+$0xC20];
	[tilespmem:s31+$0xC40] =	vst v0;
	v0 =	vmax.f32 v2, $0.0e+00;
	(pc) =	sbr.rel @p0 .LBB2_6-.Ltmp2, $4  }
0x62: {  	v1 =	vld [tilespmem:s0+$0xC30];
	[tilespmem:s31+$0xC50] =	vst v0;
	v2 =	vmax.f32 v4, $0.0e+00  }
0x63: {  	v0 =	vld [tilespmem:s0+$0xC40];
	[tilespmem:s31+$0xC60] =	vst v2;
	v4 =	vmax.f32 v5, $0.0e+00  }
0x64: {  	v5 =	vmax.f32 v6, $0.0e+00;
	v2 =	vld [tilespmem:s0+$0xC50];
	[tilespmem:s31+$0xC70] =	vst v4;
	s31 =	smov.u32 s0  }
0x65: {  	s1 =	sadd.s32 $0x200, s1;
	[tilespmem:s31+$0xC00] =	vst v5;
	v5 =	vmax.f32 v7, $0.0e+00;
	v4 =	vld [tilespmem:s31+$0xC60]  }
0x66: {  	[tilespmem:s31+$0xC10] =	vst v5;
	v3 =	vmax.f32 v3, $0.0e+00;
	v5 =	vld [tilespmem:s31+$0xC70]  }
0x67: {  	[tilespmem:s31+$0xC20] =	vst v3;
	v1 =	vmax.f32 v1, $0.0e+00  }
0x68: {  	[tilespmem:s31+$0xC30] =	vst v1;
	v0 =	vmax.f32 v0, $0.0e+00  }
0x69: {  	[tilespmem:s31+$0xC40] =	vst v0;
	v0 =	vmax.f32 v2, $0.0e+00  }
0x6a: {  	[tilespmem:s31+$0xC50] =	vst v0;
	v0 =	vmax.f32 v4, $0.0e+00  }
0x6b: {  	[tilespmem:s31+$0xC60] =	vst v0;
	v0 =	vmax.f32 v5, $0.0e+00  }
0x6c: {  	s0 =	simm.s32 $0x0;
	[tilespmem:s31+$0xC70] =	vst v0  }
0x6d: {  	[hbm4b:s7+s0] =	stream.linear.scatter [tilespmem:s20], [sflag:$0x3], $0x8000, $0x38;
	[tilespmem:$0x10C00] =	vst v63  }
0x6e: {  	_ =	swait.ge [sflag:s23], $0x8000  }
0x6f: {  	[sflag:s23] =	ssyncset.done $0x0  }
0x70: {  	s1 =	simm.s32 $0x400;
	[sflag:s23] =	ssyncadd.s32 $0xFFFF8000  }
0x71: {  	[tilespmem:s20], [sflag:$0x1] =	stream.indirect.gather [hbm4b:s2+s19], $0x80, s1, s19, $0xb8;
	[tilespmem:$0x10C00] =	vst v63  }
0x72: {  	_ =	swait.ge [sflag:s25], $0x8000  }
0x73: {  	[sflag:s25] =	ssyncset.done $0x0  }
0x74: {  	s31 =	simm.s32 $0x0;
	[sflag:s25] =	ssyncadd.s32 $0xFFFF8000  }
0x75: {  	v2 =	vld [tilespmem:s31+$0x8C00]  }
0x76: {  	v4 =	vld [tilespmem:s31+$0x8C10]  }
0x77: {  	v3 =	vld [tilespmem:s31+$0x8C20]  }
0x78: {  	v1 =	vld [tilespmem:s31+$0x8C30]  }
0x79: {  	v0 =	vld [tilespmem:s31+$0x8C40]  }
0x7a: {  	v5 =	vmax.f32 v2, $0.0e+00;
	v2 =	vld [tilespmem:s31+$0x8C50]  }
0x7b: {  	s1 =	simm.s32 $0x200;
	[tilespmem:s31+$0x8C00] =	vst v5;
	v5 =	vmax.f32 v4, $0.0e+00;
	v4 =	vld [tilespmem:s31+$0x8C60]  }
.LBB2_8:
0x7c: {  	s0 =	sshra.s32 s1, $0x2;
	p0 =	sne.s32 s1, $0x1FE00;
	[tilespmem:s31+$0x8C10] =	vst v5;
	v3 =	vmax.f32 v3, $0.0e+00;
	v5 =	vld [tilespmem:s31+$0x8C70]  }
0x7d: {  	v6 =	vld [tilespmem:s0+$0x8C00];
	[tilespmem:s31+$0x8C20] =	vst v3;
	v1 =	vmax.f32 v1, $0.0e+00  }
0x7e: {  	v7 =	vld [tilespmem:s0+$0x8C10];
	[tilespmem:s31+$0x8C30] =	vst v1;
	v0 =	vmax.f32 v0, $0.0e+00  }
.Ltmp3:
0x7f: {  	v3 =	vld [tilespmem:s0+$0x8C20];
	[tilespmem:s31+$0x8C40] =	vst v0;
	v0 =	vmax.f32 v2, $0.0e+00;
	(pc) =	sbr.rel @p0 .LBB2_8-.Ltmp3, $4  }
0x80: {  	v1 =	vld [tilespmem:s0+$0x8C30];
	[tilespmem:s31+$0x8C50] =	vst v0;
	v2 =	vmax.f32 v4, $0.0e+00  }
0x81: {  	v0 =	vld [tilespmem:s0+$0x8C40];
	[tilespmem:s31+$0x8C60] =	vst v2;
	v4 =	vmax.f32 v5, $0.0e+00  }
0x82: {  	v5 =	vmax.f32 v6, $0.0e+00;
	v2 =	vld [tilespmem:s0+$0x8C50];
	[tilespmem:s31+$0x8C70] =	vst v4;
	s31 =	smov.u32 s0  }
0x83: {  	s1 =	sadd.s32 $0x200, s1;
	[tilespmem:s31+$0x8C00] =	vst v5;
	v5 =	vmax.f32 v7, $0.0e+00;
	v4 =	vld [tilespmem:s31+$0x8C60]  }
0x84: {  	[tilespmem:s31+$0x8C10] =	vst v5;
	v3 =	vmax.f32 v3, $0.0e+00;
	v5 =	vld [tilespmem:s31+$0x8C70]  }
0x85: {  	[tilespmem:s31+$0x8C20] =	vst v3;
	v1 =	vmax.f32 v1, $0.0e+00  }
0x86: {  	[tilespmem:s31+$0x8C30] =	vst v1;
	v0 =	vmax.f32 v0, $0.0e+00  }
0x87: {  	[tilespmem:s31+$0x8C40] =	vst v0;
	v0 =	vmax.f32 v2, $0.0e+00  }
0x88: {  	[tilespmem:s31+$0x8C50] =	vst v0;
	v0 =	vmax.f32 v4, $0.0e+00  }
0x89: {  	[tilespmem:s31+$0x8C60] =	vst v0;
	v0 =	vmax.f32 v5, $0.0e+00  }
0x8a: {  	s0 =	simm.s32 $0x0;
	[tilespmem:s31+$0x8C70] =	vst v0  }
0x8b: {  	[hbm4b:s8+s0] =	stream.linear.scatter [tilespmem:s21], [sflag:$0x4], $0x8000, $0x38;
	[tilespmem:$0x10C00] =	vst v63  }
0x8c: {  	_ =	swait.ge [sflag:s26], $0x8000  }
0x8d: {  	[sflag:s26] =	ssyncset.done $0x0  }
0x8e: {  	s1 =	simm.s32 $0x500;
	[sflag:s26] =	ssyncadd.s32 $0xFFFF8000  }
0x8f: {  	[tilespmem:s21], [sflag:$0x2] =	stream.indirect.gather [hbm4b:s2+s19], $0x80, s1, s19, $0xb8;
	[tilespmem:$0x10C00] =	vst v63  }
0x90: {  	_ =	swait.ge [sflag:s22], $0x8000  }
0x91: {  	[sflag:s22] =	ssyncset.done $0x0  }
0x92: {  	s31 =	simm.s32 $0x0;
	[sflag:s22] =	ssyncadd.s32 $0xFFFF8000  }
0x93: {  	v2 =	vld [tilespmem:s31+$0xC00]  }
0x94: {  	v4 =	vld [tilespmem:s31+$0xC10]  }
0x95: {  	v3 =	vld [tilespmem:s31+$0xC20]  }
0x96: {  	v1 =	vld [tilespmem:s31+$0xC30]  }
0x97: {  	v0 =	vld [tilespmem:s31+$0xC40]  }
0x98: {  	v5 =	vmax.f32 v2, $0.0e+00;
	v2 =	vld [tilespmem:s31+$0xC50]  }
0x99: {  	s1 =	simm.s32 $0x200;
	[tilespmem:s31+$0xC00] =	vst v5;
	v5 =	vmax.f32 v4, $0.0e+00;
	v4 =	vld [tilespmem:s31+$0xC60]  }
.LBB2_10:
0x9a: {  	s0 =	sshra.s32 s1, $0x2;
	p0 =	sne.s32 s1, $0x1FE00;
	[tilespmem:s31+$0xC10] =	vst v5;
	v3 =	vmax.f32 v3, $0.0e+00;
	v5 =	vld [tilespmem:s31+$0xC70]  }
0x9b: {  	v6 =	vld [tilespmem:s0+$0xC00];
	[tilespmem:s31+$0xC20] =	vst v3;
	v1 =	vmax.f32 v1, $0.0e+00  }
0x9c: {  	v7 =	vld [tilespmem:s0+$0xC10];
	[tilespmem:s31+$0xC30] =	vst v1;
	v0 =	vmax.f32 v0, $0.0e+00  }
.Ltmp4:
0x9d: {  	v3 =	vld [tilespmem:s0+$0xC20];
	[tilespmem:s31+$0xC40] =	vst v0;
	v0 =	vmax.f32 v2, $0.0e+00;
	(pc) =	sbr.rel @p0 .LBB2_10-.Ltmp4, $4  }
0x9e: {  	v1 =	vld [tilespmem:s0+$0xC30];
	[tilespmem:s31+$0xC50] =	vst v0;
	v2 =	vmax.f32 v4, $0.0e+00  }
0x9f: {  	v0 =	vld [tilespmem:s0+$0xC40];
	[tilespmem:s31+$0xC60] =	vst v2;
	v4 =	vmax.f32 v5, $0.0e+00  }
0xa0: {  	v5 =	vmax.f32 v6, $0.0e+00;
	v2 =	vld [tilespmem:s0+$0xC50];
	[tilespmem:s31+$0xC70] =	vst v4;
	s31 =	smov.u32 s0  }
0xa1: {  	s1 =	sadd.s32 $0x200, s1;
	[tilespmem:s31+$0xC00] =	vst v5;
	v5 =	vmax.f32 v7, $0.0e+00;
	v4 =	vld [tilespmem:s31+$0xC60]  }
0xa2: {  	[tilespmem:s31+$0xC10] =	vst v5;
	v3 =	vmax.f32 v3, $0.0e+00;
	v5 =	vld [tilespmem:s31+$0xC70]  }
0xa3: {  	[tilespmem:s31+$0xC20] =	vst v3;
	v1 =	vmax.f32 v1, $0.0e+00  }
0xa4: {  	[tilespmem:s31+$0xC30] =	vst v1;
	v0 =	vmax.f32 v0, $0.0e+00  }
0xa5: {  	[tilespmem:s31+$0xC40] =	vst v0;
	v0 =	vmax.f32 v2, $0.0e+00  }
0xa6: {  	[tilespmem:s31+$0xC50] =	vst v0;
	v0 =	vmax.f32 v4, $0.0e+00  }
0xa7: {  	[tilespmem:s31+$0xC60] =	vst v0;
	v0 =	vmax.f32 v5, $0.0e+00  }
0xa8: {  	s0 =	simm.s32 $0x0;
	[tilespmem:s31+$0xC70] =	vst v0  }
0xa9: {  	[hbm4b:s9+s0] =	stream.linear.scatter [tilespmem:s20], [sflag:$0x3], $0x8000, $0x38;
	[tilespmem:$0x10C00] =	vst v63  }
0xaa: {  	_ =	swait.ge [sflag:s23], $0x8000  }
0xab: {  	[sflag:s23] =	ssyncset.done $0x0  }
0xac: {  	s1 =	simm.s32 $0x600;
	[sflag:s23] =	ssyncadd.s32 $0xFFFF8000  }
0xad: {  	[tilespmem:s20], [sflag:$0x1] =	stream.indirect.gather [hbm4b:s2+s19], $0x80, s1, s19, $0xb8;
	[tilespmem:$0x10C00] =	vst v63  }
0xae: {  	_ =	swait.ge [sflag:s25], $0x8000  }
0xaf: {  	[sflag:s25] =	ssyncset.done $0x0  }
0xb0: {  	s31 =	simm.s32 $0x0;
	[sflag:s25] =	ssyncadd.s32 $0xFFFF8000  }
0xb1: {  	v2 =	vld [tilespmem:s31+$0x8C00]  }
0xb2: {  	v4 =	vld [tilespmem:s31+$0x8C10]  }
0xb3: {  	v3 =	vld [tilespmem:s31+$0x8C20]  }
0xb4: {  	v1 =	vld [tilespmem:s31+$0x8C30]  }
0xb5: {  	v0 =	vld [tilespmem:s31+$0x8C40]  }
0xb6: {  	v5 =	vmax.f32 v2, $0.0e+00;
	v2 =	vld [tilespmem:s31+$0x8C50]  }
0xb7: {  	s1 =	simm.s32 $0x200;
	[tilespmem:s31+$0x8C00] =	vst v5;
	v5 =	vmax.f32 v4, $0.0e+00;
	v4 =	vld [tilespmem:s31+$0x8C60]  }
.LBB2_12:
0xb8: {  	s0 =	sshra.s32 s1, $0x2;
	p0 =	sne.s32 s1, $0x1FE00;
	[tilespmem:s31+$0x8C10] =	vst v5;
	v3 =	vmax.f32 v3, $0.0e+00;
	v5 =	vld [tilespmem:s31+$0x8C70]  }
0xb9: {  	v6 =	vld [tilespmem:s0+$0x8C00];
	[tilespmem:s31+$0x8C20] =	vst v3;
	v1 =	vmax.f32 v1, $0.0e+00  }
0xba: {  	v7 =	vld [tilespmem:s0+$0x8C10];
	[tilespmem:s31+$0x8C30] =	vst v1;
	v0 =	vmax.f32 v0, $0.0e+00  }
.Ltmp5:
0xbb: {  	v3 =	vld [tilespmem:s0+$0x8C20];
	[tilespmem:s31+$0x8C40] =	vst v0;
	v0 =	vmax.f32 v2, $0.0e+00;
	(pc) =	sbr.rel @p0 .LBB2_12-.Ltmp5, $4  }
0xbc: {  	v1 =	vld [tilespmem:s0+$0x8C30];
	[tilespmem:s31+$0x8C50] =	vst v0;
	v2 =	vmax.f32 v4, $0.0e+00  }
0xbd: {  	v0 =	vld [tilespmem:s0+$0x8C40];
	[tilespmem:s31+$0x8C60] =	vst v2;
	v4 =	vmax.f32 v5, $0.0e+00  }
0xbe: {  	v5 =	vmax.f32 v6, $0.0e+00;
	v2 =	vld [tilespmem:s0+$0x8C50];
	[tilespmem:s31+$0x8C70] =	vst v4;
	s31 =	smov.u32 s0  }
0xbf: {  	s1 =	sadd.s32 $0x200, s1;
	[tilespmem:s31+$0x8C00] =	vst v5;
	v5 =	vmax.f32 v7, $0.0e+00;
	v4 =	vld [tilespmem:s31+$0x8C60]  }
0xc0: {  	[tilespmem:s31+$0x8C10] =	vst v5;
	v3 =	vmax.f32 v3, $0.0e+00;
	v5 =	vld [tilespmem:s31+$0x8C70]  }
0xc1: {  	[tilespmem:s31+$0x8C20] =	vst v3;
	v1 =	vmax.f32 v1, $0.0e+00  }
0xc2: {  	[tilespmem:s31+$0x8C30] =	vst v1;
	v0 =	vmax.f32 v0, $0.0e+00  }
0xc3: {  	[tilespmem:s31+$0x8C40] =	vst v0;
	v0 =	vmax.f32 v2, $0.0e+00  }
0xc4: {  	[tilespmem:s31+$0x8C50] =	vst v0;
	v0 =	vmax.f32 v4, $0.0e+00  }
0xc5: {  	[tilespmem:s31+$0x8C60] =	vst v0;
	v0 =	vmax.f32 v5, $0.0e+00  }
0xc6: {  	s0 =	simm.s32 $0x0;
	[tilespmem:s31+$0x8C70] =	vst v0  }
0xc7: {  	[hbm4b:s10+s0] =	stream.linear.scatter [tilespmem:s21], [sflag:$0x4], $0x8000, $0x38;
	[tilespmem:$0x10C00] =	vst v63  }
0xc8: {  	_ =	swait.ge [sflag:s26], $0x8000  }
0xc9: {  	[sflag:s26] =	ssyncset.done $0x0  }
0xca: {  	s1 =	simm.s32 $0x700;
	[sflag:s26] =	ssyncadd.s32 $0xFFFF8000  }
0xcb: {  	[tilespmem:s21], [sflag:$0x2] =	stream.indirect.gather [hbm4b:s2+s19], $0x80, s1, s19, $0xb8;
	[tilespmem:$0x10C00] =	vst v63  }
0xcc: {  	_ =	swait.ge [sflag:s22], $0x8000  }
0xcd: {  	[sflag:s22] =	ssyncset.done $0x0  }
0xce: {  	s31 =	simm.s32 $0x0;
	[sflag:s22] =	ssyncadd.s32 $0xFFFF8000  }
0xcf: {  	v2 =	vld [tilespmem:s31+$0xC00]  }
0xd0: {  	v4 =	vld [tilespmem:s31+$0xC10]  }
0xd1: {  	v3 =	vld [tilespmem:s31+$0xC20]  }
0xd2: {  	v1 =	vld [tilespmem:s31+$0xC30]  }
0xd3: {  	v0 =	vld [tilespmem:s31+$0xC40]  }
0xd4: {  	v5 =	vmax.f32 v2, $0.0e+00;
	v2 =	vld [tilespmem:s31+$0xC50]  }
0xd5: {  	s1 =	simm.s32 $0x200;
	[tilespmem:s31+$0xC00] =	vst v5;
	v5 =	vmax.f32 v4, $0.0e+00;
	v4 =	vld [tilespmem:s31+$0xC60]  }
.LBB2_14:
0xd6: {  	s0 =	sshra.s32 s1, $0x2;
	p0 =	sne.s32 s1, $0x1FE00;
	[tilespmem:s31+$0xC10] =	vst v5;
	v3 =	vmax.f32 v3, $0.0e+00;
	v5 =	vld [tilespmem:s31+$0xC70]  }
0xd7: {  	v6 =	vld [tilespmem:s0+$0xC00];
	[tilespmem:s31+$0xC20] =	vst v3;
	v1 =	vmax.f32 v1, $0.0e+00  }
0xd8: {  	v7 =	vld [tilespmem:s0+$0xC10];
	[tilespmem:s31+$0xC30] =	vst v1;
	v0 =	vmax.f32 v0, $0.0e+00  }
.Ltmp6:
0xd9: {  	v3 =	vld [tilespmem:s0+$0xC20];
	[tilespmem:s31+$0xC40] =	vst v0;
	v0 =	vmax.f32 v2, $0.0e+00;
	(pc) =	sbr.rel @p0 .LBB2_14-.Ltmp6, $4  }
0xda: {  	v1 =	vld [tilespmem:s0+$0xC30];
	[tilespmem:s31+$0xC50] =	vst v0;
	v2 =	vmax.f32 v4, $0.0e+00  }
0xdb: {  	v0 =	vld [tilespmem:s0+$0xC40];
	[tilespmem:s31+$0xC60] =	vst v2;
	v4 =	vmax.f32 v5, $0.0e+00  }
0xdc: {  	v5 =	vmax.f32 v6, $0.0e+00;
	v2 =	vld [tilespmem:s0+$0xC50];
	[tilespmem:s31+$0xC70] =	vst v4;
	s31 =	smov.u32 s0  }
0xdd: {  	s1 =	sadd.s32 $0x200, s1;
	[tilespmem:s31+$0xC00] =	vst v5;
	v5 =	vmax.f32 v7, $0.0e+00;
	v4 =	vld [tilespmem:s31+$0xC60]  }
0xde: {  	[tilespmem:s31+$0xC10] =	vst v5;
	v3 =	vmax.f32 v3, $0.0e+00;
	v5 =	vld [tilespmem:s31+$0xC70]  }
0xdf: {  	[tilespmem:s31+$0xC20] =	vst v3;
	v1 =	vmax.f32 v1, $0.0e+00  }
0xe0: {  	[tilespmem:s31+$0xC30] =	vst v1;
	v0 =	vmax.f32 v0, $0.0e+00  }
0xe1: {  	[tilespmem:s31+$0xC40] =	vst v0;
	v0 =	vmax.f32 v2, $0.0e+00  }
0xe2: {  	[tilespmem:s31+$0xC50] =	vst v0;
	v0 =	vmax.f32 v4, $0.0e+00  }
0xe3: {  	[tilespmem:s31+$0xC60] =	vst v0;
	v0 =	vmax.f32 v5, $0.0e+00  }
0xe4: {  	s0 =	simm.s32 $0x0;
	[tilespmem:s31+$0xC70] =	vst v0  }
0xe5: {  	[hbm4b:s11+s0] =	stream.linear.scatter [tilespmem:s20], [sflag:$0x3], $0x8000, $0x38;
	[tilespmem:$0x10C00] =	vst v63  }
0xe6: {  	_ =	swait.ge [sflag:s23], $0x8000  }
0xe7: {  	[sflag:s23] =	ssyncset.done $0x0  }
0xe8: {  	s1 =	simm.s32 $0x800;
	[sflag:s23] =	ssyncadd.s32 $0xFFFF8000  }
0xe9: {  	[tilespmem:s20], [sflag:$0x1] =	stream.indirect.gather [hbm4b:s2+s19], $0x80, s1, s19, $0xb8;
	[tilespmem:$0x10C00] =	vst v63  }
0xea: {  	_ =	swait.ge [sflag:s25], $0x8000  }
0xeb: {  	[sflag:s25] =	ssyncset.done $0x0  }
0xec: {  	s31 =	simm.s32 $0x0;
	[sflag:s25] =	ssyncadd.s32 $0xFFFF8000  }
0xed: {  	v2 =	vld [tilespmem:s31+$0x8C00]  }
0xee: {  	v4 =	vld [tilespmem:s31+$0x8C10]  }
0xef: {  	v3 =	vld [tilespmem:s31+$0x8C20]  }
0xf0: {  	v1 =	vld [tilespmem:s31+$0x8C30]  }
0xf1: {  	v0 =	vld [tilespmem:s31+$0x8C40]  }
0xf2: {  	v5 =	vmax.f32 v2, $0.0e+00;
	v2 =	vld [tilespmem:s31+$0x8C50]  }
0xf3: {  	s1 =	simm.s32 $0x200;
	[tilespmem:s31+$0x8C00] =	vst v5;
	v5 =	vmax.f32 v4, $0.0e+00;
	v4 =	vld [tilespmem:s31+$0x8C60]  }
.LBB2_16:
0xf4: {  	s0 =	sshra.s32 s1, $0x2;
	p0 =	sne.s32 s1, $0x1FE00;
	[tilespmem:s31+$0x8C10] =	vst v5;
	v3 =	vmax.f32 v3, $0.0e+00;
	v5 =	vld [tilespmem:s31+$0x8C70]  }
0xf5: {  	v6 =	vld [tilespmem:s0+$0x8C00];
	[tilespmem:s31+$0x8C20] =	vst v3;
	v1 =	vmax.f32 v1, $0.0e+00  }
0xf6: {  	v7 =	vld [tilespmem:s0+$0x8C10];
	[tilespmem:s31+$0x8C30] =	vst v1;
	v0 =	vmax.f32 v0, $0.0e+00  }
.Ltmp7:
0xf7: {  	v3 =	vld [tilespmem:s0+$0x8C20];
	[tilespmem:s31+$0x8C40] =	vst v0;
	v0 =	vmax.f32 v2, $0.0e+00;
	(pc) =	sbr.rel @p0 .LBB2_16-.Ltmp7, $4  }
0xf8: {  	v1 =	vld [tilespmem:s0+$0x8C30];
	[tilespmem:s31+$0x8C50] =	vst v0;
	v2 =	vmax.f32 v4, $0.0e+00  }
0xf9: {  	v0 =	vld [tilespmem:s0+$0x8C40];
	[tilespmem:s31+$0x8C60] =	vst v2;
	v4 =	vmax.f32 v5, $0.0e+00  }
0xfa: {  	v5 =	vmax.f32 v6, $0.0e+00;
	v2 =	vld [tilespmem:s0+$0x8C50];
	[tilespmem:s31+$0x8C70] =	vst v4;
	s31 =	smov.u32 s0  }
0xfb: {  	s1 =	sadd.s32 $0x200, s1;
	[tilespmem:s31+$0x8C00] =	vst v5;
	v5 =	vmax.f32 v7, $0.0e+00;
	v4 =	vld [tilespmem:s31+$0x8C60]  }
0xfc: {  	[tilespmem:s31+$0x8C10] =	vst v5;
	v3 =	vmax.f32 v3, $0.0e+00;
	v5 =	vld [tilespmem:s31+$0x8C70]  }
0xfd: {  	[tilespmem:s31+$0x8C20] =	vst v3;
	v1 =	vmax.f32 v1, $0.0e+00  }
0xfe: {  	[tilespmem:s31+$0x8C30] =	vst v1;
	v0 =	vmax.f32 v0, $0.0e+00  }
0xff: {  	[tilespmem:s31+$0x8C40] =	vst v0;
	v0 =	vmax.f32 v2, $0.0e+00  }
0x100: {  	[tilespmem:s31+$0x8C50] =	vst v0;
	v0 =	vmax.f32 v4, $0.0e+00  }
0x101: {  	[tilespmem:s31+$0x8C60] =	vst v0;
	v0 =	vmax.f32 v5, $0.0e+00  }
0x102: {  	s0 =	simm.s32 $0x0;
	[tilespmem:s31+$0x8C70] =	vst v0  }
0x103: {  	[hbm4b:s12+s0] =	stream.linear.scatter [tilespmem:s21], [sflag:$0x4], $0x8000, $0x38;
	[tilespmem:$0x10C00] =	vst v63  }
0x104: {  	_ =	swait.ge [sflag:s26], $0x8000  }
0x105: {  	[sflag:s26] =	ssyncset.done $0x0  }
0x106: {  	[sflag:s26] =	ssyncadd.s32 $0xFFFF8000  }
0x107: {  	[tilespmem:s21], [sflag:$0x2] =	stream.indirect.gather [hbm4b:s2+s19], $0x80, s24, s19, $0xb8;
	[tilespmem:$0x10C00] =	vst v63  }
0x108: {  	_ =	swait.ge [sflag:s22], $0x8000  }
0x109: {  	[sflag:s22] =	ssyncset.done $0x0  }
0x10a: {  	s31 =	simm.s32 $0x0;
	[sflag:s22] =	ssyncadd.s32 $0xFFFF8000  }
0x10b: {  	v2 =	vld [tilespmem:s31+$0xC00]  }
0x10c: {  	v4 =	vld [tilespmem:s31+$0xC10]  }
0x10d: {  	v3 =	vld [tilespmem:s31+$0xC20]  }
0x10e: {  	v1 =	vld [tilespmem:s31+$0xC30]  }
0x10f: {  	v0 =	vld [tilespmem:s31+$0xC40]  }
0x110: {  	v5 =	vmax.f32 v2, $0.0e+00;
	v2 =	vld [tilespmem:s31+$0xC50]  }
0x111: {  	s1 =	simm.s32 $0x200;
	[tilespmem:s31+$0xC00] =	vst v5;
	v5 =	vmax.f32 v4, $0.0e+00;
	v4 =	vld [tilespmem:s31+$0xC60]  }
.LBB2_18:
0x112: {  	s0 =	sshra.s32 s1, $0x2;
	p0 =	sne.s32 s1, $0x1FE00;
	[tilespmem:s31+$0xC10] =	vst v5;
	v3 =	vmax.f32 v3, $0.0e+00;
	v5 =	vld [tilespmem:s31+$0xC70]  }
0x113: {  	v6 =	vld [tilespmem:s0+$0xC00];
	[tilespmem:s31+$0xC20] =	vst v3;
	v1 =	vmax.f32 v1, $0.0e+00  }
0x114: {  	v7 =	vld [tilespmem:s0+$0xC10];
	[tilespmem:s31+$0xC30] =	vst v1;
	v0 =	vmax.f32 v0, $0.0e+00  }
.Ltmp8:
0x115: {  	v3 =	vld [tilespmem:s0+$0xC20];
	[tilespmem:s31+$0xC40] =	vst v0;
	v0 =	vmax.f32 v2, $0.0e+00;
	(pc) =	sbr.rel @p0 .LBB2_18-.Ltmp8, $4  }
0x116: {  	v1 =	vld [tilespmem:s0+$0xC30];
	[tilespmem:s31+$0xC50] =	vst v0;
	v2 =	vmax.f32 v4, $0.0e+00  }
0x117: {  	v0 =	vld [tilespmem:s0+$0xC40];
	[tilespmem:s31+$0xC60] =	vst v2;
	v4 =	vmax.f32 v5, $0.0e+00  }
0x118: {  	v5 =	vmax.f32 v6, $0.0e+00;
	v2 =	vld [tilespmem:s0+$0xC50];
	[tilespmem:s31+$0xC70] =	vst v4;
	s31 =	smov.u32 s0  }
0x119: {  	s1 =	sadd.s32 $0x200, s1;
	[tilespmem:s31+$0xC00] =	vst v5;
	v5 =	vmax.f32 v7, $0.0e+00;
	v4 =	vld [tilespmem:s31+$0xC60]  }
0x11a: {  	[tilespmem:s31+$0xC10] =	vst v5;
	v3 =	vmax.f32 v3, $0.0e+00;
	v5 =	vld [tilespmem:s31+$0xC70]  }
0x11b: {  	[tilespmem:s31+$0xC20] =	vst v3;
	v1 =	vmax.f32 v1, $0.0e+00  }
0x11c: {  	[tilespmem:s31+$0xC30] =	vst v1;
	v0 =	vmax.f32 v0, $0.0e+00  }
0x11d: {  	[tilespmem:s31+$0xC40] =	vst v0;
	v0 =	vmax.f32 v2, $0.0e+00  }
0x11e: {  	[tilespmem:s31+$0xC50] =	vst v0;
	v0 =	vmax.f32 v4, $0.0e+00  }
0x11f: {  	[tilespmem:s31+$0xC60] =	vst v0;
	v0 =	vmax.f32 v5, $0.0e+00  }
0x120: {  	s0 =	simm.s32 $0x0;
	[tilespmem:s31+$0xC70] =	vst v0  }
0x121: {  	[hbm4b:s13+s0] =	stream.linear.scatter [tilespmem:s20], [sflag:$0x3], $0x8000, $0x38;
	[tilespmem:$0x10C00] =	vst v63  }
0x122: {  	_ =	swait.ge [sflag:s23], $0x8000  }
0x123: {  	[sflag:s23] =	ssyncset.done $0x0  }
0x124: {  	[sflag:s23] =	ssyncadd.s32 $0xFFFF8000  }
0x125: {  	[tilespmem:s20], [sflag:$0x1] =	stream.indirect.gather [hbm4b:s2+s19], $0x80, s28, s19, $0xb8;
	[tilespmem:$0x10C00] =	vst v63  }
0x126: {  	_ =	swait.ge [sflag:s25], $0x8000  }
0x127: {  	[sflag:s25] =	ssyncset.done $0x0  }
0x128: {  	s31 =	simm.s32 $0x0;
	[sflag:s25] =	ssyncadd.s32 $0xFFFF8000  }
0x129: {  	v2 =	vld [tilespmem:s31+$0x8C00]  }
0x12a: {  	v4 =	vld [tilespmem:s31+$0x8C10]  }
0x12b: {  	v3 =	vld [tilespmem:s31+$0x8C20]  }
0x12c: {  	v1 =	vld [tilespmem:s31+$0x8C30]  }
0x12d: {  	v0 =	vld [tilespmem:s31+$0x8C40]  }
0x12e: {  	v5 =	vmax.f32 v2, $0.0e+00;
	v2 =	vld [tilespmem:s31+$0x8C50]  }
0x12f: {  	s1 =	simm.s32 $0x200;
	[tilespmem:s31+$0x8C00] =	vst v5;
	v5 =	vmax.f32 v4, $0.0e+00;
	v4 =	vld [tilespmem:s31+$0x8C60]  }
.LBB2_20:
0x130: {  	s0 =	sshra.s32 s1, $0x2;
	p0 =	sne.s32 s1, $0x1FE00;
	[tilespmem:s31+$0x8C10] =	vst v5;
	v3 =	vmax.f32 v3, $0.0e+00;
	v5 =	vld [tilespmem:s31+$0x8C70]  }
0x131: {  	v6 =	vld [tilespmem:s0+$0x8C00];
	[tilespmem:s31+$0x8C20] =	vst v3;
	v1 =	vmax.f32 v1, $0.0e+00  }
0x132: {  	v7 =	vld [tilespmem:s0+$0x8C10];
	[tilespmem:s31+$0x8C30] =	vst v1;
	v0 =	vmax.f32 v0, $0.0e+00  }
.Ltmp9:
0x133: {  	v3 =	vld [tilespmem:s0+$0x8C20];
	[tilespmem:s31+$0x8C40] =	vst v0;
	v0 =	vmax.f32 v2, $0.0e+00;
	(pc) =	sbr.rel @p0 .LBB2_20-.Ltmp9, $4  }
0x134: {  	v1 =	vld [tilespmem:s0+$0x8C30];
	[tilespmem:s31+$0x8C50] =	vst v0;
	v2 =	vmax.f32 v4, $0.0e+00  }
0x135: {  	v0 =	vld [tilespmem:s0+$0x8C40];
	[tilespmem:s31+$0x8C60] =	vst v2;
	v4 =	vmax.f32 v5, $0.0e+00  }
0x136: {  	v5 =	vmax.f32 v6, $0.0e+00;
	v2 =	vld [tilespmem:s0+$0x8C50];
	[tilespmem:s31+$0x8C70] =	vst v4;
	s31 =	smov.u32 s0  }
0x137: {  	s1 =	sadd.s32 $0x200, s1;
	[tilespmem:s31+$0x8C00] =	vst v5;
	v5 =	vmax.f32 v7, $0.0e+00;
	v4 =	vld [tilespmem:s31+$0x8C60]  }
0x138: {  	[tilespmem:s31+$0x8C10] =	vst v5;
	v3 =	vmax.f32 v3, $0.0e+00;
	v5 =	vld [tilespmem:s31+$0x8C70]  }
0x139: {  	[tilespmem:s31+$0x8C20] =	vst v3;
	v1 =	vmax.f32 v1, $0.0e+00  }
0x13a: {  	[tilespmem:s31+$0x8C30] =	vst v1;
	v0 =	vmax.f32 v0, $0.0e+00  }
0x13b: {  	[tilespmem:s31+$0x8C40] =	vst v0;
	v0 =	vmax.f32 v2, $0.0e+00  }
0x13c: {  	[tilespmem:s31+$0x8C50] =	vst v0;
	v0 =	vmax.f32 v4, $0.0e+00  }
0x13d: {  	[tilespmem:s31+$0x8C60] =	vst v0;
	v0 =	vmax.f32 v5, $0.0e+00  }
0x13e: {  	s0 =	simm.s32 $0x0;
	[tilespmem:s31+$0x8C70] =	vst v0  }
0x13f: {  	[hbm4b:s14+s0] =	stream.linear.scatter [tilespmem:s21], [sflag:$0x4], $0x8000, $0x38;
	[tilespmem:$0x10C00] =	vst v63  }
0x140: {  	_ =	swait.ge [sflag:s26], $0x8000  }
0x141: {  	[sflag:s26] =	ssyncset.done $0x0  }
0x142: {  	[sflag:s26] =	ssyncadd.s32 $0xFFFF8000  }
0x143: {  	[tilespmem:s21], [sflag:$0x2] =	stream.indirect.gather [hbm4b:s2+s19], $0x80, s29, s19, $0xb8;
	[tilespmem:$0x10C00] =	vst v63  }
0x144: {  	_ =	swait.ge [sflag:s22], $0x8000  }
0x145: {  	[sflag:s22] =	ssyncset.done $0x0  }
0x146: {  	s31 =	simm.s32 $0x0;
	[sflag:s22] =	ssyncadd.s32 $0xFFFF8000  }
0x147: {  	v2 =	vld [tilespmem:s31+$0xC00]  }
0x148: {  	v4 =	vld [tilespmem:s31+$0xC10]  }
0x149: {  	v3 =	vld [tilespmem:s31+$0xC20]  }
0x14a: {  	v1 =	vld [tilespmem:s31+$0xC30]  }
0x14b: {  	v0 =	vld [tilespmem:s31+$0xC40]  }
0x14c: {  	v5 =	vmax.f32 v2, $0.0e+00;
	v2 =	vld [tilespmem:s31+$0xC50]  }
0x14d: {  	s1 =	simm.s32 $0x200;
	[tilespmem:s31+$0xC00] =	vst v5;
	v5 =	vmax.f32 v4, $0.0e+00;
	v4 =	vld [tilespmem:s31+$0xC60]  }
.LBB2_22:
0x14e: {  	s0 =	sshra.s32 s1, $0x2;
	p0 =	sne.s32 s1, $0x1FE00;
	[tilespmem:s31+$0xC10] =	vst v5;
	v3 =	vmax.f32 v3, $0.0e+00;
	v5 =	vld [tilespmem:s31+$0xC70]  }
0x14f: {  	v6 =	vld [tilespmem:s0+$0xC00];
	[tilespmem:s31+$0xC20] =	vst v3;
	v1 =	vmax.f32 v1, $0.0e+00  }
0x150: {  	v7 =	vld [tilespmem:s0+$0xC10];
	[tilespmem:s31+$0xC30] =	vst v1;
	v0 =	vmax.f32 v0, $0.0e+00  }
.Ltmp10:
0x151: {  	v3 =	vld [tilespmem:s0+$0xC20];
	[tilespmem:s31+$0xC40] =	vst v0;
	v0 =	vmax.f32 v2, $0.0e+00;
	(pc) =	sbr.rel @p0 .LBB2_22-.Ltmp10, $4  }
0x152: {  	v1 =	vld [tilespmem:s0+$0xC30];
	[tilespmem:s31+$0xC50] =	vst v0;
	v2 =	vmax.f32 v4, $0.0e+00  }
0x153: {  	v0 =	vld [tilespmem:s0+$0xC40];
	[tilespmem:s31+$0xC60] =	vst v2;
	v4 =	vmax.f32 v5, $0.0e+00  }
0x154: {  	v5 =	vmax.f32 v6, $0.0e+00;
	v2 =	vld [tilespmem:s0+$0xC50];
	[tilespmem:s31+$0xC70] =	vst v4;
	s31 =	smov.u32 s0  }
0x155: {  	s1 =	sadd.s32 $0x200, s1;
	[tilespmem:s31+$0xC00] =	vst v5;
	v5 =	vmax.f32 v7, $0.0e+00;
	v4 =	vld [tilespmem:s31+$0xC60]  }
0x156: {  	[tilespmem:s31+$0xC10] =	vst v5;
	v3 =	vmax.f32 v3, $0.0e+00;
	v5 =	vld [tilespmem:s31+$0xC70]  }
0x157: {  	[tilespmem:s31+$0xC20] =	vst v3;
	v1 =	vmax.f32 v1, $0.0e+00  }
0x158: {  	[tilespmem:s31+$0xC30] =	vst v1;
	v0 =	vmax.f32 v0, $0.0e+00  }
0x159: {  	[tilespmem:s31+$0xC40] =	vst v0;
	v0 =	vmax.f32 v2, $0.0e+00  }
0x15a: {  	[tilespmem:s31+$0xC50] =	vst v0;
	v0 =	vmax.f32 v4, $0.0e+00  }
0x15b: {  	[tilespmem:s31+$0xC60] =	vst v0;
	v0 =	vmax.f32 v5, $0.0e+00  }
0x15c: {  	s0 =	simm.s32 $0x0;
	[tilespmem:s31+$0xC70] =	vst v0  }
0x15d: {  	[hbm4b:s15+s0] =	stream.linear.scatter [tilespmem:s20], [sflag:$0x3], $0x8000, $0x38;
	[tilespmem:$0x10C00] =	vst v63  }
0x15e: {  	_ =	swait.ge [sflag:s25], $0x8000  }
0x15f: {  	[sflag:s25] =	ssyncset.done $0x0  }
0x160: {  	s31 =	simm.s32 $0x0;
	[sflag:s25] =	ssyncadd.s32 $0xFFFF8000  }
0x161: {  	v2 =	vld [tilespmem:s31+$0x8C00]  }
0x162: {  	v4 =	vld [tilespmem:s31+$0x8C10]  }
0x163: {  	v3 =	vld [tilespmem:s31+$0x8C20]  }
0x164: {  	v1 =	vld [tilespmem:s31+$0x8C30]  }
0x165: {  	v0 =	vld [tilespmem:s31+$0x8C40]  }
0x166: {  	v5 =	vmax.f32 v2, $0.0e+00;
	v2 =	vld [tilespmem:s31+$0x8C50]  }
0x167: {  	s1 =	simm.s32 $0x200;
	[tilespmem:s31+$0x8C00] =	vst v5;
	v5 =	vmax.f32 v4, $0.0e+00;
	v4 =	vld [tilespmem:s31+$0x8C60]  }
.LBB2_24:
0x168: {  	s0 =	sshra.s32 s1, $0x2;
	p0 =	sne.s32 s1, $0x1FE00;
	[tilespmem:s31+$0x8C10] =	vst v5;
	v3 =	vmax.f32 v3, $0.0e+00;
	v5 =	vld [tilespmem:s31+$0x8C70]  }
0x169: {  	v6 =	vld [tilespmem:s0+$0x8C00];
	[tilespmem:s31+$0x8C20] =	vst v3;
	v1 =	vmax.f32 v1, $0.0e+00  }
0x16a: {  	v7 =	vld [tilespmem:s0+$0x8C10];
	[tilespmem:s31+$0x8C30] =	vst v1;
	v0 =	vmax.f32 v0, $0.0e+00  }
.Ltmp11:
0x16b: {  	v3 =	vld [tilespmem:s0+$0x8C20];
	[tilespmem:s31+$0x8C40] =	vst v0;
	v0 =	vmax.f32 v2, $0.0e+00;
	(pc) =	sbr.rel @p0 .LBB2_24-.Ltmp11, $4  }
0x16c: {  	v1 =	vld [tilespmem:s0+$0x8C30];
	[tilespmem:s31+$0x8C50] =	vst v0;
	v2 =	vmax.f32 v4, $0.0e+00  }
0x16d: {  	v0 =	vld [tilespmem:s0+$0x8C40];
	[tilespmem:s31+$0x8C60] =	vst v2;
	v4 =	vmax.f32 v5, $0.0e+00  }
0x16e: {  	v5 =	vmax.f32 v6, $0.0e+00;
	v2 =	vld [tilespmem:s0+$0x8C50];
	[tilespmem:s31+$0x8C70] =	vst v4;
	s31 =	smov.u32 s0  }
0x16f: {  	s1 =	sadd.s32 $0x200, s1;
	[tilespmem:s31+$0x8C00] =	vst v5;
	v5 =	vmax.f32 v7, $0.0e+00;
	v4 =	vld [tilespmem:s31+$0x8C60]  }
0x170: {  	[tilespmem:s31+$0x8C10] =	vst v5;
	v3 =	vmax.f32 v3, $0.0e+00;
	v60 =	vld [tilespmem:s31+$0x8C70]  }
0x171: {  	[tilespmem:s31+$0x8C20] =	vst v3;
	v1 =	vmax.f32 v1, $0.0e+00  }
0x172: {  	[tilespmem:s31+$0x8C30] =	vst v1;
	v0 =	vmax.f32 v0, $0.0e+00  }
0x173: {  	[tilespmem:s31+$0x8C40] =	vst v0;
	v61 =	vmax.f32 v2, $0.0e+00  }
0x174: {  	[tilespmem:s31+$0x8C50] =	vst v61;
	v62 =	vmax.f32 v4, $0.0e+00  }
0x175: {  	[tilespmem:s31+$0x8C60] =	vst v62;
	v63 =	vmax.f32 v60, $0.0e+00  }
0x176: {  	s30 =	sadd.s32 $0x1, s30;
	[tilespmem:s31+$0x8C70] =	vst v63  }
0x177: {  	[hbm4b:s16+s3] =	stream.linear.scatter [tilespmem:s21], [sflag:$0x4], $0x8000, $0x38;
	[tilespmem:$0x10C00] =	vst v63  }
0x178: {  	p0 =	sne.s32 s30, s17;
	_ =	swait.ge [sflag:s23], $0x8000  }
.Ltmp12:
0x179: {  	[sflag:s23] =	ssyncset.done $0x0;
	(pc) =	sbr.rel @p0 .LBB2_1-.Ltmp12, $4  }
0x17a: {  	[sflag:s23] =	ssyncadd.s32 $0xFFFF8000  }
0x17b: {  	_ =	swait.ge [sflag:s26], $0x8000  }
0x17c: {  	[sflag:s26] =	ssyncset.done $0x0  }
0x17d: {  	[sflag:s26] =	ssyncadd.s32 $0xFFFF8000  }
0x17e: {  	_ =	sfence.sel $0x180000  }
0x17f: {  	[bflag:$0x0] =	sbarrier.arrive $0xFFFF  }
0x180: {  	_ =	strace $0x90000047  }
0x181: {  	s0 =	stileid.u32;
	[bflag:$0x2] =	sbarrier.arrive $0xFFFF  }
0x182: {  	p0 =	sne.s32 s0, $0x0;
	s0 =	rddreg [dreg:$0x3]  }
0x183: {  	s0 =	sadd.s32 @!p0 $0x100000, s0  }
0x184: {  	[sflag:s0] =	ssyncadd.tile.s32 @!p0 $0x1;
	_ =	shalt  }
.Lfunc_end2:
_tile_overlayer_lowered:
.L_overlay_start_2:
0x185: {  	(tag) =	ssettag $0x2  }
0x186: {  	s0 =	rddreg [dreg:$0x0];
	s2 =	stileid.u32  }
0x187: {  	s1 =	rddreg [dreg:$0x1];
	p0 =	sne.s32 s2, $0x0  }
0x188: {  	s3 =	rddreg [dreg:$0x2];
	[bflag:$0x3] =	sbarrier.arrive $0xFFFF;
	s2 =	simm.s32 @!p0 $0x1C05  }
0x189: {  	[timem:s3], [sflag:s2] =	dma.local @!p0 [hbm:s0], s1  }
0x18a: {  	s0 =	simm.s32 @!p0 $0x5  }
0x18b: {  	_ =	swait.ge @!p0 [sflag:s0], s1  }
0x18c: {  	s1 =	ssub.s32 @!p0 $0x0, s1;
	[sflag:s0] =	ssyncset.done @!p0 $0x0  }
0x18d: {  	[sflag:s0] =	ssyncadd.s32 @!p0 s1  }
0x18e: {  	[bflag:$0x3] =	sbarrier.arrive $0xFFFF  }
0x18f: {  	_ =	shalt  }

</sc_bundles>
